<compile_context>
chip_gen: v7x
topology: tpu7x:2x2x1
jax: 0.10.2.dev20260603
libtpu: 0.0.44.dev20260713+nightly
codegen_flags: <defaults>
</compile_context>

<pallas_src>
import functools

import jax
import jax.numpy as jnp
from jax import lax
from jax.experimental import pallas as pl
from jax.experimental.pallas import tpu as pltpu
from jax.experimental.pallas import tpu_sc as plsc

_N = 10000
_E = 320000
_NC = 2
_NS = 16
_NW = _NC * _NS
_CH = 1024
_C = 10
_EP = _NW * _C * _CH
_NP = 10240
_RPT = _NP // _NS

_mesh = plsc.VectorSubcoreMesh(core_axis_name="c", subcore_axis_name="s")
_sc_params = pltpu.CompilerParams(use_tc_tiling_on_sc=False)


@functools.partial(
    pl.kernel,
    mesh=_mesh,
    out_type=jax.ShapeDtypeStruct((_NC, _NP), jnp.float32),
    compiler_params=_sc_params,
    scratch_types=[
        pltpu.VMEM((_C, _CH), jnp.int32),
        pltpu.VMEM((_CH,), jnp.float32),
        pltpu.VMEM_SHARED((_NP,), jnp.float32),
    ],
)
def _deg_partials(dsts, zeros1, out, didx, ones_v, acc):
    cid = lax.axis_index("c")
    sid = lax.axis_index("s")
    w = cid * _NS + sid
    r0 = sid * _RPT
    for i in range(_CH // 16):
        ones_v[pl.ds(i * 16, 16)] = jnp.ones((16,), jnp.float32)
    pltpu.sync_copy(zeros1.at[pl.ds(r0, _RPT)], acc.at[pl.ds(r0, _RPT)])
    pltpu.sync_copy(dsts.at[w], didx)
    plsc.subcore_barrier()

    def body(j, carry):
        pltpu.sync_copy(ones_v, acc.at[didx.at[j]], add=True)
        return carry

    lax.fori_loop(0, _C, body, 0)
    plsc.subcore_barrier()
    pltpu.sync_copy(acc.at[pl.ds(r0, _RPT)], out.at[cid, pl.ds(r0, _RPT)])


def _make_agg(D):

    @functools.partial(
        pl.kernel,
        mesh=_mesh,
        out_type=jax.ShapeDtypeStruct((_NC, _NP, D), jnp.float32),
        compiler_params=_sc_params,
        scratch_types=[
            pltpu.VMEM((_C, _CH), jnp.int32),
            pltpu.VMEM((_C, _CH), jnp.int32),
            pltpu.VMEM((_CH, D), jnp.float32),
            pltpu.SemaphoreType.DMA,
            pltpu.VMEM_SHARED((_NP, D), jnp.float32),
            pltpu.VMEM_SHARED((_N, D), jnp.float32),
        ],
    )
    def agg(xw, srcs, dsts, zeros, out, sidx, didx, rows, sem, acc, table):
        cid = lax.axis_index("c")
        sid = lax.axis_index("s")
        w = cid * _NS + sid
        r0 = sid * _RPT
        t0 = sid * (_N // _NS)
        pltpu.sync_copy(xw.at[pl.ds(t0, _N // _NS)],
                        table.at[pl.ds(t0, _N // _NS)])
        pltpu.sync_copy(zeros.at[pl.ds(r0, _RPT)], acc.at[pl.ds(r0, _RPT)])
        pltpu.sync_copy(srcs.at[w], sidx)
        pltpu.sync_copy(dsts.at[w], didx)
        plsc.subcore_barrier()

        def body(j, carry):
            pltpu.async_copy(table.at[sidx.at[j]], rows, sem).wait()
            pltpu.sync_copy(rows, acc.at[didx.at[j]], add=True)
            return carry

        lax.fori_loop(0, _C, body, 0)
        plsc.subcore_barrier()
        pltpu.sync_copy(acc.at[pl.ds(r0, _RPT)],
                        out.at[cid, pl.ds(r0, _RPT)])

    return agg


def _make_agg_pair(D):

    @functools.partial(
        pl.kernel,
        mesh=_mesh,
        out_type=[jax.ShapeDtypeStruct((_NC, _NP, D), jnp.float32),
                  jax.ShapeDtypeStruct((_NC, _NP, D), jnp.float32)],
        compiler_params=_sc_params,
        scratch_types=[
            pltpu.VMEM((_C, _CH), jnp.int32),
            pltpu.VMEM((_C, _CH), jnp.int32),
            pltpu.VMEM((_CH, D), jnp.float32),
            pltpu.SemaphoreType.DMA,
            pltpu.VMEM_SHARED((_NP, D), jnp.float32),
            pltpu.VMEM_SHARED((_N, D), jnp.float32),
        ],
    )
    def agg(xwa, xwb, srcs, dsts, zeros, outa, outb,
            sidx, didx, rows, sem, acc, table):
        cid = lax.axis_index("c")
        sid = lax.axis_index("s")
        w = cid * _NS + sid
        r0 = sid * _RPT
        t0 = sid * (_N // _NS)
        pltpu.sync_copy(srcs.at[w], sidx)
        pltpu.sync_copy(dsts.at[w], didx)

        def body(j, carry):
            pltpu.async_copy(table.at[sidx.at[j]], rows, sem).wait()
            pltpu.sync_copy(rows, acc.at[didx.at[j]], add=True)
            return carry

        for xw, out in ((xwa, outa), (xwb, outb)):
            pltpu.sync_copy(xw.at[pl.ds(t0, _N // _NS)],
                            table.at[pl.ds(t0, _N // _NS)])
            pltpu.sync_copy(zeros.at[pl.ds(r0, _RPT)],
                            acc.at[pl.ds(r0, _RPT)])
            plsc.subcore_barrier()
            lax.fori_loop(0, _C, body, 0)
            plsc.subcore_barrier()
            pltpu.sync_copy(acc.at[pl.ds(r0, _RPT)],
                            out.at[cid, pl.ds(r0, _RPT)])

    return agg


_agg32x2 = _make_agg_pair(32)
_agg8 = _make_agg(8)

_BS = 1000


def _tc_xw1(x, W1, dg):
    def body(x_r, w_r, d0_r, d1_r, oa_r, ob_r):
        dis = lax.rsqrt(d0_r[0] + d1_r[0] + 1.0)
        xw = jnp.dot(x_r[...], w_r[...],
                     preferred_element_type=jnp.float32) * dis
        oa_r[...] = xw[:, :32]
        ob_r[...] = xw[:, 32:]

    return pl.pallas_call(
        body,
        grid=(_N // _BS,),
        in_specs=[
            pl.BlockSpec((_BS, 128), lambda i: (i, 0)),
            pl.BlockSpec((128, 64), lambda i: (0, 0)),
            pl.BlockSpec((1, _BS, 1), lambda i: (0, i, 0)),
            pl.BlockSpec((1, _BS, 1), lambda i: (1, i, 0)),
        ],
        out_specs=[pl.BlockSpec((_BS, 32), lambda i: (i, 0)),
                   pl.BlockSpec((_BS, 32), lambda i: (i, 0))],
        out_shape=[jax.ShapeDtypeStruct((_N, 32), jnp.float32),
                   jax.ShapeDtypeStruct((_N, 32), jnp.float32)],
    )(x, W1, dg, dg)


def _tc_mid(pa, pb, xwa, xwb, dg, W2, b1):
    def body(pa0_r, pa1_r, pb0_r, pb1_r, xwa_r, xwb_r,
             d0_r, d1_r, w2_r, b1_r, o_r):
        dis = lax.rsqrt(d0_r[0] + d1_r[0] + 1.0)
        tot = jnp.concatenate(
            [pa0_r[0] + pa1_r[0] + xwa_r[...],
             pb0_r[0] + pb1_r[0] + xwb_r[...]], axis=1)
        h = jnp.maximum(dis * tot + b1_r[...], 0.0)
        o_r[...] = jnp.dot(h, w2_r[...],
                           preferred_element_type=jnp.float32) * dis

    return pl.pallas_call(
        body,
        grid=(_N // _BS,),
        in_specs=[
            pl.BlockSpec((1, _BS, 32), lambda i: (0, i, 0)),
            pl.BlockSpec((1, _BS, 32), lambda i: (1, i, 0)),
            pl.BlockSpec((1, _BS, 32), lambda i: (0, i, 0)),
            pl.BlockSpec((1, _BS, 32), lambda i: (1, i, 0)),
            pl.BlockSpec((_BS, 32), lambda i: (i, 0)),
            pl.BlockSpec((_BS, 32), lambda i: (i, 0)),
            pl.BlockSpec((1, _BS, 1), lambda i: (0, i, 0)),
            pl.BlockSpec((1, _BS, 1), lambda i: (1, i, 0)),
            pl.BlockSpec((64, 8), lambda i: (0, 0)),
            pl.BlockSpec((1, 64), lambda i: (0, 0)),
        ],
        out_specs=pl.BlockSpec((_BS, 8), lambda i: (i, 0)),
        out_shape=jax.ShapeDtypeStruct((_N, 8), jnp.float32),
    )(pa, pa, pb, pb, xwa, xwb, dg, dg, W2, b1)


def _tc_final(q, xw2p, dg, b2):
    def body(q0_r, q1_r, xw_r, d0_r, d1_r, b2_r, o_r):
        dis = lax.rsqrt(d0_r[0] + d1_r[0] + 1.0)
        s = dis * (q0_r[0] + q1_r[0] + xw_r[...])
        o_r[...] = s[:, :2] + b2_r[...]

    return pl.pallas_call(
        body,
        grid=(_N // _BS,),
        in_specs=[
            pl.BlockSpec((1, _BS, 8), lambda i: (0, i, 0)),
            pl.BlockSpec((1, _BS, 8), lambda i: (1, i, 0)),
            pl.BlockSpec((_BS, 8), lambda i: (i, 0)),
            pl.BlockSpec((1, _BS, 1), lambda i: (0, i, 0)),
            pl.BlockSpec((1, _BS, 1), lambda i: (1, i, 0)),
            pl.BlockSpec((1, 2), lambda i: (0, 0)),
        ],
        out_specs=pl.BlockSpec((_BS, 2), lambda i: (i, 0)),
        out_shape=jax.ShapeDtypeStruct((_N, 2), jnp.float32),
    )(q, q, xw2p, dg, dg, b2)


def kernel(x, edge_index, W1, b1, W2, b2):
    src = edge_index[0]
    dst = edge_index[1]
    pad = _EP - _E
    srcs = jnp.concatenate(
        [src, jnp.zeros((pad,), jnp.int32)]).reshape(_NW, _C, _CH)
    dsts = jnp.concatenate(
        [dst, jnp.full((pad,), _N, jnp.int32)]).reshape(_NW, _C, _CH)
    z1 = jnp.zeros((_NP,), jnp.float32)
    z32 = jnp.zeros((_NP, 32), jnp.float32)
    z8 = jnp.zeros((_NP, 8), jnp.float32)
    W2p = jnp.zeros((64, 8), jnp.float32).at[:, :2].set(W2)

    degp = _deg_partials(dsts, z1)
    dg = degp.reshape(_NC, _NP, 1)

    xwa, xwb = _tc_xw1(x, W1, dg)
    pa, pb = _agg32x2(xwa, xwb, srcs, dsts, z32)
    xw2p = _tc_mid(pa, pb, xwa, xwb, dg,
                   W2p, b1.reshape(1, 64))
    q = _agg8(xw2p, srcs, dsts, z8)
    out = _tc_final(q, xw2p, dg, b2.reshape(1, 2))
    return out

# --- scband reference (transcript-rebuilt; emitter-appended) ---
"""Pipeline reference for scband-gcn-22651657519105 (READ-ONLY COPY).

The authoritative reference and input builder live on the scoring server;
editing this copy changes nothing except your own understanding.
"""

import jax, jax.numpy as jnp
import numpy as np

N_NODES = 10000
N_EDGES = 320000
D_IN = 128
D_HID = 64
D_OUT = 2


def setup_inputs(seed: int = 0) -> dict:
    key = jax.random.key(seed)
    k_x, k_e, k_w1, k_b1, k_w2, k_b2 = jax.random.split(key, 6)
    x = jax.random.normal(k_x, (N_NODES, D_IN), dtype=jnp.float32)
    edge_index = jax.random.randint(k_e, (2, N_EDGES), 0, N_NODES, dtype=jnp.int32)
    # Glorot-style init for GCNConv linear weights, zero bias (PyG default)
    s1 = (6.0 / (D_IN + D_HID)) ** 0.5
    W1 = jax.random.uniform(k_w1, (D_IN, D_HID), dtype=jnp.float32, minval=-s1, maxval=s1)
    b1 = jnp.zeros((D_HID,), dtype=jnp.float32)
    s2 = (6.0 / (D_HID + D_OUT)) ** 0.5
    W2 = jax.random.uniform(k_w2, (D_HID, D_OUT), dtype=jnp.float32, minval=-s2, maxval=s2)
    b2 = jnp.zeros((D_OUT,), dtype=jnp.float32)
    return {"x": x, "edge_index": edge_index, "W1": W1, "b1": b1, "W2": W2, "b2": b2}


def _gcn_conv(x, edge_index, W, b, num_nodes):
    # PyG GCNConv semantics: linear transform, add self-loops,
    # symmetric normalization D^-1/2 A D^-1/2, scatter-add aggregation, + bias
    src = edge_index[0]
    dst = edge_index[1]
    loop = jnp.arange(num_nodes, dtype=src.dtype)
    src = jnp.concatenate([src, loop])
    dst = jnp.concatenate([dst, loop])
    ones = jnp.ones(src.shape[0], dtype=jnp.float32)
    deg = jax.ops.segment_sum(ones, dst, num_segments=num_nodes)
    deg_inv_sqrt = jnp.where(deg > 0, deg ** -0.5, 0.0)
    norm = deg_inv_sqrt[src] * deg_inv_sqrt[dst]
    xw = x @ W
    msg = jnp.take(xw, src, axis=0) * norm[:, None]
    out = jax.ops.segment_sum(msg, dst, num_segments=num_nodes)
    return out + b


def reference(x, edge_index, W1, b1, W2, b2):
    h = _gcn_conv(x, edge_index, W1, b1, N_NODES)
    h = jax.nn.relu(h)
    # dropout is identity in eval mode (training=False)
    out = _gcn_conv(h, edge_index, W2, b2, N_NODES)
    return out

if __name__ == "__main__":
    import jax
    _d = setup_inputs()
    print(jax.jit(kernel)(*tuple(_d.values())))

</pallas_src>

<mosaic_0001>
#map = affine_map<(d0, d1) -> (0, 0)>
#map1 = affine_map<(d0, d1) -> (0, 0, 0)>
module attributes {stable_mosaic.version = 14 : i64} {
  func.func @agg(%arg0: i32, %arg1: i32, %arg2: memref<10000x8xf32, #tpu.memory_space<hbm>>, %arg3: memref<32x10x1024xi32, #tpu.memory_space<hbm>>, %arg4: memref<32x10x1024xi32, #tpu.memory_space<hbm>>, %arg5: memref<10240x8xf32, #tpu.memory_space<hbm>>, %arg6: memref<2x10240x8xf32, #tpu.memory_space<hbm>>, %arg7: memref<10x1024xi32, #tpu.memory_space<vmem>>, %arg8: memref<10x1024xi32, #tpu.memory_space<vmem>>, %arg9: memref<1024x8xf32, #tpu.memory_space<vmem>>, %arg10: memref<!tpu.dma_semaphore, #tpu.memory_space<semaphore_mem>>, %arg11: memref<10240x8xf32, #tpu.memory_space<vmem_shared>>, %arg12: memref<10000x8xf32, #tpu.memory_space<vmem_shared>>) attributes {dimension_semantics = [#tpu.dimension_semantics<core_parallel>, #tpu.dimension_semantics<subcore_parallel>], iteration_bounds = array<i64: 2, 16>, scalar_prefetch = 0 : i64, scratch_operands = 6 : i64, tpu.core_type = #tpu.core_type<sc_vector_subcore>, window_params = [{transform_indices = #map}, {transform_indices = #map1}, {transform_indices = #map1}, {transform_indices = #map}, {transform_indices = #map1}]} {
    %mul3A = arith.constant 16 : i32
    %mul3A_0 = arith.muli %arg0, %mul3A : i32
    %add3A = arith.addi %mul3A_0, %arg1 : i32
    %mul3A_1 = arith.constant 640 : i32
    %mul3A_2 = arith.muli %arg1, %mul3A_1 : i32
    %mul3A_3 = arith.constant 625 : i32
    %mul3A_4 = arith.muli %arg1, %mul3A_3 : i32
    "tpu.region"() ({
      %run_scoped3A = tpu.sem_alloc : memref<!tpu.dma_semaphore, #tpu.memory_space<semaphore_mem>>
      %dma_start3A = arith.constant 0 : i32
      %dma_start3A_11 = tpu.memref_slice %arg12[%mul3A_4, %dma_start3A] : memref<10000x8xf32, #tpu.memory_space<vmem_shared>> -> memref<625x8xf32, #tpu.memory_space<vmem_shared>>
      %dma_start3A_12 = arith.constant 0 : i32
      %dma_start3A_13 = tpu.memref_slice %arg2[%mul3A_4, %dma_start3A_12] : memref<10000x8xf32, #tpu.memory_space<hbm>> -> memref<625x8xf32, #tpu.memory_space<hbm>>
      tpu.enqueue_dma source(%dma_start3A_13 : memref<625x8xf32, #tpu.memory_space<hbm>>) target(%dma_start3A_11 : memref<625x8xf32, #tpu.memory_space<vmem_shared>>) target_semaphore(%run_scoped3A : memref<!tpu.dma_semaphore, #tpu.memory_space<semaphore_mem>>)
      %dma_wait3A = arith.constant 0 : i32
      %dma_wait3A_14 = tpu.memref_slice %arg12[%mul3A_4, %dma_wait3A] : memref<10000x8xf32, #tpu.memory_space<vmem_shared>> -> memref<625x8xf32, #tpu.memory_space<vmem_shared>>
      %dma_wait3A_15 = arith.constant 0 : i32
      %dma_wait3A_16 = tpu.memref_slice %arg2[%mul3A_4, %dma_wait3A_15] : memref<10000x8xf32, #tpu.memory_space<hbm>> -> memref<625x8xf32, #tpu.memory_space<hbm>>
      tpu.wait_dma2 semaphore(%run_scoped3A : memref<!tpu.dma_semaphore, #tpu.memory_space<semaphore_mem>>) src(%dma_wait3A_16 : memref<625x8xf32, #tpu.memory_space<hbm>>) dst(%dma_wait3A_14 : memref<625x8xf32, #tpu.memory_space<vmem_shared>>)
      tpu.yield
    }) : () -> ()
    "tpu.region"() ({
      %run_scoped3A = tpu.sem_alloc : memref<!tpu.dma_semaphore, #tpu.memory_space<semaphore_mem>>
      %dma_start3A = arith.constant 0 : i32
      %dma_start3A_11 = tpu.memref_slice %arg11[%mul3A_2, %dma_start3A] : memref<10240x8xf32, #tpu.memory_space<vmem_shared>> -> memref<640x8xf32, #tpu.memory_space<vmem_shared>>
      %dma_start3A_12 = arith.constant 0 : i32
      %dma_start3A_13 = tpu.memref_slice %arg5[%mul3A_2, %dma_start3A_12] : memref<10240x8xf32, #tpu.memory_space<hbm>> -> memref<640x8xf32, #tpu.memory_space<hbm>>
      tpu.enqueue_dma source(%dma_start3A_13 : memref<640x8xf32, #tpu.memory_space<hbm>>) target(%dma_start3A_11 : memref<640x8xf32, #tpu.memory_space<vmem_shared>>) target_semaphore(%run_scoped3A : memref<!tpu.dma_semaphore, #tpu.memory_space<semaphore_mem>>)
      %dma_wait3A = arith.constant 0 : i32
      %dma_wait3A_14 = tpu.memref_slice %arg11[%mul3A_2, %dma_wait3A] : memref<10240x8xf32, #tpu.memory_space<vmem_shared>> -> memref<640x8xf32, #tpu.memory_space<vmem_shared>>
      %dma_wait3A_15 = arith.constant 0 : i32
      %dma_wait3A_16 = tpu.memref_slice %arg5[%mul3A_2, %dma_wait3A_15] : memref<10240x8xf32, #tpu.memory_space<hbm>> -> memref<640x8xf32, #tpu.memory_space<hbm>>
      tpu.wait_dma2 semaphore(%run_scoped3A : memref<!tpu.dma_semaphore, #tpu.memory_space<semaphore_mem>>) src(%dma_wait3A_16 : memref<640x8xf32, #tpu.memory_space<hbm>>) dst(%dma_wait3A_14 : memref<640x8xf32, #tpu.memory_space<vmem_shared>>)
      tpu.yield
    }) : () -> ()
    "tpu.region"() ({
      %run_scoped3A = tpu.sem_alloc : memref<!tpu.dma_semaphore, #tpu.memory_space<semaphore_mem>>
      %dma_start3A = arith.constant 0 : i32
      %dma_start3A_11 = arith.constant 0 : i32
      %dma_start3A_12 = tpu.memref_slice %arg3[%add3A, %dma_start3A, %dma_start3A_11] : memref<32x10x1024xi32, #tpu.memory_space<hbm>> -> memref<1x10x1024xi32, #tpu.memory_space<hbm>>
      %dma_start3A_13 = tpu.memref_squeeze %dma_start3A_12 : memref<1x10x1024xi32, #tpu.memory_space<hbm>> -> memref<10x1024xi32, #tpu.memory_space<hbm>>
      %dma_start3A_14 = arith.constant 0 : i32
      %dma_start3A_15 = arith.constant 0 : i32
      %dma_start3A_16 = tpu.memref_slice %arg3[%add3A, %dma_start3A_14, %dma_start3A_15] : memref<32x10x1024xi32, #tpu.memory_space<hbm>> -> memref<1x10x1024xi32, #tpu.memory_space<hbm>>
      %dma_start3A_17 = tpu.memref_squeeze %dma_start3A_16 : memref<1x10x1024xi32, #tpu.memory_space<hbm>> -> memref<10x1024xi32, #tpu.memory_space<hbm>>
      tpu.enqueue_dma source(%dma_start3A_17 : memref<10x1024xi32, #tpu.memory_space<hbm>>) target(%arg7 : memref<10x1024xi32, #tpu.memory_space<vmem>>) target_semaphore(%run_scoped3A : memref<!tpu.dma_semaphore, #tpu.memory_space<semaphore_mem>>)
      %dma_wait3A = arith.constant 0 : i32
      %dma_wait3A_18 = arith.constant 0 : i32
      %dma_wait3A_19 = tpu.memref_slice %arg3[%add3A, %dma_wait3A, %dma_wait3A_18] : memref<32x10x1024xi32, #tpu.memory_space<hbm>> -> memref<1x10x1024xi32, #tpu.memory_space<hbm>>
      %dma_wait3A_20 = tpu.memref_squeeze %dma_wait3A_19 : memref<1x10x1024xi32, #tpu.memory_space<hbm>> -> memref<10x1024xi32, #tpu.memory_space<hbm>>
      %dma_wait3A_21 = arith.constant 0 : i32
      %dma_wait3A_22 = arith.constant 0 : i32
      %dma_wait3A_23 = tpu.memref_slice %arg3[%add3A, %dma_wait3A_21, %dma_wait3A_22] : memref<32x10x1024xi32, #tpu.memory_space<hbm>> -> memref<1x10x1024xi32, #tpu.memory_space<hbm>>
      %dma_wait3A_24 = tpu.memref_squeeze %dma_wait3A_23 : memref<1x10x1024xi32, #tpu.memory_space<hbm>> -> memref<10x1024xi32, #tpu.memory_space<hbm>>
      tpu.wait_dma2 semaphore(%run_scoped3A : memref<!tpu.dma_semaphore, #tpu.memory_space<semaphore_mem>>) src(%dma_wait3A_24 : memref<10x1024xi32, #tpu.memory_space<hbm>>) dst(%arg7 : memref<10x1024xi32, #tpu.memory_space<vmem>>)
      tpu.yield
    }) : () -> ()
    "tpu.region"() ({
      %run_scoped3A = tpu.sem_alloc : memref<!tpu.dma_semaphore, #tpu.memory_space<semaphore_mem>>
      %dma_start3A = arith.constant 0 : i32
      %dma_start3A_11 = arith.constant 0 : i32
      %dma_start3A_12 = tpu.memref_slice %arg4[%add3A, %dma_start3A, %dma_start3A_11] : memref<32x10x1024xi32, #tpu.memory_space<hbm>> -> memref<1x10x1024xi32, #tpu.memory_space<hbm>>
      %dma_start3A_13 = tpu.memref_squeeze %dma_start3A_12 : memref<1x10x1024xi32, #tpu.memory_space<hbm>> -> memref<10x1024xi32, #tpu.memory_space<hbm>>
      %dma_start3A_14 = arith.constant 0 : i32
      %dma_start3A_15 = arith.constant 0 : i32
      %dma_start3A_16 = tpu.memref_slice %arg4[%add3A, %dma_start3A_14, %dma_start3A_15] : memref<32x10x1024xi32, #tpu.memory_space<hbm>> -> memref<1x10x1024xi32, #tpu.memory_space<hbm>>
      %dma_start3A_17 = tpu.memref_squeeze %dma_start3A_16 : memref<1x10x1024xi32, #tpu.memory_space<hbm>> -> memref<10x1024xi32, #tpu.memory_space<hbm>>
      tpu.enqueue_dma source(%dma_start3A_17 : memref<10x1024xi32, #tpu.memory_space<hbm>>) target(%arg8 : memref<10x1024xi32, #tpu.memory_space<vmem>>) target_semaphore(%run_scoped3A : memref<!tpu.dma_semaphore, #tpu.memory_space<semaphore_mem>>)
      %dma_wait3A = arith.constant 0 : i32
      %dma_wait3A_18 = arith.constant 0 : i32
      %dma_wait3A_19 = tpu.memref_slice %arg4[%add3A, %dma_wait3A, %dma_wait3A_18] : memref<32x10x1024xi32, #tpu.memory_space<hbm>> -> memref<1x10x1024xi32, #tpu.memory_space<hbm>>
      %dma_wait3A_20 = tpu.memref_squeeze %dma_wait3A_19 : memref<1x10x1024xi32, #tpu.memory_space<hbm>> -> memref<10x1024xi32, #tpu.memory_space<hbm>>
      %dma_wait3A_21 = arith.constant 0 : i32
      %dma_wait3A_22 = arith.constant 0 : i32
      %dma_wait3A_23 = tpu.memref_slice %arg4[%add3A, %dma_wait3A_21, %dma_wait3A_22] : memref<32x10x1024xi32, #tpu.memory_space<hbm>> -> memref<1x10x1024xi32, #tpu.memory_space<hbm>>
      %dma_wait3A_24 = tpu.memref_squeeze %dma_wait3A_23 : memref<1x10x1024xi32, #tpu.memory_space<hbm>> -> memref<10x1024xi32, #tpu.memory_space<hbm>>
      tpu.wait_dma2 semaphore(%run_scoped3A : memref<!tpu.dma_semaphore, #tpu.memory_space<semaphore_mem>>) src(%dma_wait3A_24 : memref<10x1024xi32, #tpu.memory_space<hbm>>) dst(%arg8 : memref<10x1024xi32, #tpu.memory_space<vmem>>)
      tpu.yield
    }) : () -> ()
    %barrier3A = arith.constant 0 : index
    tpu.barrier barrier_id(%barrier3A)
    %scan3A = arith.constant 0 : i32
    %scan3A_5 = arith.constant 0 : i32
    %scan3A_6 = arith.constant 10 : i32
    %scan3A_7 = arith.addi %scan3A_5, %scan3A_6 : i32
    %scan3A_8 = arith.constant 1 : i32
    scf.for %scan3A_11 = %scan3A_5 to %scan3A_7 step %scan3A_8  : i32 {
      %dma_start3A = arith.constant 0 : i32
      %dma_start3A_12 = tpu.memref_slice %arg7[%scan3A_11, %dma_start3A] : memref<10x1024xi32, #tpu.memory_space<vmem>> -> memref<1x1024xi32, #tpu.memory_space<vmem>>
      %dma_start3A_13 = tpu.memref_squeeze %dma_start3A_12 : memref<1x1024xi32, #tpu.memory_space<vmem>> -> memref<1024xi32, #tpu.memory_space<vmem>>
      %dma_start3A_14 = arith.constant 0 : i32
      %dma_start3A_15 = arith.constant 0 : i32
      %dma_start3A_16 = tpu.memref_slice %arg12[%dma_start3A_14, %dma_start3A_15] : memref<10000x8xf32, #tpu.memory_space<vmem_shared>> -> memref<10000x8xf32, #tpu.memory_space<vmem_shared>>
      tpu.enqueue_indirect_dma source(%dma_start3A_16 : memref<10000x8xf32, #tpu.memory_space<vmem_shared>>) target(%arg9 : memref<1024x8xf32, #tpu.memory_space<vmem>>) offsets(%dma_start3A_13 : memref<1024xi32, #tpu.memory_space<vmem>>) semaphore(%arg10 : memref<!tpu.dma_semaphore, #tpu.memory_space<semaphore_mem>>)
      %dma_wait3A = arith.constant 0 : i32
      %dma_wait3A_17 = tpu.memref_slice %arg7[%scan3A_11, %dma_wait3A] : memref<10x1024xi32, #tpu.memory_space<vmem>> -> memref<1x1024xi32, #tpu.memory_space<vmem>>
      %dma_wait3A_18 = tpu.memref_squeeze %dma_wait3A_17 : memref<1x1024xi32, #tpu.memory_space<vmem>> -> memref<1024xi32, #tpu.memory_space<vmem>>
      %dma_wait3A_19 = arith.constant 0 : i32
      %dma_wait3A_20 = arith.constant 0 : i32
      %dma_wait3A_21 = tpu.memref_slice %arg12[%dma_wait3A_19, %dma_wait3A_20] : memref<10000x8xf32, #tpu.memory_space<vmem_shared>> -> memref<10000x8xf32, #tpu.memory_space<vmem_shared>>
      tpu.wait_indirect_dma semaphore(%arg10 : memref<!tpu.dma_semaphore, #tpu.memory_space<semaphore_mem>>) src(%dma_wait3A_21 : memref<10000x8xf32, #tpu.memory_space<vmem_shared>>) dst(%arg9 : memref<1024x8xf32, #tpu.memory_space<vmem>>)
      "tpu.region"() ({
        %run_scoped3A = tpu.sem_alloc : memref<!tpu.dma_semaphore, #tpu.memory_space<semaphore_mem>>
        %dma_start3A_22 = arith.constant 0 : i32
        %dma_start3A_23 = tpu.memref_slice %arg8[%scan3A_11, %dma_start3A_22] : memref<10x1024xi32, #tpu.memory_space<vmem>> -> memref<1x1024xi32, #tpu.memory_space<vmem>>
        %dma_start3A_24 = tpu.memref_squeeze %dma_start3A_23 : memref<1x1024xi32, #tpu.memory_space<vmem>> -> memref<1024xi32, #tpu.memory_space<vmem>>
        %dma_start3A_25 = arith.constant 0 : i32
        %dma_start3A_26 = arith.constant 0 : i32
        %dma_start3A_27 = tpu.memref_slice %arg11[%dma_start3A_25, %dma_start3A_26] : memref<10240x8xf32, #tpu.memory_space<vmem_shared>> -> memref<10240x8xf32, #tpu.memory_space<vmem_shared>>
        tpu.enqueue_indirect_dma source(%arg9 : memref<1024x8xf32, #tpu.memory_space<vmem>>) target(%dma_start3A_27 : memref<10240x8xf32, #tpu.memory_space<vmem_shared>>) offsets(%dma_start3A_24 : memref<1024xi32, #tpu.memory_space<vmem>>) semaphore(%run_scoped3A : memref<!tpu.dma_semaphore, #tpu.memory_space<semaphore_mem>>) {add = true}
        %dma_wait3A_28 = arith.constant 0 : i32
        %dma_wait3A_29 = tpu.memref_slice %arg8[%scan3A_11, %dma_wait3A_28] : memref<10x1024xi32, #tpu.memory_space<vmem>> -> memref<1x1024xi32, #tpu.memory_space<vmem>>
        %dma_wait3A_30 = tpu.memref_squeeze %dma_wait3A_29 : memref<1x1024xi32, #tpu.memory_space<vmem>> -> memref<1024xi32, #tpu.memory_space<vmem>>
        %dma_wait3A_31 = arith.constant 0 : i32
        %dma_wait3A_32 = arith.constant 0 : i32
        %dma_wait3A_33 = tpu.memref_slice %arg11[%dma_wait3A_31, %dma_wait3A_32] : memref<10240x8xf32, #tpu.memory_space<vmem_shared>> -> memref<10240x8xf32, #tpu.memory_space<vmem_shared>>
        tpu.wait_indirect_dma semaphore(%run_scoped3A : memref<!tpu.dma_semaphore, #tpu.memory_space<semaphore_mem>>) src(%arg9 : memref<1024x8xf32, #tpu.memory_space<vmem>>) dst(%dma_wait3A_33 : memref<10240x8xf32, #tpu.memory_space<vmem_shared>>)
        tpu.yield
      }) : () -> ()
    }
    %scan3A_9 = arith.constant 10 : i32
    %barrier3A_10 = arith.constant 0 : index
    tpu.barrier barrier_id(%barrier3A_10)
    "tpu.region"() ({
      %run_scoped3A = tpu.sem_alloc : memref<!tpu.dma_semaphore, #tpu.memory_space<semaphore_mem>>
      %dma_start3A = arith.constant 0 : i32
      %dma_start3A_11 = tpu.memref_slice %arg6[%arg0, %mul3A_2, %dma_start3A] : memref<2x10240x8xf32, #tpu.memory_space<hbm>> -> memref<1x640x8xf32, #tpu.memory_space<hbm>>
      %dma_start3A_12 = tpu.memref_squeeze %dma_start3A_11 : memref<1x640x8xf32, #tpu.memory_space<hbm>> -> memref<640x8xf32, #tpu.memory_space<hbm>>
      %dma_start3A_13 = arith.constant 0 : i32
      %dma_start3A_14 = tpu.memref_slice %arg11[%mul3A_2, %dma_start3A_13] : memref<10240x8xf32, #tpu.memory_space<vmem_shared>> -> memref<640x8xf32, #tpu.memory_space<vmem_shared>>
      tpu.enqueue_dma source(%dma_start3A_14 : memref<640x8xf32, #tpu.memory_space<vmem_shared>>) target(%dma_start3A_12 : memref<640x8xf32, #tpu.memory_space<hbm>>) target_semaphore(%run_scoped3A : memref<!tpu.dma_semaphore, #tpu.memory_space<semaphore_mem>>)
      %dma_wait3A = arith.constant 0 : i32
      %dma_wait3A_15 = tpu.memref_slice %arg6[%arg0, %mul3A_2, %dma_wait3A] : memref<2x10240x8xf32, #tpu.memory_space<hbm>> -> memref<1x640x8xf32, #tpu.memory_space<hbm>>
      %dma_wait3A_16 = tpu.memref_squeeze %dma_wait3A_15 : memref<1x640x8xf32, #tpu.memory_space<hbm>> -> memref<640x8xf32, #tpu.memory_space<hbm>>
      %dma_wait3A_17 = arith.constant 0 : i32
      %dma_wait3A_18 = tpu.memref_slice %arg11[%mul3A_2, %dma_wait3A_17] : memref<10240x8xf32, #tpu.memory_space<vmem_shared>> -> memref<640x8xf32, #tpu.memory_space<vmem_shared>>
      tpu.wait_dma2 semaphore(%run_scoped3A : memref<!tpu.dma_semaphore, #tpu.memory_space<semaphore_mem>>) src(%dma_wait3A_18 : memref<640x8xf32, #tpu.memory_space<vmem_shared>>) dst(%dma_wait3A_16 : memref<640x8xf32, #tpu.memory_space<hbm>>)
      tpu.yield
    }) : () -> ()
    return
  }
}

#map = affine_map<(d0, d1) -> (0, 0, 0)>
#map1 = affine_map<(d0, d1) -> (0)>
#map2 = affine_map<(d0, d1) -> (0, 0)>
module attributes {stable_mosaic.version = 14 : i64} {
  func.func @_deg_partials(%arg0: i32, %arg1: i32, %arg2: memref<32x10x1024xi32, #tpu.memory_space<hbm>>, %arg3: memref<10240xf32, #tpu.memory_space<hbm>>, %arg4: memref<2x10240xf32, #tpu.memory_space<hbm>>, %arg5: memref<10x1024xi32, #tpu.memory_space<vmem>>, %arg6: memref<1024xf32, #tpu.memory_space<vmem>>, %arg7: memref<10240xf32, #tpu.memory_space<vmem_shared>>) attributes {dimension_semantics = [#tpu.dimension_semantics<core_parallel>, #tpu.dimension_semantics<subcore_parallel>], iteration_bounds = array<i64: 2, 16>, scalar_prefetch = 0 : i64, scratch_operands = 3 : i64, tpu.core_type = #tpu.core_type<sc_vector_subcore>, window_params = [{transform_indices = #map}, {transform_indices = #map1}, {transform_indices = #map2}]} {
    %mul3A = arith.constant 16 : i32
    %mul3A_0 = arith.muli %arg0, %mul3A : i32
    %add3A = arith.addi %mul3A_0, %arg1 : i32
    %mul3A_1 = arith.constant 640 : i32
    %mul3A_2 = arith.muli %arg1, %mul3A_1 : i32
    %broadcast_in_dim3A = arith.constant 1.000000e+00 : f32
    %broadcast_in_dim3A_3 = vector.broadcast %broadcast_in_dim3A : f32 to vector<16xf32>
    %swap3A = arith.constant 0 : index
    %swap3A_4 = tpu.vector_load %arg6[%swap3A] {strides = array<i32>} : memref<1024xf32, #tpu.memory_space<vmem>>, vector<16xf32>,
    %swap3A_5 = vector.shape_cast %swap3A_4 : vector<16xf32> to vector<16xf32>
    %swap3A_6 = vector.shape_cast %broadcast_in_dim3A_3 : vector<16xf32> to vector<16xf32>
    tpu.vector_store %arg6[%swap3A], %swap3A_6 {strides = array<i32>} : memref<1024xf32, #tpu.memory_space<vmem>>, vector<16xf32>,
    %broadcast_in_dim3A_7 = arith.constant 1.000000e+00 : f32
    %broadcast_in_dim3A_8 = vector.broadcast %broadcast_in_dim3A_7 : f32 to vector<16xf32>
    %swap3A_9 = arith.constant 16 : index
    %swap3A_10 = tpu.vector_load %arg6[%swap3A_9] {strides = array<i32>} : memref<1024xf32, #tpu.memory_space<vmem>>, vector<16xf32>,
    %swap3A_11 = vector.shape_cast %swap3A_10 : vector<16xf32> to vector<16xf32>
    %swap3A_12 = vector.shape_cast %broadcast_in_dim3A_8 : vector<16xf32> to vector<16xf32>
    tpu.vector_store %arg6[%swap3A_9], %swap3A_12 {strides = array<i32>} : memref<1024xf32, #tpu.memory_space<vmem>>, vector<16xf32>,
    %broadcast_in_dim3A_13 = arith.constant 1.000000e+00 : f32
    %broadcast_in_dim3A_14 = vector.broadcast %broadcast_in_dim3A_13 : f32 to vector<16xf32>
    %swap3A_15 = arith.constant 32 : index
    %swap3A_16 = tpu.vector_load %arg6[%swap3A_15] {strides = array<i32>} : memref<1024xf32, #tpu.memory_space<vmem>>, vector<16xf32>,
    %swap3A_17 = vector.shape_cast %swap3A_16 : vector<16xf32> to vector<16xf32>
    %swap3A_18 = vector.shape_cast %broadcast_in_dim3A_14 : vector<16xf32> to vector<16xf32>
    tpu.vector_store %arg6[%swap3A_15], %swap3A_18 {strides = array<i32>} : memref<1024xf32, #tpu.memory_space<vmem>>, vector<16xf32>,
    %broadcast_in_dim3A_19 = arith.constant 1.000000e+00 : f32
    %broadcast_in_dim3A_20 = vector.broadcast %broadcast_in_dim3A_19 : f32 to vector<16xf32>
    %swap3A_21 = arith.constant 48 : index
    %swap3A_22 = tpu.vector_load %arg6[%swap3A_21] {strides = array<i32>} : memref<1024xf32, #tpu.memory_space<vmem>>, vector<16xf32>,
    %swap3A_23 = vector.shape_cast %swap3A_22 : vector<16xf32> to vector<16xf32>
    %swap3A_24 = vector.shape_cast %broadcast_in_dim3A_20 : vector<16xf32> to vector<16xf32>
    tpu.vector_store %arg6[%swap3A_21], %swap3A_24 {strides = array<i32>} : memref<1024xf32, #tpu.memory_space<vmem>>, vector<16xf32>,
    %broadcast_in_dim3A_25 = arith.constant 1.000000e+00 : f32
    %broadcast_in_dim3A_26 = vector.broadcast %broadcast_in_dim3A_25 : f32 to vector<16xf32>
    %swap3A_27 = arith.constant 64 : index
    %swap3A_28 = tpu.vector_load %arg6[%swap3A_27] {strides = array<i32>} : memref<1024xf32, #tpu.memory_space<vmem>>, vector<16xf32>,
    %swap3A_29 = vector.shape_cast %swap3A_28 : vector<16xf32> to vector<16xf32>
    %swap3A_30 = vector.shape_cast %broadcast_in_dim3A_26 : vector<16xf32> to vector<16xf32>
    tpu.vector_store %arg6[%swap3A_27], %swap3A_30 {strides = array<i32>} : memref<1024xf32, #tpu.memory_space<vmem>>, vector<16xf32>,
    %broadcast_in_dim3A_31 = arith.constant 1.000000e+00 : f32
    %broadcast_in_dim3A_32 = vector.broadcast %broadcast_in_dim3A_31 : f32 to vector<16xf32>
    %swap3A_33 = arith.constant 80 : index
    %swap3A_34 = tpu.vector_load %arg6[%swap3A_33] {strides = array<i32>} : memref<1024xf32, #tpu.memory_space<vmem>>, vector<16xf32>,
    %swap3A_35 = vector.shape_cast %swap3A_34 : vector<16xf32> to vector<16xf32>
    %swap3A_36 = vector.shape_cast %broadcast_in_dim3A_32 : vector<16xf32> to vector<16xf32>
    tpu.vector_store %arg6[%swap3A_33], %swap3A_36 {strides = array<i32>} : memref<1024xf32, #tpu.memory_space<vmem>>, vector<16xf32>,
    %broadcast_in_dim3A_37 = arith.constant 1.000000e+00 : f32
    %broadcast_in_dim3A_38 = vector.broadcast %broadcast_in_dim3A_37 : f32 to vector<16xf32>
    %swap3A_39 = arith.constant 96 : index
    %swap3A_40 = tpu.vector_load %arg6[%swap3A_39] {strides = array<i32>} : memref<1024xf32, #tpu.memory_space<vmem>>, vector<16xf32>,
    %swap3A_41 = vector.shape_cast %swap3A_40 : vector<16xf32> to vector<16xf32>
    %swap3A_42 = vector.shape_cast %broadcast_in_dim3A_38 : vector<16xf32> to vector<16xf32>
    tpu.vector_store %arg6[%swap3A_39], %swap3A_42 {strides = array<i32>} : memref<1024xf32, #tpu.memory_space<vmem>>, vector<16xf32>,
    %broadcast_in_dim3A_43 = arith.constant 1.000000e+00 : f32
    %broadcast_in_dim3A_44 = vector.broadcast %broadcast_in_dim3A_43 : f32 to vector<16xf32>
    %swap3A_45 = arith.constant 112 : index
    %swap3A_46 = tpu.vector_load %arg6[%swap3A_45] {strides = array<i32>} : memref<1024xf32, #tpu.memory_space<vmem>>, vector<16xf32>,
    %swap3A_47 = vector.shape_cast %swap3A_46 : vector<16xf32> to vector<16xf32>
    %swap3A_48 = vector.shape_cast %broadcast_in_dim3A_44 : vector<16xf32> to vector<16xf32>
    tpu.vector_store %arg6[%swap3A_45], %swap3A_48 {strides = array<i32>} : memref<1024xf32, #tpu.memory_space<vmem>>, vector<16xf32>,
    %broadcast_in_dim3A_49 = arith.constant 1.000000e+00 : f32
    %broadcast_in_dim3A_50 = vector.broadcast %broadcast_in_dim3A_49 : f32 to vector<16xf32>
    %swap3A_51 = arith.constant 128 : index
    %swap3A_52 = tpu.vector_load %arg6[%swap3A_51] {strides = array<i32>} : memref<1024xf32, #tpu.memory_space<vmem>>, vector<16xf32>,
    %swap3A_53 = vector.shape_cast %swap3A_52 : vector<16xf32> to vector<16xf32>
    %swap3A_54 = vector.shape_cast %broadcast_in_dim3A_50 : vector<16xf32> to vector<16xf32>
    tpu.vector_store %arg6[%swap3A_51], %swap3A_54 {strides = array<i32>} : memref<1024xf32, #tpu.memory_space<vmem>>, vector<16xf32>,
    %broadcast_in_dim3A_55 = arith.constant 1.000000e+00 : f32
    %broadcast_in_dim3A_56 = vector.broadcast %broadcast_in_dim3A_55 : f32 to vector<16xf32>
    %swap3A_57 = arith.constant 144 : index
    %swap3A_58 = tpu.vector_load %arg6[%swap3A_57] {strides = array<i32>} : memref<1024xf32, #tpu.memory_space<vmem>>, vector<16xf32>,
    %swap3A_59 = vector.shape_cast %swap3A_58 : vector<16xf32> to vector<16xf32>
    %swap3A_60 = vector.shape_cast %broadcast_in_dim3A_56 : vector<16xf32> to vector<16xf32>
    tpu.vector_store %arg6[%swap3A_57], %swap3A_60 {strides = array<i32>} : memref<1024xf32, #tpu.memory_space<vmem>>, vector<16xf32>,
    %broadcast_in_dim3A_61 = arith.constant 1.000000e+00 : f32
    %broadcast_in_dim3A_62 = vector.broadcast %broadcast_in_dim3A_61 : f32 to vector<16xf32>
    %swap3A_63 = arith.constant 160 : index
    %swap3A_64 = tpu.vector_load %arg6[%swap3A_63] {strides = array<i32>} : memref<1024xf32, #tpu.memory_space<vmem>>, vector<16xf32>,
    %swap3A_65 = vector.shape_cast %swap3A_64 : vector<16xf32> to vector<16xf32>
    %swap3A_66 = vector.shape_cast %broadcast_in_dim3A_62 : vector<16xf32> to vector<16xf32>
    tpu.vector_store %arg6[%swap3A_63], %swap3A_66 {strides = array<i32>} : memref<1024xf32, #tpu.memory_space<vmem>>, vector<16xf32>,
    %broadcast_in_dim3A_67 = arith.constant 1.000000e+00 : f32
    %broadcast_in_dim3A_68 = vector.broadcast %broadcast_in_dim3A_67 : f32 to vector<16xf32>
    %swap3A_69 = arith.constant 176 : index
    %swap3A_70 = tpu.vector_load %arg6[%swap3A_69] {strides = array<i32>} : memref<1024xf32, #tpu.memory_space<vmem>>, vector<16xf32>,
    %swap3A_71 = vector.shape_cast %swap3A_70 : vector<16xf32> to vector<16xf32>
    %swap3A_72 = vector.shape_cast %broadcast_in_dim3A_68 : vector<16xf32> to vector<16xf32>
    tpu.vector_store %arg6[%swap3A_69], %swap3A_72 {strides = array<i32>} : memref<1024xf32, #tpu.memory_space<vmem>>, vector<16xf32>,
    %broadcast_in_dim3A_73 = arith.constant 1.000000e+00 : f32
    %broadcast_in_dim3A_74 = vector.broadcast %broadcast_in_dim3A_73 : f32 to vector<16xf32>
    %swap3A_75 = arith.constant 192 : index
    %swap3A_76 = tpu.vector_load %arg6[%swap3A_75] {strides = array<i32>} : memref<1024xf32, #tpu.memory_space<vmem>>, vector<16xf32>,
    %swap3A_77 = vector.shape_cast %swap3A_76 : vector<16xf32> to vector<16xf32>
    %swap3A_78 = vector.shape_cast %broadcast_in_dim3A_74 : vector<16xf32> to vector<16xf32>
    tpu.vector_store %arg6[%swap3A_75], %swap3A_78 {strides = array<i32>} : memref<1024xf32, #tpu.memory_space<vmem>>, vector<16xf32>,
    %broadcast_in_dim3A_79 = arith.constant 1.000000e+00 : f32
    %broadcast_in_dim3A_80 = vector.broadcast %broadcast_in_dim3A_79 : f32 to vector<16xf32>
    %swap3A_81 = arith.constant 208 : index
    %swap3A_82 = tpu.vector_load %arg6[%swap3A_81] {strides = array<i32>} : memref<1024xf32, #tpu.memory_space<vmem>>, vector<16xf32>,
    %swap3A_83 = vector.shape_cast %swap3A_82 : vector<16xf32> to vector<16xf32>
    %swap3A_84 = vector.shape_cast %broadcast_in_dim3A_80 : vector<16xf32> to vector<16xf32>
    tpu.vector_store %arg6[%swap3A_81], %swap3A_84 {strides = array<i32>} : memref<1024xf32, #tpu.memory_space<vmem>>, vector<16xf32>,
    %broadcast_in_dim3A_85 = arith.constant 1.000000e+00 : f32
    %broadcast_in_dim3A_86 = vector.broadcast %broadcast_in_dim3A_85 : f32 to vector<16xf32>
    %swap3A_87 = arith.constant 224 : index
    %swap3A_88 = tpu.vector_load %arg6[%swap3A_87] {strides = array<i32>} : memref<1024xf32, #tpu.memory_space<vmem>>, vector<16xf32>,
    %swap3A_89 = vector.shape_cast %swap3A_88 : vector<16xf32> to vector<16xf32>
    %swap3A_90 = vector.shape_cast %broadcast_in_dim3A_86 : vector<16xf32> to vector<16xf32>
    tpu.vector_store %arg6[%swap3A_87], %swap3A_90 {strides = array<i32>} : memref<1024xf32, #tpu.memory_space<vmem>>, vector<16xf32>,
    %broadcast_in_dim3A_91 = arith.constant 1.000000e+00 : f32
    %broadcast_in_dim3A_92 = vector.broadcast %broadcast_in_dim3A_91 : f32 to vector<16xf32>
    %swap3A_93 = arith.constant 240 : index
    %swap3A_94 = tpu.vector_load %arg6[%swap3A_93] {strides = array<i32>} : memref<1024xf32, #tpu.memory_space<vmem>>, vector<16xf32>,
    %swap3A_95 = vector.shape_cast %swap3A_94 : vector<16xf32> to vector<16xf32>
    %swap3A_96 = vector.shape_cast %broadcast_in_dim3A_92 : vector<16xf32> to vector<16xf32>
    tpu.vector_store %arg6[%swap3A_93], %swap3A_96 {strides = array<i32>} : memref<1024xf32, #tpu.memory_space<vmem>>, vector<16xf32>,
    %broadcast_in_dim3A_97 = arith.constant 1.000000e+00 : f32
    %broadcast_in_dim3A_98 = vector.broadcast %broadcast_in_dim3A_97 : f32 to vector<16xf32>
    %swap3A_99 = arith.constant 256 : index
    %swap3A_100 = tpu.vector_load %arg6[%swap3A_99] {strides = array<i32>} : memref<1024xf32, #tpu.memory_space<vmem>>, vector<16xf32>,
    %swap3A_101 = vector.shape_cast %swap3A_100 : vector<16xf32> to vector<16xf32>
    %swap3A_102 = vector.shape_cast %broadcast_in_dim3A_98 : vector<16xf32> to vector<16xf32>
    tpu.vector_store %arg6[%swap3A_99], %swap3A_102 {strides = array<i32>} : memref<1024xf32, #tpu.memory_space<vmem>>, vector<16xf32>,
    %broadcast_in_dim3A_103 = arith.constant 1.000000e+00 : f32
    %broadcast_in_dim3A_104 = vector.broadcast %broadcast_in_dim3A_103 : f32 to vector<16xf32>
    %swap3A_105 = arith.constant 272 : index
    %swap3A_106 = tpu.vector_load %arg6[%swap3A_105] {strides = array<i32>} : memref<1024xf32, #tpu.memory_space<vmem>>, vector<16xf32>,
    %swap3A_107 = vector.shape_cast %swap3A_106 : vector<16xf32> to vector<16xf32>
    %swap3A_108 = vector.shape_cast %broadcast_in_dim3A_104 : vector<16xf32> to vector<16xf32>
    tpu.vector_store %arg6[%swap3A_105], %swap3A_108 {strides = array<i32>} : memref<1024xf32, #tpu.memory_space<vmem>>, vector<16xf32>,
    %broadcast_in_dim3A_109 = arith.constant 1.000000e+00 : f32
    %broadcast_in_dim3A_110 = vector.broadcast %broadcast_in_dim3A_109 : f32 to vector<16xf32>
    %swap3A_111 = arith.constant 288 : index
    %swap3A_112 = tpu.vector_load %arg6[%swap3A_111] {strides = array<i32>} : memref<1024xf32, #tpu.memory_space<vmem>>, vector<16xf32>,
    %swap3A_113 = vector.shape_cast %swap3A_112 : vector<16xf32> to vector<16xf32>
    %swap3A_114 = vector.shape_cast %broadcast_in_dim3A_110 : vector<16xf32> to vector<16xf32>
    tpu.vector_store %arg6[%swap3A_111], %swap3A_114 {strides = array<i32>} : memref<1024xf32, #tpu.memory_space<vmem>>, vector<16xf32>,
    %broadcast_in_dim3A_115 = arith.constant 1.000000e+00 : f32
    %broadcast_in_dim3A_116 = vector.broadcast %broadcast_in_dim3A_115 : f32 to vector<16xf32>
    %swap3A_117 = arith.constant 304 : index
    %swap3A_118 = tpu.vector_load %arg6[%swap3A_117] {strides = array<i32>} : memref<1024xf32, #tpu.memory_space<vmem>>, vector<16xf32>,
    %swap3A_119 = vector.shape_cast %swap3A_118 : vector<16xf32> to vector<16xf32>
    %swap3A_120 = vector.shape_cast %broadcast_in_dim3A_116 : vector<16xf32> to vector<16xf32>
    tpu.vector_store %arg6[%swap3A_117], %swap3A_120 {strides = array<i32>} : memref<1024xf32, #tpu.memory_space<vmem>>, vector<16xf32>,
    %broadcast_in_dim3A_121 = arith.constant 1.000000e+00 : f32
    %broadcast_in_dim3A_122 = vector.broadcast %broadcast_in_dim3A_121 : f32 to vector<16xf32>
    %swap3A_123 = arith.constant 320 : index
    %swap3A_124 = tpu.vector_load %arg6[%swap3A_123] {strides = array<i32>} : memref<1024xf32, #tpu.memory_space<vmem>>, vector<16xf32>,
    %swap3A_125 = vector.shape_cast %swap3A_124 : vector<16xf32> to vector<16xf32>
    %swap3A_126 = vector.shape_cast %broadcast_in_dim3A_122 : vector<16xf32> to vector<16xf32>
    tpu.vector_store %arg6[%swap3A_123], %swap3A_126 {strides = array<i32>} : memref<1024xf32, #tpu.memory_space<vmem>>, vector<16xf32>,
    %broadcast_in_dim3A_127 = arith.constant 1.000000e+00 : f32
    %broadcast_in_dim3A_128 = vector.broadcast %broadcast_in_dim3A_127 : f32 to vector<16xf32>
    %swap3A_129 = arith.constant 336 : index
    %swap3A_130 = tpu.vector_load %arg6[%swap3A_129] {strides = array<i32>} : memref<1024xf32, #tpu.memory_space<vmem>>, vector<16xf32>,
    %swap3A_131 = vector.shape_cast %swap3A_130 : vector<16xf32> to vector<16xf32>
    %swap3A_132 = vector.shape_cast %broadcast_in_dim3A_128 : vector<16xf32> to vector<16xf32>
    tpu.vector_store %arg6[%swap3A_129], %swap3A_132 {strides = array<i32>} : memref<1024xf32, #tpu.memory_space<vmem>>, vector<16xf32>,
    %broadcast_in_dim3A_133 = arith.constant 1.000000e+00 : f32
    %broadcast_in_dim3A_134 = vector.broadcast %broadcast_in_dim3A_133 : f32 to vector<16xf32>
    %swap3A_135 = arith.constant 352 : index
    %swap3A_136 = tpu.vector_load %arg6[%swap3A_135] {strides = array<i32>} : memref<1024xf32, #tpu.memory_space<vmem>>, vector<16xf32>,
    %swap3A_137 = vector.shape_cast %swap3A_136 : vector<16xf32> to vector<16xf32>
    %swap3A_138 = vector.shape_cast %broadcast_in_dim3A_134 : vector<16xf32> to vector<16xf32>
    tpu.vector_store %arg6[%swap3A_135], %swap3A_138 {strides = array<i32>} : memref<1024xf32, #tpu.memory_space<vmem>>, vector<16xf32>,
    %broadcast_in_dim3A_139 = arith.constant 1.000000e+00 : f32
    %broadcast_in_dim3A_140 = vector.broadcast %broadcast_in_dim3A_139 : f32 to vector<16xf32>
    %swap3A_141 = arith.constant 368 : index
    %swap3A_142 = tpu.vector_load %arg6[%swap3A_141] {strides = array<i32>} : memref<1024xf32, #tpu.memory_space<vmem>>, vector<16xf32>,
    %swap3A_143 = vector.shape_cast %swap3A_142 : vector<16xf32> to vector<16xf32>
    %swap3A_144 = vector.shape_cast %broadcast_in_dim3A_140 : vector<16xf32> to vector<16xf32>
    tpu.vector_store %arg6[%swap3A_141], %swap3A_144 {strides = array<i32>} : memref<1024xf32, #tpu.memory_space<vmem>>, vector<16xf32>,
    %broadcast_in_dim3A_145 = arith.constant 1.000000e+00 : f32
    %broadcast_in_dim3A_146 = vector.broadcast %broadcast_in_dim3A_145 : f32 to vector<16xf32>
    %swap3A_147 = arith.constant 384 : index
    %swap3A_148 = tpu.vector_load %arg6[%swap3A_147] {strides = array<i32>} : memref<1024xf32, #tpu.memory_space<vmem>>, vector<16xf32>,
    %swap3A_149 = vector.shape_cast %swap3A_148 : vector<16xf32> to vector<16xf32>
    %swap3A_150 = vector.shape_cast %broadcast_in_dim3A_146 : vector<16xf32> to vector<16xf32>
    tpu.vector_store %arg6[%swap3A_147], %swap3A_150 {strides = array<i32>} : memref<1024xf32, #tpu.memory_space<vmem>>, vector<16xf32>,
    %broadcast_in_dim3A_151 = arith.constant 1.000000e+00 : f32
    %broadcast_in_dim3A_152 = vector.broadcast %broadcast_in_dim3A_151 : f32 to vector<16xf32>
    %swap3A_153 = arith.constant 400 : index
    %swap3A_154 = tpu.vector_load %arg6[%swap3A_153] {strides = array<i32>} : memref<1024xf32, #tpu.memory_space<vmem>>, vector<16xf32>,
    %swap3A_155 = vector.shape_cast %swap3A_154 : vector<16xf32> to vector<16xf32>
    %swap3A_156 = vector.shape_cast %broadcast_in_dim3A_152 : vector<16xf32> to vector<16xf32>
    tpu.vector_store %arg6[%swap3A_153], %swap3A_156 {strides = array<i32>} : memref<1024xf32, #tpu.memory_space<vmem>>, vector<16xf32>,
    %broadcast_in_dim3A_157 = arith.constant 1.000000e+00 : f32
    %broadcast_in_dim3A_158 = vector.broadcast %broadcast_in_dim3A_157 : f32 to vector<16xf32>
    %swap3A_159 = arith.constant 416 : index
    %swap3A_160 = tpu.vector_load %arg6[%swap3A_159] {strides = array<i32>} : memref<1024xf32, #tpu.memory_space<vmem>>, vector<16xf32>,
    %swap3A_161 = vector.shape_cast %swap3A_160 : vector<16xf32> to vector<16xf32>
    %swap3A_162 = vector.shape_cast %broadcast_in_dim3A_158 : vector<16xf32> to vector<16xf32>
    tpu.vector_store %arg6[%swap3A_159], %swap3A_162 {strides = array<i32>} : memref<1024xf32, #tpu.memory_space<vmem>>, vector<16xf32>,
    %broadcast_in_dim3A_163 = arith.constant 1.000000e+00 : f32
    %broadcast_in_dim3A_164 = vector.broadcast %broadcast_in_dim3A_163 : f32 to vector<16xf32>
    %swap3A_165 = arith.constant 432 : index
    %swap3A_166 = tpu.vector_load %arg6[%swap3A_165] {strides = array<i32>} : memref<1024xf32, #tpu.memory_space<vmem>>, vector<16xf32>,
    %swap3A_167 = vector.shape_cast %swap3A_166 : vector<16xf32> to vector<16xf32>
    %swap3A_168 = vector.shape_cast %broadcast_in_dim3A_164 : vector<16xf32> to vector<16xf32>
    tpu.vector_store %arg6[%swap3A_165], %swap3A_168 {strides = array<i32>} : memref<1024xf32, #tpu.memory_space<vmem>>, vector<16xf32>,
    %broadcast_in_dim3A_169 = arith.constant 1.000000e+00 : f32
    %broadcast_in_dim3A_170 = vector.broadcast %broadcast_in_dim3A_169 : f32 to vector<16xf32>
    %swap3A_171 = arith.constant 448 : index
    %swap3A_172 = tpu.vector_load %arg6[%swap3A_171] {strides = array<i32>} : memref<1024xf32, #tpu.memory_space<vmem>>, vector<16xf32>,
    %swap3A_173 = vector.shape_cast %swap3A_172 : vector<16xf32> to vector<16xf32>
    %swap3A_174 = vector.shape_cast %broadcast_in_dim3A_170 : vector<16xf32> to vector<16xf32>
    tpu.vector_store %arg6[%swap3A_171], %swap3A_174 {strides = array<i32>} : memref<1024xf32, #tpu.memory_space<vmem>>, vector<16xf32>,
    %broadcast_in_dim3A_175 = arith.constant 1.000000e+00 : f32
    %broadcast_in_dim3A_176 = vector.broadcast %broadcast_in_dim3A_175 : f32 to vector<16xf32>
    %swap3A_177 = arith.constant 464 : index
    %swap3A_178 = tpu.vector_load %arg6[%swap3A_177] {strides = array<i32>} : memref<1024xf32, #tpu.memory_space<vmem>>, vector<16xf32>,
    %swap3A_179 = vector.shape_cast %swap3A_178 : vector<16xf32> to vector<16xf32>
    %swap3A_180 = vector.shape_cast %broadcast_in_dim3A_176 : vector<16xf32> to vector<16xf32>
    tpu.vector_store %arg6[%swap3A_177], %swap3A_180 {strides = array<i32>} : memref<1024xf32, #tpu.memory_space<vmem>>, vector<16xf32>,
    %broadcast_in_dim3A_181 = arith.constant 1.000000e+00 : f32
    %broadcast_in_dim3A_182 = vector.broadcast %broadcast_in_dim3A_181 : f32 to vector<16xf32>
    %swap3A_183 = arith.constant 480 : index
    %swap3A_184 = tpu.vector_load %arg6[%swap3A_183] {strides = array<i32>} : memref<1024xf32, #tpu.memory_space<vmem>>, vector<16xf32>,
    %swap3A_185 = vector.shape_cast %swap3A_184 : vector<16xf32> to vector<16xf32>
    %swap3A_186 = vector.shape_cast %broadcast_in_dim3A_182 : vector<16xf32> to vector<16xf32>
    tpu.vector_store %arg6[%swap3A_183], %swap3A_186 {strides = array<i32>} : memref<1024xf32, #tpu.memory_space<vmem>>, vector<16xf32>,
    %broadcast_in_dim3A_187 = arith.constant 1.000000e+00 : f32
    %broadcast_in_dim3A_188 = vector.broadcast %broadcast_in_dim3A_187 : f32 to vector<16xf32>
    %swap3A_189 = arith.constant 496 : index
    %swap3A_190 = tpu.vector_load %arg6[%swap3A_189] {strides = array<i32>} : memref<1024xf32, #tpu.memory_space<vmem>>, vector<16xf32>,
    %swap3A_191 = vector.shape_cast %swap3A_190 : vector<16xf32> to vector<16xf32>
    %swap3A_192 = vector.shape_cast %broadcast_in_dim3A_188 : vector<16xf32> to vector<16xf32>
    tpu.vector_store %arg6[%swap3A_189], %swap3A_192 {strides = array<i32>} : memref<1024xf32, #tpu.memory_space<vmem>>, vector<16xf32>,
    %broadcast_in_dim3A_193 = arith.constant 1.000000e+00 : f32
    %broadcast_in_dim3A_194 = vector.broadcast %broadcast_in_dim3A_193 : f32 to vector<16xf32>
    %swap3A_195 = arith.constant 512 : index
    %swap3A_196 = tpu.vector_load %arg6[%swap3A_195] {strides = array<i32>} : memref<1024xf32, #tpu.memory_space<vmem>>, vector<16xf32>,
    %swap3A_197 = vector.shape_cast %swap3A_196 : vector<16xf32> to vector<16xf32>
    %swap3A_198 = vector.shape_cast %broadcast_in_dim3A_194 : vector<16xf32> to vector<16xf32>
    tpu.vector_store %arg6[%swap3A_195], %swap3A_198 {strides = array<i32>} : memref<1024xf32, #tpu.memory_space<vmem>>, vector<16xf32>,
    %broadcast_in_dim3A_199 = arith.constant 1.000000e+00 : f32
    %broadcast_in_dim3A_200 = vector.broadcast %broadcast_in_dim3A_199 : f32 to vector<16xf32>
    %swap3A_201 = arith.constant 528 : index
    %swap3A_202 = tpu.vector_load %arg6[%swap3A_201] {strides = array<i32>} : memref<1024xf32, #tpu.memory_space<vmem>>, vector<16xf32>,
    %swap3A_203 = vector.shape_cast %swap3A_202 : vector<16xf32> to vector<16xf32>
    %swap3A_204 = vector.shape_cast %broadcast_in_dim3A_200 : vector<16xf32> to vector<16xf32>
    tpu.vector_store %arg6[%swap3A_201], %swap3A_204 {strides = array<i32>} : memref<1024xf32, #tpu.memory_space<vmem>>, vector<16xf32>,
    %broadcast_in_dim3A_205 = arith.constant 1.000000e+00 : f32
    %broadcast_in_dim3A_206 = vector.broadcast %broadcast_in_dim3A_205 : f32 to vector<16xf32>
    %swap3A_207 = arith.constant 544 : index
    %swap3A_208 = tpu.vector_load %arg6[%swap3A_207] {strides = array<i32>} : memref<1024xf32, #tpu.memory_space<vmem>>, vector<16xf32>,
    %swap3A_209 = vector.shape_cast %swap3A_208 : vector<16xf32> to vector<16xf32>
    %swap3A_210 = vector.shape_cast %broadcast_in_dim3A_206 : vector<16xf32> to vector<16xf32>
    tpu.vector_store %arg6[%swap3A_207], %swap3A_210 {strides = array<i32>} : memref<1024xf32, #tpu.memory_space<vmem>>, vector<16xf32>,
    %broadcast_in_dim3A_211 = arith.constant 1.000000e+00 : f32
    %broadcast_in_dim3A_212 = vector.broadcast %broadcast_in_dim3A_211 : f32 to vector<16xf32>
    %swap3A_213 = arith.constant 560 : index
    %swap3A_214 = tpu.vector_load %arg6[%swap3A_213] {strides = array<i32>} : memref<1024xf32, #tpu.memory_space<vmem>>, vector<16xf32>,
    %swap3A_215 = vector.shape_cast %swap3A_214 : vector<16xf32> to vector<16xf32>
    %swap3A_216 = vector.shape_cast %broadcast_in_dim3A_212 : vector<16xf32> to vector<16xf32>
    tpu.vector_store %arg6[%swap3A_213], %swap3A_216 {strides = array<i32>} : memref<1024xf32, #tpu.memory_space<vmem>>, vector<16xf32>,
    %broadcast_in_dim3A_217 = arith.constant 1.000000e+00 : f32
    %broadcast_in_dim3A_218 = vector.broadcast %broadcast_in_dim3A_217 : f32 to vector<16xf32>
    %swap3A_219 = arith.constant 576 : index
    %swap3A_220 = tpu.vector_load %arg6[%swap3A_219] {strides = array<i32>} : memref<1024xf32, #tpu.memory_space<vmem>>, vector<16xf32>,
    %swap3A_221 = vector.shape_cast %swap3A_220 : vector<16xf32> to vector<16xf32>
    %swap3A_222 = vector.shape_cast %broadcast_in_dim3A_218 : vector<16xf32> to vector<16xf32>
    tpu.vector_store %arg6[%swap3A_219], %swap3A_222 {strides = array<i32>} : memref<1024xf32, #tpu.memory_space<vmem>>, vector<16xf32>,
    %broadcast_in_dim3A_223 = arith.constant 1.000000e+00 : f32
    %broadcast_in_dim3A_224 = vector.broadcast %broadcast_in_dim3A_223 : f32 to vector<16xf32>
    %swap3A_225 = arith.constant 592 : index
    %swap3A_226 = tpu.vector_load %arg6[%swap3A_225] {strides = array<i32>} : memref<1024xf32, #tpu.memory_space<vmem>>, vector<16xf32>,
    %swap3A_227 = vector.shape_cast %swap3A_226 : vector<16xf32> to vector<16xf32>
    %swap3A_228 = vector.shape_cast %broadcast_in_dim3A_224 : vector<16xf32> to vector<16xf32>
    tpu.vector_store %arg6[%swap3A_225], %swap3A_228 {strides = array<i32>} : memref<1024xf32, #tpu.memory_space<vmem>>, vector<16xf32>,
    %broadcast_in_dim3A_229 = arith.constant 1.000000e+00 : f32
    %broadcast_in_dim3A_230 = vector.broadcast %broadcast_in_dim3A_229 : f32 to vector<16xf32>
    %swap3A_231 = arith.constant 608 : index
    %swap3A_232 = tpu.vector_load %arg6[%swap3A_231] {strides = array<i32>} : memref<1024xf32, #tpu.memory_space<vmem>>, vector<16xf32>,
    %swap3A_233 = vector.shape_cast %swap3A_232 : vector<16xf32> to vector<16xf32>
    %swap3A_234 = vector.shape_cast %broadcast_in_dim3A_230 : vector<16xf32> to vector<16xf32>
    tpu.vector_store %arg6[%swap3A_231], %swap3A_234 {strides = array<i32>} : memref<1024xf32, #tpu.memory_space<vmem>>, vector<16xf32>,
    %broadcast_in_dim3A_235 = arith.constant 1.000000e+00 : f32
    %broadcast_in_dim3A_236 = vector.broadcast %broadcast_in_dim3A_235 : f32 to vector<16xf32>
    %swap3A_237 = arith.constant 624 : index
    %swap3A_238 = tpu.vector_load %arg6[%swap3A_237] {strides = array<i32>} : memref<1024xf32, #tpu.memory_space<vmem>>, vector<16xf32>,
    %swap3A_239 = vector.shape_cast %swap3A_238 : vector<16xf32> to vector<16xf32>
    %swap3A_240 = vector.shape_cast %broadcast_in_dim3A_236 : vector<16xf32> to vector<16xf32>
    tpu.vector_store %arg6[%swap3A_237], %swap3A_240 {strides = array<i32>} : memref<1024xf32, #tpu.memory_space<vmem>>, vector<16xf32>,
    %broadcast_in_dim3A_241 = arith.constant 1.000000e+00 : f32
    %broadcast_in_dim3A_242 = vector.broadcast %broadcast_in_dim3A_241 : f32 to vector<16xf32>
    %swap3A_243 = arith.constant 640 : index
    %swap3A_244 = tpu.vector_load %arg6[%swap3A_243] {strides = array<i32>} : memref<1024xf32, #tpu.memory_space<vmem>>, vector<16xf32>,
    %swap3A_245 = vector.shape_cast %swap3A_244 : vector<16xf32> to vector<16xf32>
    %swap3A_246 = vector.shape_cast %broadcast_in_dim3A_242 : vector<16xf32> to vector<16xf32>
    tpu.vector_store %arg6[%swap3A_243], %swap3A_246 {strides = array<i32>} : memref<1024xf32, #tpu.memory_space<vmem>>, vector<16xf32>,
    %broadcast_in_dim3A_247 = arith.constant 1.000000e+00 : f32
    %broadcast_in_dim3A_248 = vector.broadcast %broadcast_in_dim3A_247 : f32 to vector<16xf32>
    %swap3A_249 = arith.constant 656 : index
    %swap3A_250 = tpu.vector_load %arg6[%swap3A_249] {strides = array<i32>} : memref<1024xf32, #tpu.memory_space<vmem>>, vector<16xf32>,
    %swap3A_251 = vector.shape_cast %swap3A_250 : vector<16xf32> to vector<16xf32>
    %swap3A_252 = vector.shape_cast %broadcast_in_dim3A_248 : vector<16xf32> to vector<16xf32>
    tpu.vector_store %arg6[%swap3A_249], %swap3A_252 {strides = array<i32>} : memref<1024xf32, #tpu.memory_space<vmem>>, vector<16xf32>,
    %broadcast_in_dim3A_253 = arith.constant 1.000000e+00 : f32
    %broadcast_in_dim3A_254 = vector.broadcast %broadcast_in_dim3A_253 : f32 to vector<16xf32>
    %swap3A_255 = arith.constant 672 : index
    %swap3A_256 = tpu.vector_load %arg6[%swap3A_255] {strides = array<i32>} : memref<1024xf32, #tpu.memory_space<vmem>>, vector<16xf32>,
    %swap3A_257 = vector.shape_cast %swap3A_256 : vector<16xf32> to vector<16xf32>
    %swap3A_258 = vector.shape_cast %broadcast_in_dim3A_254 : vector<16xf32> to vector<16xf32>
    tpu.vector_store %arg6[%swap3A_255], %swap3A_258 {strides = array<i32>} : memref<1024xf32, #tpu.memory_space<vmem>>, vector<16xf32>,
    %broadcast_in_dim3A_259 = arith.constant 1.000000e+00 : f32
    %broadcast_in_dim3A_260 = vector.broadcast %broadcast_in_dim3A_259 : f32 to vector<16xf32>
    %swap3A_261 = arith.constant 688 : index
    %swap3A_262 = tpu.vector_load %arg6[%swap3A_261] {strides = array<i32>} : memref<1024xf32, #tpu.memory_space<vmem>>, vector<16xf32>,
    %swap3A_263 = vector.shape_cast %swap3A_262 : vector<16xf32> to vector<16xf32>
    %swap3A_264 = vector.shape_cast %broadcast_in_dim3A_260 : vector<16xf32> to vector<16xf32>
    tpu.vector_store %arg6[%swap3A_261], %swap3A_264 {strides = array<i32>} : memref<1024xf32, #tpu.memory_space<vmem>>, vector<16xf32>,
    %broadcast_in_dim3A_265 = arith.constant 1.000000e+00 : f32
    %broadcast_in_dim3A_266 = vector.broadcast %broadcast_in_dim3A_265 : f32 to vector<16xf32>
    %swap3A_267 = arith.constant 704 : index
    %swap3A_268 = tpu.vector_load %arg6[%swap3A_267] {strides = array<i32>} : memref<1024xf32, #tpu.memory_space<vmem>>, vector<16xf32>,
    %swap3A_269 = vector.shape_cast %swap3A_268 : vector<16xf32> to vector<16xf32>
    %swap3A_270 = vector.shape_cast %broadcast_in_dim3A_266 : vector<16xf32> to vector<16xf32>
    tpu.vector_store %arg6[%swap3A_267], %swap3A_270 {strides = array<i32>} : memref<1024xf32, #tpu.memory_space<vmem>>, vector<16xf32>,
    %broadcast_in_dim3A_271 = arith.constant 1.000000e+00 : f32
    %broadcast_in_dim3A_272 = vector.broadcast %broadcast_in_dim3A_271 : f32 to vector<16xf32>
    %swap3A_273 = arith.constant 720 : index
    %swap3A_274 = tpu.vector_load %arg6[%swap3A_273] {strides = array<i32>} : memref<1024xf32, #tpu.memory_space<vmem>>, vector<16xf32>,
    %swap3A_275 = vector.shape_cast %swap3A_274 : vector<16xf32> to vector<16xf32>
    %swap3A_276 = vector.shape_cast %broadcast_in_dim3A_272 : vector<16xf32> to vector<16xf32>
    tpu.vector_store %arg6[%swap3A_273], %swap3A_276 {strides = array<i32>} : memref<1024xf32, #tpu.memory_space<vmem>>, vector<16xf32>,
    %broadcast_in_dim3A_277 = arith.constant 1.000000e+00 : f32
    %broadcast_in_dim3A_278 = vector.broadcast %broadcast_in_dim3A_277 : f32 to vector<16xf32>
    %swap3A_279 = arith.constant 736 : index
    %swap3A_280 = tpu.vector_load %arg6[%swap3A_279] {strides = array<i32>} : memref<1024xf32, #tpu.memory_space<vmem>>, vector<16xf32>,
    %swap3A_281 = vector.shape_cast %swap3A_280 : vector<16xf32> to vector<16xf32>
    %swap3A_282 = vector.shape_cast %broadcast_in_dim3A_278 : vector<16xf32> to vector<16xf32>
    tpu.vector_store %arg6[%swap3A_279], %swap3A_282 {strides = array<i32>} : memref<1024xf32, #tpu.memory_space<vmem>>, vector<16xf32>,
    %broadcast_in_dim3A_283 = arith.constant 1.000000e+00 : f32
    %broadcast_in_dim3A_284 = vector.broadcast %broadcast_in_dim3A_283 : f32 to vector<16xf32>
    %swap3A_285 = arith.constant 752 : index
    %swap3A_286 = tpu.vector_load %arg6[%swap3A_285] {strides = array<i32>} : memref<1024xf32, #tpu.memory_space<vmem>>, vector<16xf32>,
    %swap3A_287 = vector.shape_cast %swap3A_286 : vector<16xf32> to vector<16xf32>
    %swap3A_288 = vector.shape_cast %broadcast_in_dim3A_284 : vector<16xf32> to vector<16xf32>
    tpu.vector_store %arg6[%swap3A_285], %swap3A_288 {strides = array<i32>} : memref<1024xf32, #tpu.memory_space<vmem>>, vector<16xf32>,
    %broadcast_in_dim3A_289 = arith.constant 1.000000e+00 : f32
    %broadcast_in_dim3A_290 = vector.broadcast %broadcast_in_dim3A_289 : f32 to vector<16xf32>
    %swap3A_291 = arith.constant 768 : index
    %swap3A_292 = tpu.vector_load %arg6[%swap3A_291] {strides = array<i32>} : memref<1024xf32, #tpu.memory_space<vmem>>, vector<16xf32>,
    %swap3A_293 = vector.shape_cast %swap3A_292 : vector<16xf32> to vector<16xf32>
    %swap3A_294 = vector.shape_cast %broadcast_in_dim3A_290 : vector<16xf32> to vector<16xf32>
    tpu.vector_store %arg6[%swap3A_291], %swap3A_294 {strides = array<i32>} : memref<1024xf32, #tpu.memory_space<vmem>>, vector<16xf32>,
    %broadcast_in_dim3A_295 = arith.constant 1.000000e+00 : f32
    %broadcast_in_dim3A_296 = vector.broadcast %broadcast_in_dim3A_295 : f32 to vector<16xf32>
    %swap3A_297 = arith.constant 784 : index
    %swap3A_298 = tpu.vector_load %arg6[%swap3A_297] {strides = array<i32>} : memref<1024xf32, #tpu.memory_space<vmem>>, vector<16xf32>,
    %swap3A_299 = vector.shape_cast %swap3A_298 : vector<16xf32> to vector<16xf32>
    %swap3A_300 = vector.shape_cast %broadcast_in_dim3A_296 : vector<16xf32> to vector<16xf32>
    tpu.vector_store %arg6[%swap3A_297], %swap3A_300 {strides = array<i32>} : memref<1024xf32, #tpu.memory_space<vmem>>, vector<16xf32>,
    %broadcast_in_dim3A_301 = arith.constant 1.000000e+00 : f32
    %broadcast_in_dim3A_302 = vector.broadcast %broadcast_in_dim3A_301 : f32 to vector<16xf32>
    %swap3A_303 = arith.constant 800 : index
    %swap3A_304 = tpu.vector_load %arg6[%swap3A_303] {strides = array<i32>} : memref<1024xf32, #tpu.memory_space<vmem>>, vector<16xf32>,
    %swap3A_305 = vector.shape_cast %swap3A_304 : vector<16xf32> to vector<16xf32>
    %swap3A_306 = vector.shape_cast %broadcast_in_dim3A_302 : vector<16xf32> to vector<16xf32>
    tpu.vector_store %arg6[%swap3A_303], %swap3A_306 {strides = array<i32>} : memref<1024xf32, #tpu.memory_space<vmem>>, vector<16xf32>,
    %broadcast_in_dim3A_307 = arith.constant 1.000000e+00 : f32
    %broadcast_in_dim3A_308 = vector.broadcast %broadcast_in_dim3A_307 : f32 to vector<16xf32>
    %swap3A_309 = arith.constant 816 : index
    %swap3A_310 = tpu.vector_load %arg6[%swap3A_309] {strides = array<i32>} : memref<1024xf32, #tpu.memory_space<vmem>>, vector<16xf32>,
    %swap3A_311 = vector.shape_cast %swap3A_310 : vector<16xf32> to vector<16xf32>
    %swap3A_312 = vector.shape_cast %broadcast_in_dim3A_308 : vector<16xf32> to vector<16xf32>
    tpu.vector_store %arg6[%swap3A_309], %swap3A_312 {strides = array<i32>} : memref<1024xf32, #tpu.memory_space<vmem>>, vector<16xf32>,
    %broadcast_in_dim3A_313 = arith.constant 1.000000e+00 : f32
    %broadcast_in_dim3A_314 = vector.broadcast %broadcast_in_dim3A_313 : f32 to vector<16xf32>
    %swap3A_315 = arith.constant 832 : index
    %swap3A_316 = tpu.vector_load %arg6[%swap3A_315] {strides = array<i32>} : memref<1024xf32, #tpu.memory_space<vmem>>, vector<16xf32>,
    %swap3A_317 = vector.shape_cast %swap3A_316 : vector<16xf32> to vector<16xf32>
    %swap3A_318 = vector.shape_cast %broadcast_in_dim3A_314 : vector<16xf32> to vector<16xf32>
    tpu.vector_store %arg6[%swap3A_315], %swap3A_318 {strides = array<i32>} : memref<1024xf32, #tpu.memory_space<vmem>>, vector<16xf32>,
    %broadcast_in_dim3A_319 = arith.constant 1.000000e+00 : f32
    %broadcast_in_dim3A_320 = vector.broadcast %broadcast_in_dim3A_319 : f32 to vector<16xf32>
    %swap3A_321 = arith.constant 848 : index
    %swap3A_322 = tpu.vector_load %arg6[%swap3A_321] {strides = array<i32>} : memref<1024xf32, #tpu.memory_space<vmem>>, vector<16xf32>,
    %swap3A_323 = vector.shape_cast %swap3A_322 : vector<16xf32> to vector<16xf32>
    %swap3A_324 = vector.shape_cast %broadcast_in_dim3A_320 : vector<16xf32> to vector<16xf32>
    tpu.vector_store %arg6[%swap3A_321], %swap3A_324 {strides = array<i32>} : memref<1024xf32, #tpu.memory_space<vmem>>, vector<16xf32>,
    %broadcast_in_dim3A_325 = arith.constant 1.000000e+00 : f32
    %broadcast_in_dim3A_326 = vector.broadcast %broadcast_in_dim3A_325 : f32 to vector<16xf32>
    %swap3A_327 = arith.constant 864 : index
    %swap3A_328 = tpu.vector_load %arg6[%swap3A_327] {strides = array<i32>} : memref<1024xf32, #tpu.memory_space<vmem>>, vector<16xf32>,
    %swap3A_329 = vector.shape_cast %swap3A_328 : vector<16xf32> to vector<16xf32>
    %swap3A_330 = vector.shape_cast %broadcast_in_dim3A_326 : vector<16xf32> to vector<16xf32>
    tpu.vector_store %arg6[%swap3A_327], %swap3A_330 {strides = array<i32>} : memref<1024xf32, #tpu.memory_space<vmem>>, vector<16xf32>,
    %broadcast_in_dim3A_331 = arith.constant 1.000000e+00 : f32
    %broadcast_in_dim3A_332 = vector.broadcast %broadcast_in_dim3A_331 : f32 to vector<16xf32>
    %swap3A_333 = arith.constant 880 : index
    %swap3A_334 = tpu.vector_load %arg6[%swap3A_333] {strides = array<i32>} : memref<1024xf32, #tpu.memory_space<vmem>>, vector<16xf32>,
    %swap3A_335 = vector.shape_cast %swap3A_334 : vector<16xf32> to vector<16xf32>
    %swap3A_336 = vector.shape_cast %broadcast_in_dim3A_332 : vector<16xf32> to vector<16xf32>
    tpu.vector_store %arg6[%swap3A_333], %swap3A_336 {strides = array<i32>} : memref<1024xf32, #tpu.memory_space<vmem>>, vector<16xf32>,
    %broadcast_in_dim3A_337 = arith.constant 1.000000e+00 : f32
    %broadcast_in_dim3A_338 = vector.broadcast %broadcast_in_dim3A_337 : f32 to vector<16xf32>
    %swap3A_339 = arith.constant 896 : index
    %swap3A_340 = tpu.vector_load %arg6[%swap3A_339] {strides = array<i32>} : memref<1024xf32, #tpu.memory_space<vmem>>, vector<16xf32>,
    %swap3A_341 = vector.shape_cast %swap3A_340 : vector<16xf32> to vector<16xf32>
    %swap3A_342 = vector.shape_cast %broadcast_in_dim3A_338 : vector<16xf32> to vector<16xf32>
    tpu.vector_store %arg6[%swap3A_339], %swap3A_342 {strides = array<i32>} : memref<1024xf32, #tpu.memory_space<vmem>>, vector<16xf32>,
    %broadcast_in_dim3A_343 = arith.constant 1.000000e+00 : f32
    %broadcast_in_dim3A_344 = vector.broadcast %broadcast_in_dim3A_343 : f32 to vector<16xf32>
    %swap3A_345 = arith.constant 912 : index
    %swap3A_346 = tpu.vector_load %arg6[%swap3A_345] {strides = array<i32>} : memref<1024xf32, #tpu.memory_space<vmem>>, vector<16xf32>,
    %swap3A_347 = vector.shape_cast %swap3A_346 : vector<16xf32> to vector<16xf32>
    %swap3A_348 = vector.shape_cast %broadcast_in_dim3A_344 : vector<16xf32> to vector<16xf32>
    tpu.vector_store %arg6[%swap3A_345], %swap3A_348 {strides = array<i32>} : memref<1024xf32, #tpu.memory_space<vmem>>, vector<16xf32>,
    %broadcast_in_dim3A_349 = arith.constant 1.000000e+00 : f32
    %broadcast_in_dim3A_350 = vector.broadcast %broadcast_in_dim3A_349 : f32 to vector<16xf32>
    %swap3A_351 = arith.constant 928 : index
    %swap3A_352 = tpu.vector_load %arg6[%swap3A_351] {strides = array<i32>} : memref<1024xf32, #tpu.memory_space<vmem>>, vector<16xf32>,
    %swap3A_353 = vector.shape_cast %swap3A_352 : vector<16xf32> to vector<16xf32>
    %swap3A_354 = vector.shape_cast %broadcast_in_dim3A_350 : vector<16xf32> to vector<16xf32>
    tpu.vector_store %arg6[%swap3A_351], %swap3A_354 {strides = array<i32>} : memref<1024xf32, #tpu.memory_space<vmem>>, vector<16xf32>,
    %broadcast_in_dim3A_355 = arith.constant 1.000000e+00 : f32
    %broadcast_in_dim3A_356 = vector.broadcast %broadcast_in_dim3A_355 : f32 to vector<16xf32>
    %swap3A_357 = arith.constant 944 : index
    %swap3A_358 = tpu.vector_load %arg6[%swap3A_357] {strides = array<i32>} : memref<1024xf32, #tpu.memory_space<vmem>>, vector<16xf32>,
    %swap3A_359 = vector.shape_cast %swap3A_358 : vector<16xf32> to vector<16xf32>
    %swap3A_360 = vector.shape_cast %broadcast_in_dim3A_356 : vector<16xf32> to vector<16xf32>
    tpu.vector_store %arg6[%swap3A_357], %swap3A_360 {strides = array<i32>} : memref<1024xf32, #tpu.memory_space<vmem>>, vector<16xf32>,
    %broadcast_in_dim3A_361 = arith.constant 1.000000e+00 : f32
    %broadcast_in_dim3A_362 = vector.broadcast %broadcast_in_dim3A_361 : f32 to vector<16xf32>
    %swap3A_363 = arith.constant 960 : index
    %swap3A_364 = tpu.vector_load %arg6[%swap3A_363] {strides = array<i32>} : memref<1024xf32, #tpu.memory_space<vmem>>, vector<16xf32>,
    %swap3A_365 = vector.shape_cast %swap3A_364 : vector<16xf32> to vector<16xf32>
    %swap3A_366 = vector.shape_cast %broadcast_in_dim3A_362 : vector<16xf32> to vector<16xf32>
    tpu.vector_store %arg6[%swap3A_363], %swap3A_366 {strides = array<i32>} : memref<1024xf32, #tpu.memory_space<vmem>>, vector<16xf32>,
    %broadcast_in_dim3A_367 = arith.constant 1.000000e+00 : f32
    %broadcast_in_dim3A_368 = vector.broadcast %broadcast_in_dim3A_367 : f32 to vector<16xf32>
    %swap3A_369 = arith.constant 976 : index
    %swap3A_370 = tpu.vector_load %arg6[%swap3A_369] {strides = array<i32>} : memref<1024xf32, #tpu.memory_space<vmem>>, vector<16xf32>,
    %swap3A_371 = vector.shape_cast %swap3A_370 : vector<16xf32> to vector<16xf32>
    %swap3A_372 = vector.shape_cast %broadcast_in_dim3A_368 : vector<16xf32> to vector<16xf32>
    tpu.vector_store %arg6[%swap3A_369], %swap3A_372 {strides = array<i32>} : memref<1024xf32, #tpu.memory_space<vmem>>, vector<16xf32>,
    %broadcast_in_dim3A_373 = arith.constant 1.000000e+00 : f32
    %broadcast_in_dim3A_374 = vector.broadcast %broadcast_in_dim3A_373 : f32 to vector<16xf32>
    %swap3A_375 = arith.constant 992 : index
    %swap3A_376 = tpu.vector_load %arg6[%swap3A_375] {strides = array<i32>} : memref<1024xf32, #tpu.memory_space<vmem>>, vector<16xf32>,
    %swap3A_377 = vector.shape_cast %swap3A_376 : vector<16xf32> to vector<16xf32>
    %swap3A_378 = vector.shape_cast %broadcast_in_dim3A_374 : vector<16xf32> to vector<16xf32>
    tpu.vector_store %arg6[%swap3A_375], %swap3A_378 {strides = array<i32>} : memref<1024xf32, #tpu.memory_space<vmem>>, vector<16xf32>,
    %broadcast_in_dim3A_379 = arith.constant 1.000000e+00 : f32
    %broadcast_in_dim3A_380 = vector.broadcast %broadcast_in_dim3A_379 : f32 to vector<16xf32>
    %swap3A_381 = arith.constant 1008 : index
    %swap3A_382 = tpu.vector_load %arg6[%swap3A_381] {strides = array<i32>} : memref<1024xf32, #tpu.memory_space<vmem>>, vector<16xf32>,
    %swap3A_383 = vector.shape_cast %swap3A_382 : vector<16xf32> to vector<16xf32>
    %swap3A_384 = vector.shape_cast %broadcast_in_dim3A_380 : vector<16xf32> to vector<16xf32>
    tpu.vector_store %arg6[%swap3A_381], %swap3A_384 {strides = array<i32>} : memref<1024xf32, #tpu.memory_space<vmem>>, vector<16xf32>,
    "tpu.region"() ({
      %run_scoped3A = tpu.sem_alloc : memref<!tpu.dma_semaphore, #tpu.memory_space<semaphore_mem>>
      %dma_start3A = tpu.memref_slice %arg7[%mul3A_2] : memref<10240xf32, #tpu.memory_space<vmem_shared>> -> memref<640xf32, #tpu.memory_space<vmem_shared>>
      %dma_start3A_391 = tpu.memref_slice %arg3[%mul3A_2] : memref<10240xf32, #tpu.memory_space<hbm>> -> memref<640xf32, #tpu.memory_space<hbm>>
      tpu.enqueue_dma source(%dma_start3A_391 : memref<640xf32, #tpu.memory_space<hbm>>) target(%dma_start3A : memref<640xf32, #tpu.memory_space<vmem_shared>>) target_semaphore(%run_scoped3A : memref<!tpu.dma_semaphore, #tpu.memory_space<semaphore_mem>>)
      %dma_wait3A = tpu.memref_slice %arg7[%mul3A_2] : memref<10240xf32, #tpu.memory_space<vmem_shared>> -> memref<640xf32, #tpu.memory_space<vmem_shared>>
      %dma_wait3A_392 = tpu.memref_slice %arg3[%mul3A_2] : memref<10240xf32, #tpu.memory_space<hbm>> -> memref<640xf32, #tpu.memory_space<hbm>>
      tpu.wait_dma2 semaphore(%run_scoped3A : memref<!tpu.dma_semaphore, #tpu.memory_space<semaphore_mem>>) src(%dma_wait3A_392 : memref<640xf32, #tpu.memory_space<hbm>>) dst(%dma_wait3A : memref<640xf32, #tpu.memory_space<vmem_shared>>)
      tpu.yield
    }) : () -> ()
    "tpu.region"() ({
      %run_scoped3A = tpu.sem_alloc : memref<!tpu.dma_semaphore, #tpu.memory_space<semaphore_mem>>
      %dma_start3A = arith.constant 0 : i32
      %dma_start3A_391 = arith.constant 0 : i32
      %dma_start3A_392 = tpu.memref_slice %arg2[%add3A, %dma_start3A, %dma_start3A_391] : memref<32x10x1024xi32, #tpu.memory_space<hbm>> -> memref<1x10x1024xi32, #tpu.memory_space<hbm>>
      %dma_start3A_393 = tpu.memref_squeeze %dma_start3A_392 : memref<1x10x1024xi32, #tpu.memory_space<hbm>> -> memref<10x1024xi32, #tpu.memory_space<hbm>>
      %dma_start3A_394 = arith.constant 0 : i32
      %dma_start3A_395 = arith.constant 0 : i32
      %dma_start3A_396 = tpu.memref_slice %arg2[%add3A, %dma_start3A_394, %dma_start3A_395] : memref<32x10x1024xi32, #tpu.memory_space<hbm>> -> memref<1x10x1024xi32, #tpu.memory_space<hbm>>
      %dma_start3A_397 = tpu.memref_squeeze %dma_start3A_396 : memref<1x10x1024xi32, #tpu.memory_space<hbm>> -> memref<10x1024xi32, #tpu.memory_space<hbm>>
      tpu.enqueue_dma source(%dma_start3A_397 : memref<10x1024xi32, #tpu.memory_space<hbm>>) target(%arg5 : memref<10x1024xi32, #tpu.memory_space<vmem>>) target_semaphore(%run_scoped3A : memref<!tpu.dma_semaphore, #tpu.memory_space<semaphore_mem>>)
      %dma_wait3A = arith.constant 0 : i32
      %dma_wait3A_398 = arith.constant 0 : i32
      %dma_wait3A_399 = tpu.memref_slice %arg2[%add3A, %dma_wait3A, %dma_wait3A_398] : memref<32x10x1024xi32, #tpu.memory_space<hbm>> -> memref<1x10x1024xi32, #tpu.memory_space<hbm>>
      %dma_wait3A_400 = tpu.memref_squeeze %dma_wait3A_399 : memref<1x10x1024xi32, #tpu.memory_space<hbm>> -> memref<10x1024xi32, #tpu.memory_space<hbm>>
      %dma_wait3A_401 = arith.constant 0 : i32
      %dma_wait3A_402 = arith.constant 0 : i32
      %dma_wait3A_403 = tpu.memref_slice %arg2[%add3A, %dma_wait3A_401, %dma_wait3A_402] : memref<32x10x1024xi32, #tpu.memory_space<hbm>> -> memref<1x10x1024xi32, #tpu.memory_space<hbm>>
      %dma_wait3A_404 = tpu.memref_squeeze %dma_wait3A_403 : memref<1x10x1024xi32, #tpu.memory_space<hbm>> -> memref<10x1024xi32, #tpu.memory_space<hbm>>
      tpu.wait_dma2 semaphore(%run_scoped3A : memref<!tpu.dma_semaphore, #tpu.memory_space<semaphore_mem>>) src(%dma_wait3A_404 : memref<10x1024xi32, #tpu.memory_space<hbm>>) dst(%arg5 : memref<10x1024xi32, #tpu.memory_space<vmem>>)
      tpu.yield
    }) : () -> ()
    %barrier3A = arith.constant 0 : index
    tpu.barrier barrier_id(%barrier3A)
    %scan3A = arith.constant 0 : i32
    %scan3A_385 = arith.constant 0 : i32
    %scan3A_386 = arith.constant 10 : i32
    %scan3A_387 = arith.addi %scan3A_385, %scan3A_386 : i32
    %scan3A_388 = arith.constant 1 : i32
    scf.for %scan3A_391 = %scan3A_385 to %scan3A_387 step %scan3A_388  : i32 {
      "tpu.region"() ({
        %run_scoped3A = tpu.sem_alloc : memref<!tpu.dma_semaphore, #tpu.memory_space<semaphore_mem>>
        %dma_start3A = arith.constant 0 : i32
        %dma_start3A_392 = tpu.memref_slice %arg5[%scan3A_391, %dma_start3A] : memref<10x1024xi32, #tpu.memory_space<vmem>> -> memref<1x1024xi32, #tpu.memory_space<vmem>>
        %dma_start3A_393 = tpu.memref_squeeze %dma_start3A_392 : memref<1x1024xi32, #tpu.memory_space<vmem>> -> memref<1024xi32, #tpu.memory_space<vmem>>
        %dma_start3A_394 = arith.constant 0 : i32
        %dma_start3A_395 = tpu.memref_slice %arg7[%dma_start3A_394] : memref<10240xf32, #tpu.memory_space<vmem_shared>> -> memref<10240xf32, #tpu.memory_space<vmem_shared>>
        tpu.enqueue_indirect_dma source(%arg6 : memref<1024xf32, #tpu.memory_space<vmem>>) target(%dma_start3A_395 : memref<10240xf32, #tpu.memory_space<vmem_shared>>) offsets(%dma_start3A_393 : memref<1024xi32, #tpu.memory_space<vmem>>) semaphore(%run_scoped3A : memref<!tpu.dma_semaphore, #tpu.memory_space<semaphore_mem>>) {add = true}
        %dma_wait3A = arith.constant 0 : i32
        %dma_wait3A_396 = tpu.memref_slice %arg5[%scan3A_391, %dma_wait3A] : memref<10x1024xi32, #tpu.memory_space<vmem>> -> memref<1x1024xi32, #tpu.memory_space<vmem>>
        %dma_wait3A_397 = tpu.memref_squeeze %dma_wait3A_396 : memref<1x1024xi32, #tpu.memory_space<vmem>> -> memref<1024xi32, #tpu.memory_space<vmem>>
        %dma_wait3A_398 = arith.constant 0 : i32
        %dma_wait3A_399 = tpu.memref_slice %arg7[%dma_wait3A_398] : memref<10240xf32, #tpu.memory_space<vmem_shared>> -> memref<10240xf32, #tpu.memory_space<vmem_shared>>
        tpu.wait_indirect_dma semaphore(%run_scoped3A : memref<!tpu.dma_semaphore, #tpu.memory_space<semaphore_mem>>) src(%arg6 : memref<1024xf32, #tpu.memory_space<vmem>>) dst(%dma_wait3A_399 : memref<10240xf32, #tpu.memory_space<vmem_shared>>)
        tpu.yield
      }) : () -> ()
    }
    %scan3A_389 = arith.constant 10 : i32
    %barrier3A_390 = arith.constant 0 : index
    tpu.barrier barrier_id(%barrier3A_390)
    "tpu.region"() ({
      %run_scoped3A = tpu.sem_alloc : memref<!tpu.dma_semaphore, #tpu.memory_space<semaphore_mem>>
      %dma_start3A = tpu.memref_slice %arg4[%arg0, %mul3A_2] : memref<2x10240xf32, #tpu.memory_space<hbm>> -> memref<1x640xf32, #tpu.memory_space<hbm>>
      %dma_start3A_391 = tpu.memref_squeeze %dma_start3A : memref<1x640xf32, #tpu.memory_space<hbm>> -> memref<640xf32, #tpu.memory_space<hbm>>
      %dma_start3A_392 = tpu.memref_slice %arg7[%mul3A_2] : memref<10240xf32, #tpu.memory_space<vmem_shared>> -> memref<640xf32, #tpu.memory_space<vmem_shared>>
      tpu.enqueue_dma source(%dma_start3A_392 : memref<640xf32, #tpu.memory_space<vmem_shared>>) target(%dma_start3A_391 : memref<640xf32, #tpu.memory_space<hbm>>) target_semaphore(%run_scoped3A : memref<!tpu.dma_semaphore, #tpu.memory_space<semaphore_mem>>)
      %dma_wait3A = tpu.memref_slice %arg4[%arg0, %mul3A_2] : memref<2x10240xf32, #tpu.memory_space<hbm>> -> memref<1x640xf32, #tpu.memory_space<hbm>>
      %dma_wait3A_393 = tpu.memref_squeeze %dma_wait3A : memref<1x640xf32, #tpu.memory_space<hbm>> -> memref<640xf32, #tpu.memory_space<hbm>>
      %dma_wait3A_394 = tpu.memref_slice %arg7[%mul3A_2] : memref<10240xf32, #tpu.memory_space<vmem_shared>> -> memref<640xf32, #tpu.memory_space<vmem_shared>>
      tpu.wait_dma2 semaphore(%run_scoped3A : memref<!tpu.dma_semaphore, #tpu.memory_space<semaphore_mem>>) src(%dma_wait3A_394 : memref<640xf32, #tpu.memory_space<vmem_shared>>) dst(%dma_wait3A_393 : memref<640xf32, #tpu.memory_space<hbm>>)
      tpu.yield
    }) : () -> ()
    return
  }
}

#map = affine_map<(d0, d1) -> (0, 0)>
#map1 = affine_map<(d0, d1) -> (0, 0, 0)>
module attributes {stable_mosaic.version = 14 : i64} {
  func.func @agg(%arg0: i32, %arg1: i32, %arg2: memref<10000x32xf32, #tpu.memory_space<hbm>>, %arg3: memref<10000x32xf32, #tpu.memory_space<hbm>>, %arg4: memref<32x10x1024xi32, #tpu.memory_space<hbm>>, %arg5: memref<32x10x1024xi32, #tpu.memory_space<hbm>>, %arg6: memref<10240x32xf32, #tpu.memory_space<hbm>>, %arg7: memref<2x10240x32xf32, #tpu.memory_space<hbm>>, %arg8: memref<2x10240x32xf32, #tpu.memory_space<hbm>>, %arg9: memref<10x1024xi32, #tpu.memory_space<vmem>>, %arg10: memref<10x1024xi32, #tpu.memory_space<vmem>>, %arg11: memref<1024x32xf32, #tpu.memory_space<vmem>>, %arg12: memref<!tpu.dma_semaphore, #tpu.memory_space<semaphore_mem>>, %arg13: memref<10240x32xf32, #tpu.memory_space<vmem_shared>>, %arg14: memref<10000x32xf32, #tpu.memory_space<vmem_shared>>) attributes {dimension_semantics = [#tpu.dimension_semantics<core_parallel>, #tpu.dimension_semantics<subcore_parallel>], iteration_bounds = array<i64: 2, 16>, scalar_prefetch = 0 : i64, scratch_operands = 6 : i64, tpu.core_type = #tpu.core_type<sc_vector_subcore>, window_params = [{transform_indices = #map}, {transform_indices = #map}, {transform_indices = #map1}, {transform_indices = #map1}, {transform_indices = #map}, {transform_indices = #map1}, {transform_indices = #map1}]} {
    %mul3A = arith.constant 16 : i32
    %mul3A_0 = arith.muli %arg0, %mul3A : i32
    %add3A = arith.addi %mul3A_0, %arg1 : i32
    %mul3A_1 = arith.constant 640 : i32
    %mul3A_2 = arith.muli %arg1, %mul3A_1 : i32
    %mul3A_3 = arith.constant 625 : i32
    %mul3A_4 = arith.muli %arg1, %mul3A_3 : i32
    "tpu.region"() ({
      %run_scoped3A = tpu.sem_alloc : memref<!tpu.dma_semaphore, #tpu.memory_space<semaphore_mem>>
      %dma_start3A = arith.constant 0 : i32
      %dma_start3A_19 = arith.constant 0 : i32
      %dma_start3A_20 = tpu.memref_slice %arg4[%add3A, %dma_start3A, %dma_start3A_19] : memref<32x10x1024xi32, #tpu.memory_space<hbm>> -> memref<1x10x1024xi32, #tpu.memory_space<hbm>>
      %dma_start3A_21 = tpu.memref_squeeze %dma_start3A_20 : memref<1x10x1024xi32, #tpu.memory_space<hbm>> -> memref<10x1024xi32, #tpu.memory_space<hbm>>
      %dma_start3A_22 = arith.constant 0 : i32
      %dma_start3A_23 = arith.constant 0 : i32
      %dma_start3A_24 = tpu.memref_slice %arg4[%add3A, %dma_start3A_22, %dma_start3A_23] : memref<32x10x1024xi32, #tpu.memory_space<hbm>> -> memref<1x10x1024xi32, #tpu.memory_space<hbm>>
      %dma_start3A_25 = tpu.memref_squeeze %dma_start3A_24 : memref<1x10x1024xi32, #tpu.memory_space<hbm>> -> memref<10x1024xi32, #tpu.memory_space<hbm>>
      tpu.enqueue_dma source(%dma_start3A_25 : memref<10x1024xi32, #tpu.memory_space<hbm>>) target(%arg9 : memref<10x1024xi32, #tpu.memory_space<vmem>>) target_semaphore(%run_scoped3A : memref<!tpu.dma_semaphore, #tpu.memory_space<semaphore_mem>>)
      %dma_wait3A = arith.constant 0 : i32
      %dma_wait3A_26 = arith.constant 0 : i32
      %dma_wait3A_27 = tpu.memref_slice %arg4[%add3A, %dma_wait3A, %dma_wait3A_26] : memref<32x10x1024xi32, #tpu.memory_space<hbm>> -> memref<1x10x1024xi32, #tpu.memory_space<hbm>>
      %dma_wait3A_28 = tpu.memref_squeeze %dma_wait3A_27 : memref<1x10x1024xi32, #tpu.memory_space<hbm>> -> memref<10x1024xi32, #tpu.memory_space<hbm>>
      %dma_wait3A_29 = arith.constant 0 : i32
      %dma_wait3A_30 = arith.constant 0 : i32
      %dma_wait3A_31 = tpu.memref_slice %arg4[%add3A, %dma_wait3A_29, %dma_wait3A_30] : memref<32x10x1024xi32, #tpu.memory_space<hbm>> -> memref<1x10x1024xi32, #tpu.memory_space<hbm>>
      %dma_wait3A_32 = tpu.memref_squeeze %dma_wait3A_31 : memref<1x10x1024xi32, #tpu.memory_space<hbm>> -> memref<10x1024xi32, #tpu.memory_space<hbm>>
      tpu.wait_dma2 semaphore(%run_scoped3A : memref<!tpu.dma_semaphore, #tpu.memory_space<semaphore_mem>>) src(%dma_wait3A_32 : memref<10x1024xi32, #tpu.memory_space<hbm>>) dst(%arg9 : memref<10x1024xi32, #tpu.memory_space<vmem>>)
      tpu.yield
    }) : () -> ()
    "tpu.region"() ({
      %run_scoped3A = tpu.sem_alloc : memref<!tpu.dma_semaphore, #tpu.memory_space<semaphore_mem>>
      %dma_start3A = arith.constant 0 : i32
      %dma_start3A_19 = arith.constant 0 : i32
      %dma_start3A_20 = tpu.memref_slice %arg5[%add3A, %dma_start3A, %dma_start3A_19] : memref<32x10x1024xi32, #tpu.memory_space<hbm>> -> memref<1x10x1024xi32, #tpu.memory_space<hbm>>
      %dma_start3A_21 = tpu.memref_squeeze %dma_start3A_20 : memref<1x10x1024xi32, #tpu.memory_space<hbm>> -> memref<10x1024xi32, #tpu.memory_space<hbm>>
      %dma_start3A_22 = arith.constant 0 : i32
      %dma_start3A_23 = arith.constant 0 : i32
      %dma_start3A_24 = tpu.memref_slice %arg5[%add3A, %dma_start3A_22, %dma_start3A_23] : memref<32x10x1024xi32, #tpu.memory_space<hbm>> -> memref<1x10x1024xi32, #tpu.memory_space<hbm>>
      %dma_start3A_25 = tpu.memref_squeeze %dma_start3A_24 : memref<1x10x1024xi32, #tpu.memory_space<hbm>> -> memref<10x1024xi32, #tpu.memory_space<hbm>>
      tpu.enqueue_dma source(%dma_start3A_25 : memref<10x1024xi32, #tpu.memory_space<hbm>>) target(%arg10 : memref<10x1024xi32, #tpu.memory_space<vmem>>) target_semaphore(%run_scoped3A : memref<!tpu.dma_semaphore, #tpu.memory_space<semaphore_mem>>)
      %dma_wait3A = arith.constant 0 : i32
      %dma_wait3A_26 = arith.constant 0 : i32
      %dma_wait3A_27 = tpu.memref_slice %arg5[%add3A, %dma_wait3A, %dma_wait3A_26] : memref<32x10x1024xi32, #tpu.memory_space<hbm>> -> memref<1x10x1024xi32, #tpu.memory_space<hbm>>
      %dma_wait3A_28 = tpu.memref_squeeze %dma_wait3A_27 : memref<1x10x1024xi32, #tpu.memory_space<hbm>> -> memref<10x1024xi32, #tpu.memory_space<hbm>>
      %dma_wait3A_29 = arith.constant 0 : i32
      %dma_wait3A_30 = arith.constant 0 : i32
      %dma_wait3A_31 = tpu.memref_slice %arg5[%add3A, %dma_wait3A_29, %dma_wait3A_30] : memref<32x10x1024xi32, #tpu.memory_space<hbm>> -> memref<1x10x1024xi32, #tpu.memory_space<hbm>>
      %dma_wait3A_32 = tpu.memref_squeeze %dma_wait3A_31 : memref<1x10x1024xi32, #tpu.memory_space<hbm>> -> memref<10x1024xi32, #tpu.memory_space<hbm>>
      tpu.wait_dma2 semaphore(%run_scoped3A : memref<!tpu.dma_semaphore, #tpu.memory_space<semaphore_mem>>) src(%dma_wait3A_32 : memref<10x1024xi32, #tpu.memory_space<hbm>>) dst(%arg10 : memref<10x1024xi32, #tpu.memory_space<vmem>>)
      tpu.yield
    }) : () -> ()
    "tpu.region"() ({
      %run_scoped3A = tpu.sem_alloc : memref<!tpu.dma_semaphore, #tpu.memory_space<semaphore_mem>>
      %dma_start3A = arith.constant 0 : i32
      %dma_start3A_19 = tpu.memref_slice %arg14[%mul3A_4, %dma_start3A] : memref<10000x32xf32, #tpu.memory_space<vmem_shared>> -> memref<625x32xf32, #tpu.memory_space<vmem_shared>>
      %dma_start3A_20 = arith.constant 0 : i32
      %dma_start3A_21 = tpu.memref_slice %arg2[%mul3A_4, %dma_start3A_20] : memref<10000x32xf32, #tpu.memory_space<hbm>> -> memref<625x32xf32, #tpu.memory_space<hbm>>
      tpu.enqueue_dma source(%dma_start3A_21 : memref<625x32xf32, #tpu.memory_space<hbm>>) target(%dma_start3A_19 : memref<625x32xf32, #tpu.memory_space<vmem_shared>>) target_semaphore(%run_scoped3A : memref<!tpu.dma_semaphore, #tpu.memory_space<semaphore_mem>>)
      %dma_wait3A = arith.constant 0 : i32
      %dma_wait3A_22 = tpu.memref_slice %arg14[%mul3A_4, %dma_wait3A] : memref<10000x32xf32, #tpu.memory_space<vmem_shared>> -> memref<625x32xf32, #tpu.memory_space<vmem_shared>>
      %dma_wait3A_23 = arith.constant 0 : i32
      %dma_wait3A_24 = tpu.memref_slice %arg2[%mul3A_4, %dma_wait3A_23] : memref<10000x32xf32, #tpu.memory_space<hbm>> -> memref<625x32xf32, #tpu.memory_space<hbm>>
      tpu.wait_dma2 semaphore(%run_scoped3A : memref<!tpu.dma_semaphore, #tpu.memory_space<semaphore_mem>>) src(%dma_wait3A_24 : memref<625x32xf32, #tpu.memory_space<hbm>>) dst(%dma_wait3A_22 : memref<625x32xf32, #tpu.memory_space<vmem_shared>>)
      tpu.yield
    }) : () -> ()
    "tpu.region"() ({
      %run_scoped3A = tpu.sem_alloc : memref<!tpu.dma_semaphore, #tpu.memory_space<semaphore_mem>>
      %dma_start3A = arith.constant 0 : i32
      %dma_start3A_19 = tpu.memref_slice %arg13[%mul3A_2, %dma_start3A] : memref<10240x32xf32, #tpu.memory_space<vmem_shared>> -> memref<640x32xf32, #tpu.memory_space<vmem_shared>>
      %dma_start3A_20 = arith.constant 0 : i32
      %dma_start3A_21 = tpu.memref_slice %arg6[%mul3A_2, %dma_start3A_20] : memref<10240x32xf32, #tpu.memory_space<hbm>> -> memref<640x32xf32, #tpu.memory_space<hbm>>
      tpu.enqueue_dma source(%dma_start3A_21 : memref<640x32xf32, #tpu.memory_space<hbm>>) target(%dma_start3A_19 : memref<640x32xf32, #tpu.memory_space<vmem_shared>>) target_semaphore(%run_scoped3A : memref<!tpu.dma_semaphore, #tpu.memory_space<semaphore_mem>>)
      %dma_wait3A = arith.constant 0 : i32
      %dma_wait3A_22 = tpu.memref_slice %arg13[%mul3A_2, %dma_wait3A] : memref<10240x32xf32, #tpu.memory_space<vmem_shared>> -> memref<640x32xf32, #tpu.memory_space<vmem_shared>>
      %dma_wait3A_23 = arith.constant 0 : i32
      %dma_wait3A_24 = tpu.memref_slice %arg6[%mul3A_2, %dma_wait3A_23] : memref<10240x32xf32, #tpu.memory_space<hbm>> -> memref<640x32xf32, #tpu.memory_space<hbm>>
      tpu.wait_dma2 semaphore(%run_scoped3A : memref<!tpu.dma_semaphore, #tpu.memory_space<semaphore_mem>>) src(%dma_wait3A_24 : memref<640x32xf32, #tpu.memory_space<hbm>>) dst(%dma_wait3A_22 : memref<640x32xf32, #tpu.memory_space<vmem_shared>>)
      tpu.yield
    }) : () -> ()
    %barrier3A = arith.constant 0 : index
    tpu.barrier barrier_id(%barrier3A)
    %scan3A = arith.constant 0 : i32
    %scan3A_5 = arith.constant 0 : i32
    %scan3A_6 = arith.constant 10 : i32
    %scan3A_7 = arith.addi %scan3A_5, %scan3A_6 : i32
    %scan3A_8 = arith.constant 1 : i32
    scf.for %scan3A_19 = %scan3A_5 to %scan3A_7 step %scan3A_8  : i32 {
      %dma_start3A = arith.constant 0 : i32
      %dma_start3A_20 = tpu.memref_slice %arg9[%scan3A_19, %dma_start3A] : memref<10x1024xi32, #tpu.memory_space<vmem>> -> memref<1x1024xi32, #tpu.memory_space<vmem>>
      %dma_start3A_21 = tpu.memref_squeeze %dma_start3A_20 : memref<1x1024xi32, #tpu.memory_space<vmem>> -> memref<1024xi32, #tpu.memory_space<vmem>>
      %dma_start3A_22 = arith.constant 0 : i32
      %dma_start3A_23 = arith.constant 0 : i32
      %dma_start3A_24 = tpu.memref_slice %arg14[%dma_start3A_22, %dma_start3A_23] : memref<10000x32xf32, #tpu.memory_space<vmem_shared>> -> memref<10000x32xf32, #tpu.memory_space<vmem_shared>>
      tpu.enqueue_indirect_dma source(%dma_start3A_24 : memref<10000x32xf32, #tpu.memory_space<vmem_shared>>) target(%arg11 : memref<1024x32xf32, #tpu.memory_space<vmem>>) offsets(%dma_start3A_21 : memref<1024xi32, #tpu.memory_space<vmem>>) semaphore(%arg12 : memref<!tpu.dma_semaphore, #tpu.memory_space<semaphore_mem>>)
      %dma_wait3A = arith.constant 0 : i32
      %dma_wait3A_25 = tpu.memref_slice %arg9[%scan3A_19, %dma_wait3A] : memref<10x1024xi32, #tpu.memory_space<vmem>> -> memref<1x1024xi32, #tpu.memory_space<vmem>>
      %dma_wait3A_26 = tpu.memref_squeeze %dma_wait3A_25 : memref<1x1024xi32, #tpu.memory_space<vmem>> -> memref<1024xi32, #tpu.memory_space<vmem>>
      %dma_wait3A_27 = arith.constant 0 : i32
      %dma_wait3A_28 = arith.constant 0 : i32
      %dma_wait3A_29 = tpu.memref_slice %arg14[%dma_wait3A_27, %dma_wait3A_28] : memref<10000x32xf32, #tpu.memory_space<vmem_shared>> -> memref<10000x32xf32, #tpu.memory_space<vmem_shared>>
      tpu.wait_indirect_dma semaphore(%arg12 : memref<!tpu.dma_semaphore, #tpu.memory_space<semaphore_mem>>) src(%dma_wait3A_29 : memref<10000x32xf32, #tpu.memory_space<vmem_shared>>) dst(%arg11 : memref<1024x32xf32, #tpu.memory_space<vmem>>)
      "tpu.region"() ({
        %run_scoped3A = tpu.sem_alloc : memref<!tpu.dma_semaphore, #tpu.memory_space<semaphore_mem>>
        %dma_start3A_30 = arith.constant 0 : i32
        %dma_start3A_31 = tpu.memref_slice %arg10[%scan3A_19, %dma_start3A_30] : memref<10x1024xi32, #tpu.memory_space<vmem>> -> memref<1x1024xi32, #tpu.memory_space<vmem>>
        %dma_start3A_32 = tpu.memref_squeeze %dma_start3A_31 : memref<1x1024xi32, #tpu.memory_space<vmem>> -> memref<1024xi32, #tpu.memory_space<vmem>>
        %dma_start3A_33 = arith.constant 0 : i32
        %dma_start3A_34 = arith.constant 0 : i32
        %dma_start3A_35 = tpu.memref_slice %arg13[%dma_start3A_33, %dma_start3A_34] : memref<10240x32xf32, #tpu.memory_space<vmem_shared>> -> memref<10240x32xf32, #tpu.memory_space<vmem_shared>>
        tpu.enqueue_indirect_dma source(%arg11 : memref<1024x32xf32, #tpu.memory_space<vmem>>) target(%dma_start3A_35 : memref<10240x32xf32, #tpu.memory_space<vmem_shared>>) offsets(%dma_start3A_32 : memref<1024xi32, #tpu.memory_space<vmem>>) semaphore(%run_scoped3A : memref<!tpu.dma_semaphore, #tpu.memory_space<semaphore_mem>>) {add = true}
        %dma_wait3A_36 = arith.constant 0 : i32
        %dma_wait3A_37 = tpu.memref_slice %arg10[%scan3A_19, %dma_wait3A_36] : memref<10x1024xi32, #tpu.memory_space<vmem>> -> memref<1x1024xi32, #tpu.memory_space<vmem>>
        %dma_wait3A_38 = tpu.memref_squeeze %dma_wait3A_37 : memref<1x1024xi32, #tpu.memory_space<vmem>> -> memref<1024xi32, #tpu.memory_space<vmem>>
        %dma_wait3A_39 = arith.constant 0 : i32
        %dma_wait3A_40 = arith.constant 0 : i32
        %dma_wait3A_41 = tpu.memref_slice %arg13[%dma_wait3A_39, %dma_wait3A_40] : memref<10240x32xf32, #tpu.memory_space<vmem_shared>> -> memref<10240x32xf32, #tpu.memory_space<vmem_shared>>
        tpu.wait_indirect_dma semaphore(%run_scoped3A : memref<!tpu.dma_semaphore, #tpu.memory_space<semaphore_mem>>) src(%arg11 : memref<1024x32xf32, #tpu.memory_space<vmem>>) dst(%dma_wait3A_41 : memref<10240x32xf32, #tpu.memory_space<vmem_shared>>)
        tpu.yield
      }) : () -> ()
    }
    %scan3A_9 = arith.constant 10 : i32
    %barrier3A_10 = arith.constant 0 : index
    tpu.barrier barrier_id(%barrier3A_10)
    "tpu.region"() ({
      %run_scoped3A = tpu.sem_alloc : memref<!tpu.dma_semaphore, #tpu.memory_space<semaphore_mem>>
      %dma_start3A = arith.constant 0 : i32
      %dma_start3A_19 = tpu.memref_slice %arg7[%arg0, %mul3A_2, %dma_start3A] : memref<2x10240x32xf32, #tpu.memory_space<hbm>> -> memref<1x640x32xf32, #tpu.memory_space<hbm>>
      %dma_start3A_20 = tpu.memref_squeeze %dma_start3A_19 : memref<1x640x32xf32, #tpu.memory_space<hbm>> -> memref<640x32xf32, #tpu.memory_space<hbm>>
      %dma_start3A_21 = arith.constant 0 : i32
      %dma_start3A_22 = tpu.memref_slice %arg13[%mul3A_2, %dma_start3A_21] : memref<10240x32xf32, #tpu.memory_space<vmem_shared>> -> memref<640x32xf32, #tpu.memory_space<vmem_shared>>
      tpu.enqueue_dma source(%dma_start3A_22 : memref<640x32xf32, #tpu.memory_space<vmem_shared>>) target(%dma_start3A_20 : memref<640x32xf32, #tpu.memory_space<hbm>>) target_semaphore(%run_scoped3A : memref<!tpu.dma_semaphore, #tpu.memory_space<semaphore_mem>>)
      %dma_wait3A = arith.constant 0 : i32
      %dma_wait3A_23 = tpu.memref_slice %arg7[%arg0, %mul3A_2, %dma_wait3A] : memref<2x10240x32xf32, #tpu.memory_space<hbm>> -> memref<1x640x32xf32, #tpu.memory_space<hbm>>
      %dma_wait3A_24 = tpu.memref_squeeze %dma_wait3A_23 : memref<1x640x32xf32, #tpu.memory_space<hbm>> -> memref<640x32xf32, #tpu.memory_space<hbm>>
      %dma_wait3A_25 = arith.constant 0 : i32
      %dma_wait3A_26 = tpu.memref_slice %arg13[%mul3A_2, %dma_wait3A_25] : memref<10240x32xf32, #tpu.memory_space<vmem_shared>> -> memref<640x32xf32, #tpu.memory_space<vmem_shared>>
      tpu.wait_dma2 semaphore(%run_scoped3A : memref<!tpu.dma_semaphore, #tpu.memory_space<semaphore_mem>>) src(%dma_wait3A_26 : memref<640x32xf32, #tpu.memory_space<vmem_shared>>) dst(%dma_wait3A_24 : memref<640x32xf32, #tpu.memory_space<hbm>>)
      tpu.yield
    }) : () -> ()
    "tpu.region"() ({
      %run_scoped3A = tpu.sem_alloc : memref<!tpu.dma_semaphore, #tpu.memory_space<semaphore_mem>>
      %dma_start3A = arith.constant 0 : i32
      %dma_start3A_19 = tpu.memref_slice %arg14[%mul3A_4, %dma_start3A] : memref<10000x32xf32, #tpu.memory_space<vmem_shared>> -> memref<625x32xf32, #tpu.memory_space<vmem_shared>>
      %dma_start3A_20 = arith.constant 0 : i32
      %dma_start3A_21 = tpu.memref_slice %arg3[%mul3A_4, %dma_start3A_20] : memref<10000x32xf32, #tpu.memory_space<hbm>> -> memref<625x32xf32, #tpu.memory_space<hbm>>
      tpu.enqueue_dma source(%dma_start3A_21 : memref<625x32xf32, #tpu.memory_space<hbm>>) target(%dma_start3A_19 : memref<625x32xf32, #tpu.memory_space<vmem_shared>>) target_semaphore(%run_scoped3A : memref<!tpu.dma_semaphore, #tpu.memory_space<semaphore_mem>>)
      %dma_wait3A = arith.constant 0 : i32
      %dma_wait3A_22 = tpu.memref_slice %arg14[%mul3A_4, %dma_wait3A] : memref<10000x32xf32, #tpu.memory_space<vmem_shared>> -> memref<625x32xf32, #tpu.memory_space<vmem_shared>>
      %dma_wait3A_23 = arith.constant 0 : i32
      %dma_wait3A_24 = tpu.memref_slice %arg3[%mul3A_4, %dma_wait3A_23] : memref<10000x32xf32, #tpu.memory_space<hbm>> -> memref<625x32xf32, #tpu.memory_space<hbm>>
      tpu.wait_dma2 semaphore(%run_scoped3A : memref<!tpu.dma_semaphore, #tpu.memory_space<semaphore_mem>>) src(%dma_wait3A_24 : memref<625x32xf32, #tpu.memory_space<hbm>>) dst(%dma_wait3A_22 : memref<625x32xf32, #tpu.memory_space<vmem_shared>>)
      tpu.yield
    }) : () -> ()
    "tpu.region"() ({
      %run_scoped3A = tpu.sem_alloc : memref<!tpu.dma_semaphore, #tpu.memory_space<semaphore_mem>>
      %dma_start3A = arith.constant 0 : i32
      %dma_start3A_19 = tpu.memref_slice %arg13[%mul3A_2, %dma_start3A] : memref<10240x32xf32, #tpu.memory_space<vmem_shared>> -> memref<640x32xf32, #tpu.memory_space<vmem_shared>>
      %dma_start3A_20 = arith.constant 0 : i32
      %dma_start3A_21 = tpu.memref_slice %arg6[%mul3A_2, %dma_start3A_20] : memref<10240x32xf32, #tpu.memory_space<hbm>> -> memref<640x32xf32, #tpu.memory_space<hbm>>
      tpu.enqueue_dma source(%dma_start3A_21 : memref<640x32xf32, #tpu.memory_space<hbm>>) target(%dma_start3A_19 : memref<640x32xf32, #tpu.memory_space<vmem_shared>>) target_semaphore(%run_scoped3A : memref<!tpu.dma_semaphore, #tpu.memory_space<semaphore_mem>>)
      %dma_wait3A = arith.constant 0 : i32
      %dma_wait3A_22 = tpu.memref_slice %arg13[%mul3A_2, %dma_wait3A] : memref<10240x32xf32, #tpu.memory_space<vmem_shared>> -> memref<640x32xf32, #tpu.memory_space<vmem_shared>>
      %dma_wait3A_23 = arith.constant 0 : i32
      %dma_wait3A_24 = tpu.memref_slice %arg6[%mul3A_2, %dma_wait3A_23] : memref<10240x32xf32, #tpu.memory_space<hbm>> -> memref<640x32xf32, #tpu.memory_space<hbm>>
      tpu.wait_dma2 semaphore(%run_scoped3A : memref<!tpu.dma_semaphore, #tpu.memory_space<semaphore_mem>>) src(%dma_wait3A_24 : memref<640x32xf32, #tpu.memory_space<hbm>>) dst(%dma_wait3A_22 : memref<640x32xf32, #tpu.memory_space<vmem_shared>>)
      tpu.yield
    }) : () -> ()
    %barrier3A_11 = arith.constant 0 : index
    tpu.barrier barrier_id(%barrier3A_11)
    %scan3A_12 = arith.constant 0 : i32
    %scan3A_13 = arith.constant 0 : i32
    %scan3A_14 = arith.constant 10 : i32
    %scan3A_15 = arith.addi %scan3A_13, %scan3A_14 : i32
    %scan3A_16 = arith.constant 1 : i32
    scf.for %scan3A_19 = %scan3A_13 to %scan3A_15 step %scan3A_16  : i32 {
      %dma_start3A = arith.constant 0 : i32
      %dma_start3A_20 = tpu.memref_slice %arg9[%scan3A_19, %dma_start3A] : memref<10x1024xi32, #tpu.memory_space<vmem>> -> memref<1x1024xi32, #tpu.memory_space<vmem>>
      %dma_start3A_21 = tpu.memref_squeeze %dma_start3A_20 : memref<1x1024xi32, #tpu.memory_space<vmem>> -> memref<1024xi32, #tpu.memory_space<vmem>>
      %dma_start3A_22 = arith.constant 0 : i32
      %dma_start3A_23 = arith.constant 0 : i32
      %dma_start3A_24 = tpu.memref_slice %arg14[%dma_start3A_22, %dma_start3A_23] : memref<10000x32xf32, #tpu.memory_space<vmem_shared>> -> memref<10000x32xf32, #tpu.memory_space<vmem_shared>>
      tpu.enqueue_indirect_dma source(%dma_start3A_24 : memref<10000x32xf32, #tpu.memory_space<vmem_shared>>) target(%arg11 : memref<1024x32xf32, #tpu.memory_space<vmem>>) offsets(%dma_start3A_21 : memref<1024xi32, #tpu.memory_space<vmem>>) semaphore(%arg12 : memref<!tpu.dma_semaphore, #tpu.memory_space<semaphore_mem>>)
      %dma_wait3A = arith.constant 0 : i32
      %dma_wait3A_25 = tpu.memref_slice %arg9[%scan3A_19, %dma_wait3A] : memref<10x1024xi32, #tpu.memory_space<vmem>> -> memref<1x1024xi32, #tpu.memory_space<vmem>>
      %dma_wait3A_26 = tpu.memref_squeeze %dma_wait3A_25 : memref<1x1024xi32, #tpu.memory_space<vmem>> -> memref<1024xi32, #tpu.memory_space<vmem>>
      %dma_wait3A_27 = arith.constant 0 : i32
      %dma_wait3A_28 = arith.constant 0 : i32
      %dma_wait3A_29 = tpu.memref_slice %arg14[%dma_wait3A_27, %dma_wait3A_28] : memref<10000x32xf32, #tpu.memory_space<vmem_shared>> -> memref<10000x32xf32, #tpu.memory_space<vmem_shared>>
      tpu.wait_indirect_dma semaphore(%arg12 : memref<!tpu.dma_semaphore, #tpu.memory_space<semaphore_mem>>) src(%dma_wait3A_29 : memref<10000x32xf32, #tpu.memory_space<vmem_shared>>) dst(%arg11 : memref<1024x32xf32, #tpu.memory_space<vmem>>)
      "tpu.region"() ({
        %run_scoped3A = tpu.sem_alloc : memref<!tpu.dma_semaphore, #tpu.memory_space<semaphore_mem>>
        %dma_start3A_30 = arith.constant 0 : i32
        %dma_start3A_31 = tpu.memref_slice %arg10[%scan3A_19, %dma_start3A_30] : memref<10x1024xi32, #tpu.memory_space<vmem>> -> memref<1x1024xi32, #tpu.memory_space<vmem>>
        %dma_start3A_32 = tpu.memref_squeeze %dma_start3A_31 : memref<1x1024xi32, #tpu.memory_space<vmem>> -> memref<1024xi32, #tpu.memory_space<vmem>>
        %dma_start3A_33 = arith.constant 0 : i32
        %dma_start3A_34 = arith.constant 0 : i32
        %dma_start3A_35 = tpu.memref_slice %arg13[%dma_start3A_33, %dma_start3A_34] : memref<10240x32xf32, #tpu.memory_space<vmem_shared>> -> memref<10240x32xf32, #tpu.memory_space<vmem_shared>>
        tpu.enqueue_indirect_dma source(%arg11 : memref<1024x32xf32, #tpu.memory_space<vmem>>) target(%dma_start3A_35 : memref<10240x32xf32, #tpu.memory_space<vmem_shared>>) offsets(%dma_start3A_32 : memref<1024xi32, #tpu.memory_space<vmem>>) semaphore(%run_scoped3A : memref<!tpu.dma_semaphore, #tpu.memory_space<semaphore_mem>>) {add = true}
        %dma_wait3A_36 = arith.constant 0 : i32
        %dma_wait3A_37 = tpu.memref_slice %arg10[%scan3A_19, %dma_wait3A_36] : memref<10x1024xi32, #tpu.memory_space<vmem>> -> memref<1x1024xi32, #tpu.memory_space<vmem>>
        %dma_wait3A_38 = tpu.memref_squeeze %dma_wait3A_37 : memref<1x1024xi32, #tpu.memory_space<vmem>> -> memref<1024xi32, #tpu.memory_space<vmem>>
        %dma_wait3A_39 = arith.constant 0 : i32
        %dma_wait3A_40 = arith.constant 0 : i32
        %dma_wait3A_41 = tpu.memref_slice %arg13[%dma_wait3A_39, %dma_wait3A_40] : memref<10240x32xf32, #tpu.memory_space<vmem_shared>> -> memref<10240x32xf32, #tpu.memory_space<vmem_shared>>
        tpu.wait_indirect_dma semaphore(%run_scoped3A : memref<!tpu.dma_semaphore, #tpu.memory_space<semaphore_mem>>) src(%arg11 : memref<1024x32xf32, #tpu.memory_space<vmem>>) dst(%dma_wait3A_41 : memref<10240x32xf32, #tpu.memory_space<vmem_shared>>)
        tpu.yield
      }) : () -> ()
    }
    %scan3A_17 = arith.constant 10 : i32
    %barrier3A_18 = arith.constant 0 : index
    tpu.barrier barrier_id(%barrier3A_18)
    "tpu.region"() ({
      %run_scoped3A = tpu.sem_alloc : memref<!tpu.dma_semaphore, #tpu.memory_space<semaphore_mem>>
      %dma_start3A = arith.constant 0 : i32
      %dma_start3A_19 = tpu.memref_slice %arg8[%arg0, %mul3A_2, %dma_start3A] : memref<2x10240x32xf32, #tpu.memory_space<hbm>> -> memref<1x640x32xf32, #tpu.memory_space<hbm>>
      %dma_start3A_20 = tpu.memref_squeeze %dma_start3A_19 : memref<1x640x32xf32, #tpu.memory_space<hbm>> -> memref<640x32xf32, #tpu.memory_space<hbm>>
      %dma_start3A_21 = arith.constant 0 : i32
      %dma_start3A_22 = tpu.memref_slice %arg13[%mul3A_2, %dma_start3A_21] : memref<10240x32xf32, #tpu.memory_space<vmem_shared>> -> memref<640x32xf32, #tpu.memory_space<vmem_shared>>
      tpu.enqueue_dma source(%dma_start3A_22 : memref<640x32xf32, #tpu.memory_space<vmem_shared>>) target(%dma_start3A_20 : memref<640x32xf32, #tpu.memory_space<hbm>>) target_semaphore(%run_scoped3A : memref<!tpu.dma_semaphore, #tpu.memory_space<semaphore_mem>>)
      %dma_wait3A = arith.constant 0 : i32
      %dma_wait3A_23 = tpu.memref_slice %arg8[%arg0, %mul3A_2, %dma_wait3A] : memref<2x10240x32xf32, #tpu.memory_space<hbm>> -> memref<1x640x32xf32, #tpu.memory_space<hbm>>
      %dma_wait3A_24 = tpu.memref_squeeze %dma_wait3A_23 : memref<1x640x32xf32, #tpu.memory_space<hbm>> -> memref<640x32xf32, #tpu.memory_space<hbm>>
      %dma_wait3A_25 = arith.constant 0 : i32
      %dma_wait3A_26 = tpu.memref_slice %arg13[%mul3A_2, %dma_wait3A_25] : memref<10240x32xf32, #tpu.memory_space<vmem_shared>> -> memref<640x32xf32, #tpu.memory_space<vmem_shared>>
      tpu.wait_dma2 semaphore(%run_scoped3A : memref<!tpu.dma_semaphore, #tpu.memory_space<semaphore_mem>>) src(%dma_wait3A_26 : memref<640x32xf32, #tpu.memory_space<vmem_shared>>) dst(%dma_wait3A_24 : memref<640x32xf32, #tpu.memory_space<hbm>>)
      tpu.yield
    }) : () -> ()
    return
  }
}

module attributes {stable_mosaic.version = 14 : i64} {
  func.func @body(%arg0: i32, %arg1: memref<1000x128xf32, #tpu.memory_space<vmem>>, %arg2: memref<128x64xf32, #tpu.memory_space<vmem>>, %arg3: memref<1x1000x1xf32, #tpu.memory_space<vmem>>, %arg4: memref<1x1000x1xf32, #tpu.memory_space<vmem>>, %arg5: memref<1000x32xf32, #tpu.memory_space<vmem>>, %arg6: memref<1000x32xf32, #tpu.memory_space<vmem>>) attributes {dimension_semantics = [#tpu.dimension_semantics<arbitrary>], iteration_bounds = array<i64: 10>, scalar_prefetch = 0 : i64, scratch_operands = 0 : i64, tpu.core_type = #tpu.core_type<tc>, window_params = [{transform_indices = @transform_0, window_bounds = array<i64: 1000, 128>}, {pipeline_mode = #tpu.pipeline_mode<synchronous>, transform_indices = @transform_1, window_bounds = array<i64: 128, 64>}, {transform_indices = @transform_2, window_bounds = array<i64: 1, 1000, 1>}, {transform_indices = @transform_3, window_bounds = array<i64: 1, 1000, 1>}, {transform_indices = @transform_4, window_bounds = array<i64: 1000, 32>}, {transform_indices = @transform_5, window_bounds = array<i64: 1000, 32>}]} {
    %get3A = arith.constant 0 : index
    %get3A_0 = arith.constant 0 : index
    %get3A_1 = arith.constant 0 : index
    %get3A_2 = vector.load %arg3[%get3A, %get3A_0, %get3A_1] : memref<1x1000x1xf32, #tpu.memory_space<vmem>>, vector<1x1000x1xf32>
    %get3A_3 = vector.shape_cast %get3A_2 : vector<1x1000x1xf32> to vector<1000x1xf32>
    %get3A_4 = arith.constant 0 : index
    %get3A_5 = arith.constant 0 : index
    %get3A_6 = arith.constant 0 : index
    %get3A_7 = vector.load %arg4[%get3A_4, %get3A_5, %get3A_6] : memref<1x1000x1xf32, #tpu.memory_space<vmem>>, vector<1x1000x1xf32>
    %get3A_8 = vector.shape_cast %get3A_7 : vector<1x1000x1xf32> to vector<1000x1xf32>
    %add3A = arith.addf %get3A_3, %get3A_8 : vector<1000x1xf32>
    %add3A_9 = arith.constant 1.000000e+00 : f32
    %add3A_10 = vector.broadcast %add3A_9 : f32 to vector<1000x1xf32>
    %add3A_11 = arith.addf %add3A, %add3A_10 : vector<1000x1xf32>
    %rsqrt3A = math.rsqrt %add3A_11 : vector<1000x1xf32>
    %get3A_12 = arith.constant 0 : index
    %get3A_13 = arith.constant 0 : index
    %get3A_14 = vector.load %arg1[%get3A_12, %get3A_13] : memref<1000x128xf32, #tpu.memory_space<vmem>>, vector<1000x128xf32>
    %get3A_15 = arith.constant 0 : index
    %get3A_16 = arith.constant 0 : index
    %get3A_17 = vector.load %arg2[%get3A_15, %get3A_16] : memref<128x64xf32, #tpu.memory_space<vmem>>, vector<128x64xf32>
    %dot_general3A = arith.constant dense<0.000000e+00> : vector<1000x64xf32>
    %dot_general3A_18 = tpu.matmul %get3A_14, %get3A_17, %dot_general3A {dimension_numbers = #tpu.dot_dimension_numbers<[1], [0], [0], [1], [0, 0, 1, 1], [], []>, transpose_lhs_hint = false} : vector<1000x128xf32>, vector<128x64xf32>, vector<1000x64xf32> -> vector<1000x64xf32>
    %mul3A = vector.broadcast %rsqrt3A : vector<1000x1xf32> to vector<1000x64xf32>
    %mul3A_19 = arith.mulf %dot_general3A_18, %mul3A : vector<1000x64xf32>
    %slice3A = vector.extract_strided_slice %mul3A_19 {offsets = [0, 0], sizes = [1000, 32], strides = [1, 1]} : vector<1000x64xf32> to vector<1000x32xf32>
    %swap3A = arith.constant 0 : index
    %swap3A_20 = arith.constant 0 : index
    %swap3A_21 = vector.load %arg5[%swap3A, %swap3A_20] : memref<1000x32xf32, #tpu.memory_space<vmem>>, vector<1000x32xf32>
    tpu.vector_store %arg5[%swap3A, %swap3A_20], %slice3A {strides = array<i32>} : memref<1000x32xf32, #tpu.memory_space<vmem>>, vector<1000x32xf32>,
    %slice3A_22 = vector.extract_strided_slice %mul3A_19 {offsets = [0, 32], sizes = [1000, 32], strides = [1, 1]} : vector<1000x64xf32> to vector<1000x32xf32>
    %swap3A_23 = arith.constant 0 : index
    %swap3A_24 = arith.constant 0 : index
    %swap3A_25 = vector.load %arg6[%swap3A_23, %swap3A_24] : memref<1000x32xf32, #tpu.memory_space<vmem>>, vector<1000x32xf32>
    tpu.vector_store %arg6[%swap3A_23, %swap3A_24], %slice3A_22 {strides = array<i32>} : memref<1000x32xf32, #tpu.memory_space<vmem>>, vector<1000x32xf32>,
    return
  }
  func.func @transform_0(%arg0: i32) -> (i32, i32) {
    %c0_i32 = arith.constant 0 : i32
    %c0_i32_0 = arith.constant 0 : i32
    return %arg0, %c0_i32 : i32, i32
  }
  func.func @transform_1(%arg0: i32) -> (i32, i32) {
    %c0_i32 = arith.constant 0 : i32
    %c0_i32_0 = arith.constant 0 : i32
    %c0_i32_1 = arith.constant 0 : i32
    return %c0_i32, %c0_i32_0 : i32, i32
  }
  func.func @transform_2(%arg0: i32) -> (i32, i32, i32) {
    %c0_i32 = arith.constant 0 : i32
    %c0_i32_0 = arith.constant 0 : i32
    %c0_i32_1 = arith.constant 0 : i32
    return %c0_i32, %arg0, %c0_i32_0 : i32, i32, i32
  }
  func.func @transform_3(%arg0: i32) -> (i32, i32, i32) {
    %c1_i32 = arith.constant 1 : i32
    %c0_i32 = arith.constant 0 : i32
    %c0_i32_0 = arith.constant 0 : i32
    return %c1_i32, %arg0, %c0_i32 : i32, i32, i32
  }
  func.func @transform_4(%arg0: i32) -> (i32, i32) {
    %c0_i32 = arith.constant 0 : i32
    %c0_i32_0 = arith.constant 0 : i32
    return %arg0, %c0_i32 : i32, i32
  }
  func.func @transform_5(%arg0: i32) -> (i32, i32) {
    %c0_i32 = arith.constant 0 : i32
    %c0_i32_0 = arith.constant 0 : i32
    return %arg0, %c0_i32 : i32, i32
  }
}

module attributes {stable_mosaic.version = 14 : i64} {
  func.func @body(%arg0: i32, %arg1: memref<1x1000x32xf32, #tpu.memory_space<vmem>>, %arg2: memref<1x1000x32xf32, #tpu.memory_space<vmem>>, %arg3: memref<1x1000x32xf32, #tpu.memory_space<vmem>>, %arg4: memref<1x1000x32xf32, #tpu.memory_space<vmem>>, %arg5: memref<1000x32xf32, #tpu.memory_space<vmem>>, %arg6: memref<1000x32xf32, #tpu.memory_space<vmem>>, %arg7: memref<1x1000x1xf32, #tpu.memory_space<vmem>>, %arg8: memref<1x1000x1xf32, #tpu.memory_space<vmem>>, %arg9: memref<64x8xf32, #tpu.memory_space<vmem>>, %arg10: memref<1x64xf32, #tpu.memory_space<vmem>>, %arg11: memref<1000x8xf32, #tpu.memory_space<vmem>>) attributes {dimension_semantics = [#tpu.dimension_semantics<arbitrary>], iteration_bounds = array<i64: 10>, scalar_prefetch = 0 : i64, scratch_operands = 0 : i64, tpu.core_type = #tpu.core_type<tc>, window_params = [{transform_indices = @transform_0, window_bounds = array<i64: 1, 1000, 32>}, {transform_indices = @transform_1, window_bounds = array<i64: 1, 1000, 32>}, {transform_indices = @transform_2, window_bounds = array<i64: 1, 1000, 32>}, {transform_indices = @transform_3, window_bounds = array<i64: 1, 1000, 32>}, {transform_indices = @transform_4, window_bounds = array<i64: 1000, 32>}, {transform_indices = @transform_5, window_bounds = array<i64: 1000, 32>}, {transform_indices = @transform_6, window_bounds = array<i64: 1, 1000, 1>}, {transform_indices = @transform_7, window_bounds = array<i64: 1, 1000, 1>}, {pipeline_mode = #tpu.pipeline_mode<synchronous>, transform_indices = @transform_8, window_bounds = array<i64: 64, 8>}, {pipeline_mode = #tpu.pipeline_mode<synchronous>, transform_indices = @transform_9, window_bounds = array<i64: 1, 64>}, {transform_indices = @transform_10, window_bounds = array<i64: 1000, 8>}]} {
    %get3A = arith.constant 0 : index
    %get3A_0 = arith.constant 0 : index
    %get3A_1 = arith.constant 0 : index
    %get3A_2 = vector.load %arg7[%get3A, %get3A_0, %get3A_1] : memref<1x1000x1xf32, #tpu.memory_space<vmem>>, vector<1x1000x1xf32>
    %get3A_3 = vector.shape_cast %get3A_2 : vector<1x1000x1xf32> to vector<1000x1xf32>
    %get3A_4 = arith.constant 0 : index
    %get3A_5 = arith.constant 0 : index
    %get3A_6 = arith.constant 0 : index
    %get3A_7 = vector.load %arg8[%get3A_4, %get3A_5, %get3A_6] : memref<1x1000x1xf32, #tpu.memory_space<vmem>>, vector<1x1000x1xf32>
    %get3A_8 = vector.shape_cast %get3A_7 : vector<1x1000x1xf32> to vector<1000x1xf32>
    %add3A = arith.addf %get3A_3, %get3A_8 : vector<1000x1xf32>
    %add3A_9 = arith.constant 1.000000e+00 : f32
    %add3A_10 = vector.broadcast %add3A_9 : f32 to vector<1000x1xf32>
    %add3A_11 = arith.addf %add3A, %add3A_10 : vector<1000x1xf32>
    %rsqrt3A = math.rsqrt %add3A_11 : vector<1000x1xf32>
    %get3A_12 = arith.constant 0 : index
    %get3A_13 = arith.constant 0 : index
    %get3A_14 = arith.constant 0 : index
    %get3A_15 = vector.load %arg1[%get3A_12, %get3A_13, %get3A_14] : memref<1x1000x32xf32, #tpu.memory_space<vmem>>, vector<1x1000x32xf32>
    %get3A_16 = vector.shape_cast %get3A_15 : vector<1x1000x32xf32> to vector<1000x32xf32>
    %get3A_17 = arith.constant 0 : index
    %get3A_18 = arith.constant 0 : index
    %get3A_19 = arith.constant 0 : index
    %get3A_20 = vector.load %arg2[%get3A_17, %get3A_18, %get3A_19] : memref<1x1000x32xf32, #tpu.memory_space<vmem>>, vector<1x1000x32xf32>
    %get3A_21 = vector.shape_cast %get3A_20 : vector<1x1000x32xf32> to vector<1000x32xf32>
    %add3A_22 = arith.addf %get3A_16, %get3A_21 : vector<1000x32xf32>
    %get3A_23 = arith.constant 0 : index
    %get3A_24 = arith.constant 0 : index
    %get3A_25 = vector.load %arg5[%get3A_23, %get3A_24] : memref<1000x32xf32, #tpu.memory_space<vmem>>, vector<1000x32xf32>
    %add3A_26 = arith.addf %add3A_22, %get3A_25 : vector<1000x32xf32>
    %get3A_27 = arith.constant 0 : index
    %get3A_28 = arith.constant 0 : index
    %get3A_29 = arith.constant 0 : index
    %get3A_30 = vector.load %arg3[%get3A_27, %get3A_28, %get3A_29] : memref<1x1000x32xf32, #tpu.memory_space<vmem>>, vector<1x1000x32xf32>
    %get3A_31 = vector.shape_cast %get3A_30 : vector<1x1000x32xf32> to vector<1000x32xf32>
    %get3A_32 = arith.constant 0 : index
    %get3A_33 = arith.constant 0 : index
    %get3A_34 = arith.constant 0 : index
    %get3A_35 = vector.load %arg4[%get3A_32, %get3A_33, %get3A_34] : memref<1x1000x32xf32, #tpu.memory_space<vmem>>, vector<1x1000x32xf32>
    %get3A_36 = vector.shape_cast %get3A_35 : vector<1x1000x32xf32> to vector<1000x32xf32>
    %add3A_37 = arith.addf %get3A_31, %get3A_36 : vector<1000x32xf32>
    %get3A_38 = arith.constant 0 : index
    %get3A_39 = arith.constant 0 : index
    %get3A_40 = vector.load %arg6[%get3A_38, %get3A_39] : memref<1000x32xf32, #tpu.memory_space<vmem>>, vector<1000x32xf32>
    %add3A_41 = arith.addf %add3A_37, %get3A_40 : vector<1000x32xf32>
    %concatenate3A = tpu.concatenate %add3A_26, %add3A_41 in 1 : vector<1000x32xf32>, vector<1000x32xf32> -> vector<1000x64xf32>
    %mul3A = vector.broadcast %rsqrt3A : vector<1000x1xf32> to vector<1000x64xf32>
    %mul3A_42 = arith.mulf %mul3A, %concatenate3A : vector<1000x64xf32>
    %get3A_43 = arith.constant 0 : index
    %get3A_44 = arith.constant 0 : index
    %get3A_45 = vector.load %arg10[%get3A_43, %get3A_44] : memref<1x64xf32, #tpu.memory_space<vmem>>, vector<1x64xf32>
    %add3A_46 = vector.broadcast %get3A_45 : vector<1x64xf32> to vector<1000x64xf32>
    %add3A_47 = arith.addf %mul3A_42, %add3A_46 : vector<1000x64xf32>
    %max3A = arith.constant 0.000000e+00 : f32
    %max3A_48 = vector.broadcast %max3A : f32 to vector<1000x64xf32>
    %max3A_49 = arith.maximumf %add3A_47, %max3A_48 : vector<1000x64xf32>
    %get3A_50 = arith.constant 0 : index
    %get3A_51 = arith.constant 0 : index
    %get3A_52 = vector.load %arg9[%get3A_50, %get3A_51] : memref<64x8xf32, #tpu.memory_space<vmem>>, vector<64x8xf32>
    %dot_general3A = arith.constant dense<0.000000e+00> : vector<1000x8xf32>
    %dot_general3A_53 = tpu.matmul %max3A_49, %get3A_52, %dot_general3A {dimension_numbers = #tpu.dot_dimension_numbers<[1], [0], [0], [1], [0, 0, 1, 1], [], []>, transpose_lhs_hint = false} : vector<1000x64xf32>, vector<64x8xf32>, vector<1000x8xf32> -> vector<1000x8xf32>
    %mul3A_54 = vector.broadcast %rsqrt3A : vector<1000x1xf32> to vector<1000x8xf32>
    %mul3A_55 = arith.mulf %dot_general3A_53, %mul3A_54 : vector<1000x8xf32>
    %swap3A = arith.constant 0 : index
    %swap3A_56 = arith.constant 0 : index
    %swap3A_57 = vector.load %arg11[%swap3A, %swap3A_56] : memref<1000x8xf32, #tpu.memory_space<vmem>>, vector<1000x8xf32>
    tpu.vector_store %arg11[%swap3A, %swap3A_56], %mul3A_55 {strides = array<i32>} : memref<1000x8xf32, #tpu.memory_space<vmem>>, vector<1000x8xf32>,
    return
  }
  func.func @transform_0(%arg0: i32) -> (i32, i32, i32) {
    %c0_i32 = arith.constant 0 : i32
    %c0_i32_0 = arith.constant 0 : i32
    %c0_i32_1 = arith.constant 0 : i32
    return %c0_i32, %arg0, %c0_i32_0 : i32, i32, i32
  }
  func.func @transform_1(%arg0: i32) -> (i32, i32, i32) {
    %c1_i32 = arith.constant 1 : i32
    %c0_i32 = arith.constant 0 : i32
    %c0_i32_0 = arith.constant 0 : i32
    return %c1_i32, %arg0, %c0_i32 : i32, i32, i32
  }
  func.func @transform_2(%arg0: i32) -> (i32, i32, i32) {
    %c0_i32 = arith.constant 0 : i32
    %c0_i32_0 = arith.constant 0 : i32
    %c0_i32_1 = arith.constant 0 : i32
    return %c0_i32, %arg0, %c0_i32_0 : i32, i32, i32
  }
  func.func @transform_3(%arg0: i32) -> (i32, i32, i32) {
    %c1_i32 = arith.constant 1 : i32
    %c0_i32 = arith.constant 0 : i32
    %c0_i32_0 = arith.constant 0 : i32
    return %c1_i32, %arg0, %c0_i32 : i32, i32, i32
  }
  func.func @transform_4(%arg0: i32) -> (i32, i32) {
    %c0_i32 = arith.constant 0 : i32
    %c0_i32_0 = arith.constant 0 : i32
    return %arg0, %c0_i32 : i32, i32
  }
  func.func @transform_5(%arg0: i32) -> (i32, i32) {
    %c0_i32 = arith.constant 0 : i32
    %c0_i32_0 = arith.constant 0 : i32
    return %arg0, %c0_i32 : i32, i32
  }
  func.func @transform_6(%arg0: i32) -> (i32, i32, i32) {
    %c0_i32 = arith.constant 0 : i32
    %c0_i32_0 = arith.constant 0 : i32
    %c0_i32_1 = arith.constant 0 : i32
    return %c0_i32, %arg0, %c0_i32_0 : i32, i32, i32
  }
  func.func @transform_7(%arg0: i32) -> (i32, i32, i32) {
    %c1_i32 = arith.constant 1 : i32
    %c0_i32 = arith.constant 0 : i32
    %c0_i32_0 = arith.constant 0 : i32
    return %c1_i32, %arg0, %c0_i32 : i32, i32, i32
  }
  func.func @transform_8(%arg0: i32) -> (i32, i32) {
    %c0_i32 = arith.constant 0 : i32
    %c0_i32_0 = arith.constant 0 : i32
    %c0_i32_1 = arith.constant 0 : i32
    return %c0_i32, %c0_i32_0 : i32, i32
  }
  func.func @transform_9(%arg0: i32) -> (i32, i32) {
    %c0_i32 = arith.constant 0 : i32
    %c0_i32_0 = arith.constant 0 : i32
    %c0_i32_1 = arith.constant 0 : i32
    return %c0_i32, %c0_i32_0 : i32, i32
  }
  func.func @transform_10(%arg0: i32) -> (i32, i32) {
    %c0_i32 = arith.constant 0 : i32
    %c0_i32_0 = arith.constant 0 : i32
    return %arg0, %c0_i32 : i32, i32
  }
}

module attributes {stable_mosaic.version = 14 : i64} {
  func.func @body(%arg0: i32, %arg1: memref<1x1000x8xf32, #tpu.memory_space<vmem>>, %arg2: memref<1x1000x8xf32, #tpu.memory_space<vmem>>, %arg3: memref<1000x8xf32, #tpu.memory_space<vmem>>, %arg4: memref<1x1000x1xf32, #tpu.memory_space<vmem>>, %arg5: memref<1x1000x1xf32, #tpu.memory_space<vmem>>, %arg6: memref<1x2xf32, #tpu.memory_space<vmem>>, %arg7: memref<1000x2xf32, #tpu.memory_space<vmem>>) attributes {dimension_semantics = [#tpu.dimension_semantics<arbitrary>], iteration_bounds = array<i64: 10>, scalar_prefetch = 0 : i64, scratch_operands = 0 : i64, tpu.core_type = #tpu.core_type<tc>, window_params = [{transform_indices = @transform_0, window_bounds = array<i64: 1, 1000, 8>}, {transform_indices = @transform_1, window_bounds = array<i64: 1, 1000, 8>}, {transform_indices = @transform_2, window_bounds = array<i64: 1000, 8>}, {transform_indices = @transform_3, window_bounds = array<i64: 1, 1000, 1>}, {transform_indices = @transform_4, window_bounds = array<i64: 1, 1000, 1>}, {pipeline_mode = #tpu.pipeline_mode<synchronous>, transform_indices = @transform_5, window_bounds = array<i64: 1, 2>}, {transform_indices = @transform_6, window_bounds = array<i64: 1000, 2>}]} {
    %get3A = arith.constant 0 : index
    %get3A_0 = arith.constant 0 : index
    %get3A_1 = arith.constant 0 : index
    %get3A_2 = vector.load %arg4[%get3A, %get3A_0, %get3A_1] : memref<1x1000x1xf32, #tpu.memory_space<vmem>>, vector<1x1000x1xf32>
    %get3A_3 = vector.shape_cast %get3A_2 : vector<1x1000x1xf32> to vector<1000x1xf32>
    %get3A_4 = arith.constant 0 : index
    %get3A_5 = arith.constant 0 : index
    %get3A_6 = arith.constant 0 : index
    %get3A_7 = vector.load %arg5[%get3A_4, %get3A_5, %get3A_6] : memref<1x1000x1xf32, #tpu.memory_space<vmem>>, vector<1x1000x1xf32>
    %get3A_8 = vector.shape_cast %get3A_7 : vector<1x1000x1xf32> to vector<1000x1xf32>
    %add3A = arith.addf %get3A_3, %get3A_8 : vector<1000x1xf32>
    %add3A_9 = arith.constant 1.000000e+00 : f32
    %add3A_10 = vector.broadcast %add3A_9 : f32 to vector<1000x1xf32>
    %add3A_11 = arith.addf %add3A, %add3A_10 : vector<1000x1xf32>
    %rsqrt3A = math.rsqrt %add3A_11 : vector<1000x1xf32>
    %get3A_12 = arith.constant 0 : index
    %get3A_13 = arith.constant 0 : index
    %get3A_14 = arith.constant 0 : index
    %get3A_15 = vector.load %arg1[%get3A_12, %get3A_13, %get3A_14] : memref<1x1000x8xf32, #tpu.memory_space<vmem>>, vector<1x1000x8xf32>
    %get3A_16 = vector.shape_cast %get3A_15 : vector<1x1000x8xf32> to vector<1000x8xf32>
    %get3A_17 = arith.constant 0 : index
    %get3A_18 = arith.constant 0 : index
    %get3A_19 = arith.constant 0 : index
    %get3A_20 = vector.load %arg2[%get3A_17, %get3A_18, %get3A_19] : memref<1x1000x8xf32, #tpu.memory_space<vmem>>, vector<1x1000x8xf32>
    %get3A_21 = vector.shape_cast %get3A_20 : vector<1x1000x8xf32> to vector<1000x8xf32>
    %add3A_22 = arith.addf %get3A_16, %get3A_21 : vector<1000x8xf32>
    %get3A_23 = arith.constant 0 : index
    %get3A_24 = arith.constant 0 : index
    %get3A_25 = vector.load %arg3[%get3A_23, %get3A_24] : memref<1000x8xf32, #tpu.memory_space<vmem>>, vector<1000x8xf32>
    %add3A_26 = arith.addf %add3A_22, %get3A_25 : vector<1000x8xf32>
    %mul3A = vector.broadcast %rsqrt3A : vector<1000x1xf32> to vector<1000x8xf32>
    %mul3A_27 = arith.mulf %mul3A, %add3A_26 : vector<1000x8xf32>
    %slice3A = vector.extract_strided_slice %mul3A_27 {offsets = [0, 0], sizes = [1000, 2], strides = [1, 1]} : vector<1000x8xf32> to vector<1000x2xf32>
    %get3A_28 = arith.constant 0 : index
    %get3A_29 = arith.constant 0 : index
    %get3A_30 = vector.load %arg6[%get3A_28, %get3A_29] : memref<1x2xf32, #tpu.memory_space<vmem>>, vector<1x2xf32>
    %add3A_31 = vector.broadcast %get3A_30 : vector<1x2xf32> to vector<1000x2xf32>
    %add3A_32 = arith.addf %slice3A, %add3A_31 : vector<1000x2xf32>
    %swap3A = arith.constant 0 : index
    %swap3A_33 = arith.constant 0 : index
    %swap3A_34 = vector.load %arg7[%swap3A, %swap3A_33] : memref<1000x2xf32, #tpu.memory_space<vmem>>, vector<1000x2xf32>
    tpu.vector_store %arg7[%swap3A, %swap3A_33], %add3A_32 {strides = array<i32>} : memref<1000x2xf32, #tpu.memory_space<vmem>>, vector<1000x2xf32>,
    return
  }
  func.func @transform_0(%arg0: i32) -> (i32, i32, i32) {
    %c0_i32 = arith.constant 0 : i32
    %c0_i32_0 = arith.constant 0 : i32
    %c0_i32_1 = arith.constant 0 : i32
    return %c0_i32, %arg0, %c0_i32_0 : i32, i32, i32
  }
  func.func @transform_1(%arg0: i32) -> (i32, i32, i32) {
    %c1_i32 = arith.constant 1 : i32
    %c0_i32 = arith.constant 0 : i32
    %c0_i32_0 = arith.constant 0 : i32
    return %c1_i32, %arg0, %c0_i32 : i32, i32, i32
  }
  func.func @transform_2(%arg0: i32) -> (i32, i32) {
    %c0_i32 = arith.constant 0 : i32
    %c0_i32_0 = arith.constant 0 : i32
    return %arg0, %c0_i32 : i32, i32
  }
  func.func @transform_3(%arg0: i32) -> (i32, i32, i32) {
    %c0_i32 = arith.constant 0 : i32
    %c0_i32_0 = arith.constant 0 : i32
    %c0_i32_1 = arith.constant 0 : i32
    return %c0_i32, %arg0, %c0_i32_0 : i32, i32, i32
  }
  func.func @transform_4(%arg0: i32) -> (i32, i32, i32) {
    %c1_i32 = arith.constant 1 : i32
    %c0_i32 = arith.constant 0 : i32
    %c0_i32_0 = arith.constant 0 : i32
    return %c1_i32, %arg0, %c0_i32 : i32, i32, i32
  }
  func.func @transform_5(%arg0: i32) -> (i32, i32) {
    %c0_i32 = arith.constant 0 : i32
    %c0_i32_0 = arith.constant 0 : i32
    %c0_i32_1 = arith.constant 0 : i32
    return %c0_i32, %c0_i32_0 : i32, i32
  }
  func.func @transform_6(%arg0: i32) -> (i32, i32) {
    %c0_i32 = arith.constant 0 : i32
    %c0_i32_0 = arith.constant 0 : i32
    return %arg0, %c0_i32 : i32, i32
  }
}

</mosaic_0001>

<sc_bundles>
// kernel: kernel.11.cloned.1.call-start
scs
__scs_entry_jumppad:
0x0: {  	(pc) =	sbr.rel $0x88, $3  }
0x1: {  	(tag) =	ssettag $0x0;
	lr =	simm.s32 $0x1  }
0x2: {  	[smem:$0x3F9B] =	sst lr;
	_ =	strace $0xD0000000  }
0x3: {  	_ = 	snop  }
0x4: {  	_ = 	snop  }
0x5: {  	_ = 	snop  }
0x6: {  	_ = 	snop  }
0x7: {  	_ = 	snop  }
__scs_overlays_trampoline_lowered:
0x8: {  	[smem:$0x3FAA] =	sst s0  }
0x9: {  	[smem:$0x3FAB] =	sst s1  }
0xa: {  	[smem:$0x3FAC] =	sst s2  }
0xb: {  	[smem:$0x3FAD] =	sst s3  }
0xc: {  	[smem:$0x3FAE] =	sst s4  }
0xd: {  	[smem:$0x3FAF] =	sst s5  }
0xe: {  	[smem:$0x3FB0] =	sst s6  }
0xf: {  	[smem:$0x3FB1] =	sst s7  }
0x10: {  	[smem:$0x3FB2] =	sst s8  }
0x11: {  	[smem:$0x3FB3] =	sst s9;
	s0 =	simm.s32 @!p0 $0x0  }
0x12: {  	s1 =	sld [smem:$0x3F99];
	s0 =	simm.s32 @p0 $0x1  }
0x13: {  	[smem:$0x3FB4] =	sst s0;
	s0 =	simm.s32 @!p1 $0x0  }
0x14: {  	s2 =	sld [smem:$0x3F98];
	s0 =	simm.s32 @p1 $0x1  }
0x15: {  	[smem:$0x3FB5] =	sst s0;
	s0 =	simm.s32 @!p2 $0x0  }
0x16: {  	s3 =	sld [smem:$0x3FDB];
	s0 =	simm.s32 @p2 $0x1  }
0x17: {  	s4 =	simm.s32 $0x1BF5;
	[smem:$0x3FB7] =	sst s0  }
0x18: {  	s0 =	sld [smem:$0x3F9A];
	_ =	swait.ge [sflag:s4], $0x0  }
0x19: {  	s7 =	sld [smem:$0x3F9B]  }
0x1a: {  	s8 =	sadd.s32 $0xFFFFE003, lr  }
0x1b: {  	s9 =	sadd.s32 $0xFFFFFEF7, lr;
	s5 =	simm.s32 $0xFFFFFFFF;
	p2 =	slt.u32 s8, $0xFFFFF086  }
0x1c: {  	p1 =	slt.u32 s9, $0xF7A;
	s5 =	simm.s32 @!p2 $0x0  }
0x1d: {  	s5 =	simm.s32 @p1 $0x1;
	p0 =	seq.s32 s7, s2  }
0x1e: {  	s7 =	smul.u32 @!p0 $0xF7A, s2;
	p2 =	seq.s32 @!p0 s5, $0x0  }
0x1f: {  	s9 =	smul.u32 $0xF7A, s1;
	s8 =	simm.s32 @!p0 $0x1BF5;
	p2 =	por !p2, p0  }
0x20: {  	[sflag:s8] =	ssyncset.s32 @!p0 $0xFFFFF086;
	s6 =	sadd.s32 @!p0 s3, s7;
	s7 =	simm.s32 @!p0 $0x108  }
0x21: {  	s3 =	sadd.s32 s3, s9;
	s6 =	sadd.s32 @!p0 $0x88, s6;
	s7 =	simm.s32 @p2 $0x1082  }
0x22: {  	[simem:s7], [sflag:s8] =	dma.local @!p0 [hbm:s6], $0xF7A  }
0x23: {  	s9 =	sor.u32 $0xD0000000, s2;
	s6 =	simm.s32 $0x108;
	_ =	swait.ge @!p0 [sflag:s8], $0x0  }
0x24: {  	s3 =	sadd.s32 $0x88, s3;
	s6 =	simm.s32 @!p1 $0x1082;
	[sflag:s4] =	ssyncset.s32 $0xFFFFF086  }
0x25: {  	[simem:s6], [sflag:s4] =	dma.local [hbm:s3], $0xF7A  }
0x26: {  	[smem:$0x3F9B] =	sst s1;
	(tag) =	ssettag s2;
	_ =	strace s9  }
0x27: {  	s1 =	sld [smem:$0x3FAB]  }
0x28: {  	s2 =	sld [smem:$0x3FAC]  }
0x29: {  	s4 =	sld [smem:$0x3FAE]  }
0x2a: {  	p0 =	seq.s32 s5, $0x0;
	s5 =	sld [smem:$0x3FAF]  }
0x2b: {  	s6 =	sld [smem:$0x3FB0]  }
0x2c: {  	s7 =	sld [smem:$0x3FB1]  }
0x2d: {  	s3 =	simm.s32 $0x108;
	s8 =	sld [smem:$0x3FB2]  }
0x2e: {  	s3 =	simm.s32 @!p0 $0x1082;
	s9 =	sld [smem:$0x3FB3]  }
0x2f: {  	lr =	sadd.s32 s0, s3;
	s0 =	sld [smem:$0x3FAA]  }
0x30: {  	s3 =	sld [smem:$0x3FAD]  }
0x31: {  	[smem:$0x3FB6] =	sst s10  }
0x32: {  	s10 =	sld [smem:$0x3FB4];
	_ =	sdelay $0x3  }
0x33: {  	p0 =	seq.s32 s10, $0x1;
	s10 =	sld [smem:$0x3FB6];
	_ =	sdelay $0x3  }
0x34: {  	[smem:$0x3FB6] =	sst s10  }
0x35: {  	s10 =	sld [smem:$0x3FB5];
	_ =	sdelay $0x3  }
0x36: {  	p1 =	seq.s32 s10, $0x1;
	s10 =	sld [smem:$0x3FB6];
	_ =	sdelay $0x3  }
0x37: {  	[smem:$0x3FB6] =	sst s10  }
0x38: {  	s10 =	sld [smem:$0x3FB7]  }
0x39: {  	_ = 	snop;
	(pc) =	sbr.ind lr, $3  }
0x3a: {  	_ = 	snop  }
0x3b: {  	_ = 	snop  }
0x3c: {  	p2 =	seq.s32 s10, $0x1;
	s10 =	sld [smem:$0x3FB6]  }
0x3d: {  	_ =	shalt  }
0x3e: {  	_ =	shalt  }
0x3f: {  	_ =	shalt  }
0x40: {  	_ =	shalt  }
0x41: {  	_ =	shalt  }
0x42: {  	_ =	shalt  }
0x43: {  	_ =	shalt  }
0x44: {  	_ =	shalt  }
0x45: {  	_ =	shalt  }
0x46: {  	_ =	shalt  }
0x47: {  	_ =	shalt  }
0x48: {  	_ =	shalt  }
0x49: {  	_ =	shalt  }
0x4a: {  	_ =	shalt  }
0x4b: {  	_ =	shalt  }
0x4c: {  	_ =	shalt  }
0x4d: {  	_ =	shalt  }
0x4e: {  	_ =	shalt  }
0x4f: {  	_ =	shalt  }
0x50: {  	_ =	shalt  }
0x51: {  	_ =	shalt  }
0x52: {  	_ =	shalt  }
0x53: {  	_ =	shalt  }
0x54: {  	_ =	shalt  }
0x55: {  	_ =	shalt  }
0x56: {  	_ =	shalt  }
0x57: {  	_ =	shalt  }
0x58: {  	_ =	shalt  }
0x59: {  	_ =	shalt  }
0x5a: {  	_ =	shalt  }
0x5b: {  	_ =	shalt  }
0x5c: {  	_ =	shalt  }
0x5d: {  	_ =	shalt  }
0x5e: {  	_ =	shalt  }
0x5f: {  	_ =	shalt  }
0x60: {  	_ =	shalt  }
0x61: {  	_ =	shalt  }
0x62: {  	_ =	shalt  }
0x63: {  	_ =	shalt  }
0x64: {  	_ =	shalt  }
0x65: {  	_ =	shalt  }
0x66: {  	_ =	shalt  }
0x67: {  	_ =	shalt  }
0x68: {  	_ =	shalt  }
0x69: {  	_ =	shalt  }
0x6a: {  	_ =	shalt  }
0x6b: {  	_ =	shalt  }
0x6c: {  	_ =	shalt  }
0x6d: {  	_ =	shalt  }
0x6e: {  	_ =	shalt  }
0x6f: {  	_ =	shalt  }
0x70: {  	_ =	shalt  }
0x71: {  	_ =	shalt  }
0x72: {  	_ =	shalt  }
0x73: {  	_ =	shalt  }
0x74: {  	_ =	shalt  }
0x75: {  	_ =	shalt  }
0x76: {  	_ =	shalt  }
0x77: {  	_ =	shalt  }
0x78: {  	_ =	shalt  }
0x79: {  	_ =	shalt  }
0x7a: {  	_ =	shalt  }
0x7b: {  	_ =	shalt  }
0x7c: {  	_ =	shalt  }
0x7d: {  	_ =	shalt  }
0x7e: {  	_ =	shalt  }
0x7f: {  	_ =	shalt  }
0x80: {  	_ =	shalt  }
0x81: {  	_ =	shalt  }
0x82: {  	_ =	shalt  }
0x83: {  	_ =	shalt  }
0x84: {  	_ =	shalt  }
0x85: {  	_ =	shalt  }
0x86: {  	_ =	shalt  }
0x87: {  	_ =	shalt  }
.Lfunc_end0:
.L_simem_size_0:
called_computation.1_lowered:
.L_overlay_start_0:
0x88: {  	s2 =	sld [smem:$0x3FD9]  }
0x89: {  	s3 =	sld [smem:$0x3FFE];
	_ =	sdelay $0x1  }
0x8a: {  	s1 =	srdreg.scid  }
0x8b: {  	s0 =	sand.u32 $0x1, s1  }
0x8c: {  	s16 =	sshll.u32 s0, $0xA;
	s2 =	sadd.s32 s3, s2  }
0x8d: {  	s2 =	sadd.s32 s2, s16  }
0x8e: {  	[smem:$0x3FC2] =	sst s2  }
0x8f: {  	_ = 	snop  }
0x90: {  	(tm) =	ssettm $0x1  }
0x91: {  	s17 =	sld [smem:$0x3FFB];
	_ =	sdelay $0x3  }
0x92: {  	_ =	strace s17  }
0x93: {  	s2 =	sld [smem:$0x3FFC];
	_ =	sdelay $0x3  }
0x94: {  	_ =	strace s2  }
0x95: {  	s2 =	sld [smem:$0x3FFD];
	_ =	sdelay $0x3  }
0x96: {  	_ =	strace s2  }
0x97: {  	_ =	strace $0x8FFFFFFF  }
0x98: {  	s18 =	sld [smem:$0x3FDB];
	_ =	sdelay $0x1  }
0x99: {  	s19 =	simm.s32 $_scs_section_size  }
0x9a: {  	s4 =	simm.s32 $_size__tile_overlayer_lowered;
	s5 =	simm.s32 $_tile_overlayer_lowered  }
0x9b: {  	s22 =	simm.s32 $0x1BFF;
	s21 =	sshll.u32 s5, $0x1;
	s2 =	sadd.s32 s19, s18  }
0x9c: {  	s6 =	simm.s32 $0x0;
	s20 =	sshll.u32 s4, $0x1;
	s4 =	sadd.s32 s21, s2  }
0x9d: {  	[timem:s6], [sflag:s22] =	dma.local [hbm:s4], s20  }
0x9e: {  	_ =	swait.ge [sflag:s22], s20  }
0x9f: {  	s3 =	ssub.s32 $0x0, s20;
	[sflag:s22] =	ssyncset.done $0x0  }
0xa0: {  	[sflag:s22] =	ssyncadd.s32 s3;
	_ =	sdelay $0x1  }
0xa1: {  	s23 =	simm.s32 $0x1B8B  }
0xa2: {  	_ =	swait.ge [sflag:s23], $0x1  }
0xa3: {  	[sflag:s23] =	ssyncset.done $0x0  }
0xa4: {  	s25 =	simm.s32 $0x1B8E;
	s24 =	sld [smem:$0x3FFE];
	[sflag:s23] =	ssyncadd.s32 $0xFFFFFFFF  }
0xa5: {  	s26 =	simm.s32 $execute0_lowered;
	[smem:$0x3FD2] =	sst s25  }
0xa6: {  	s4 =	sshll.u32 s26, $0x1;
	_ =	strace $0x80000049;
	[dreg:$0x1] =	wrdreg $0xFFFFFFFF  }
0xa7: {  	s28 =	simm.s32 $_size_execute0_lowered;
	s2 =	sadd.s32 s2, s4;
	[dreg:$0x0] =	wrdreg $0x0  }
0xa8: {  	s4 =	sshll.u32 s28, $0x1;
	[dreg:$0x2] =	wrdreg s2  }
0xa9: {  	[dreg:$0x3] =	wrdreg s4  }
0xaa: {  	[dreg:$0x4] =	wrdreg $0xC0  }
0xab: {  	_ =	task [dreg:s6], $0x5FFFF  }
0xac: {  	[dreg:$0x1] =	wrdreg $0xFFFFFFFF  }
0xad: {  	[dreg:$0x0] =	wrdreg $0x60  }
0xae: {  	[dreg:$0x2] =	wrdreg s24  }
0xaf: {  	[dreg:$0x3] =	wrdreg $0x120000  }
0xb0: {  	[dreg:$0x4] =	wrdreg $0xD0000  }
0xb1: {  	[dreg:$0x5] =	wrdreg $0x9  }
0xb2: {  	_ =	task.clear_ibuf [dreg:s6], $0x6FFFF;
	_ =	strace $0x90000049  }
0xb3: {  	s29 =	simm.s32 $0x9;
	_ =	strace $0x8000004B  }
0xb4: {  	_ =	swait.ge [sflag:s29], $0x1  }
0xb5: {  	[sflag:s29] =	ssyncadd.s32 $0xFFFFFFFF  }
0xb6: {  	_ =	strace $0x9000004B  }
0xb7: {  	_ =	sfence  }
0xb8: {  	s30 =	sld [smem:$0x0];
	_ =	sdelay $0x2  }
0xb9: {  	s31 =	sshll.u32 s1, $0xD;
	s1 =	sshrl.u32 s1, $0x2  }
0xba: {  	s3 =	sand.u32 $0x4000, s31;
	s1 =	sadd.s32 s1, s30  }
0xbb: {  	s0 =	sor.u32 s3, s0;
	s1 =	sshll.u32 s1, $0x11  }
0xbc: {  	s0 =	sor.u32 s1, s0  }
0xbd: {  	s0 =	sadd.s32 $0x8F2B, s0  }
0xbe: {  	[sflag:s0] =	ssyncadd.remote.s32 $0x1  }
0xbf: {  	_ =	sfence.sel $0xFFFF  }
0xc0: {  	[dreg:$0x0] =	wrdreg $0xFFFFFFFF;
	(pc) =	sbr.abs _section_cstart, $3  }
0xc1: {  	[dreg:$0x1] =	wrdreg $0xFFFFFFFF  }
0xc2: {  	_ =	task.clear_ibuf [dreg:s6], $0x2FFFF;
	_ =	strace $0x9FFFFFFF  }
0xc3: {  	(tm) =	ssettm $0x7FFFFFFF  }
tec
execute0_lowered:
.L_overlay_start_1:
0x0: {  	(tag) =	ssettag $0x1  }
0x1: {  	s0 =	srdreg.scid;
	s16 =	stileid.u32  }
0x2: {  	s1 =	sand.u32 $0x1, s0;
	s7 =	smul.u32 $0x4E20, s16  }
0x3: {  	s9 =	rddreg [dreg:$0x0];
	s10 =	smul.u32 $0x5000, s16;
	s3 =	sshll.u32 s1, $0x4  }
0x4: {  	s2 =	rddreg [dreg:$0x1];
	s6 =	smul.u32 $0x50000, s1;
	s4 =	sor.u32 s16, s3  }
0x5: {  	s3 =	rddreg [dreg:$0x2];
	s8 =	sshrl.u32 s7, $0x3;
	s5 =	smul.u32 $0x500, s4  }
0x6: {  	s4 =	simm.s32 $0x0;
	s8 =	sadd.s32 s8, s9;
	s6 =	sadd.s32 s10, s6  }
0x7: {  	[smem:$0x7FF] =	sst s4;
	s17 =	sadd.s32 $0x6FE00, s8;
	s19 =	sadd.s32 $0x66000, s8  }
0x8: {  	_ =	strace $0x8000004A;
	s5 =	sadd.s32 s5, s9;
	[dreg:$0x6] =	wrdreg s17  }
0x9: {  	s6 =	sshrl.u32 s6, $0x3;
	[dreg:$0x8] =	wrdreg s19;
	s11 =	sadd.s32 $0xC000, s5  }
0xa: {  	s6 =	sadd.s32 s6, s9;
	s5 =	sadd.s32 $0x1600, s5;
	[dreg:$0x4] =	wrdreg s11  }
0xb: {  	s18 =	sadd.s32 $0x97C00, s6;
	[dreg:$0x5] =	wrdreg s5  }
0xc: {  	s21 =	sadd.s32 $0x83C00, s6;
	[dreg:$0x7] =	wrdreg s18  }
0xd: {  	[dreg:$0x9] =	wrdreg s21  }
0xe: {  	s5 =	simm.s32 $0x2;
	s20 =	rddreg [dreg:$0x4]  }
0xf: {  	[tilespmem:s4], [sflag:$0x2] =	stream.linear.gather [hbm4b:s20+s4], $0x2800, $0x38;
	[tilespmem:$0x16E20] =	vst v63  }
0x10: {  	_ =	swait.ge [sflag:s5], $0x2800  }
0x11: {  	[sflag:s5] =	ssyncset.done $0x0  }
0x12: {  	s6 =	simm.s32 $0x2800;
	s22 =	rddreg [dreg:$0x5];
	[sflag:s5] =	ssyncadd.s32 $0xFFFFD800  }
0x13: {  	[tilespmem:s6], [sflag:$0x2] =	stream.linear.gather [hbm4b:s22+s4], $0x2800, $0x38;
	[tilespmem:$0x16E20] =	vst v63  }
0x14: {  	s25 =	sshll.u32 s16, $0x6;
	_ =	swait.ge [sflag:s5], $0x2800  }
0x15: {  	s24 =	sadd.s32 s7, s2;
	s7 =	sor.u32 $0x1C02, s25;
	[sflag:s5] =	ssyncset.done $0x0  }
0x16: {  	s8 =	sshrl.u32 s24, $0x3;
	s23 =	rddreg [dreg:$0x6];
	[sflag:s5] =	ssyncadd.s32 $0xFFFFD800  }
0x17: {  	[spmem:s8], [sflag:s7] =	dma.local [hbm:s23], $0x9C4  }
0x18: {  	s26 =	sshrl.u32 s10, $0x3;
	_ =	swait.ge [sflag:s5], $0x9C4  }
0x19: {  	s10 =	sadd.s32 s10, s3;
	s9 =	sadd.s32 s26, s9;
	[sflag:s5] =	ssyncset.done $0x0  }
0x1a: {  	s10 =	sshrl.u32 s10, $0x3;
	s9 =	sadd.s32 $0x79C00, s9;
	[sflag:s5] =	ssyncadd.s32 $0xFFFFF63C  }
0x1b: {  	[spmem:s10], [sflag:s7] =	dma.local [hbm:s9], $0xA00  }
0x1c: {  	_ =	swait.ge [sflag:s5], $0xA00  }
0x1d: {  	[sflag:s5] =	ssyncset.done $0x0  }
0x1e: {  	s12 =	simm.s32 $0x5000;
	[sflag:s5] =	ssyncadd.s32 $0xFFFFF600  }
0x1f: {  	s13 =	simm.s32 $0x1;
	s11 =	simm.s32 $0x400;
	[bflag:$0x0] =	sbarrier.arrive $0xFFFF  }
0x20: {  	[tilespmem:s12], [sflag:$0x1] =	stream.indirect.gather [spmem:s2], $0x20, s4, s11, $0xb8;
	[tilespmem:$0x16E20] =	vst v63  }
0x21: {  	_ =	swait.ge [sflag:s13], $0x8000  }
0x22: {  	[sflag:s13] =	ssyncset.done $0x0  }
0x23: {  	[sflag:s13] =	ssyncadd.s32 $0xFFFF8000  }
0x24: {  	[spmem:s3] =	stream.indirect.scatter.add.f32 [tilespmem:s12], [sflag:$0x2], $0x20, s6, s11, $0xb8;
	[tilespmem:$0x16E20] =	vst v63  }
0x25: {  	_ =	swait.ge [sflag:s5], $0x8000  }
0x26: {  	[sflag:s5] =	ssyncset.done $0x0  }
0x27: {  	[sflag:s5] =	ssyncadd.s32 $0xFFFF8000  }
0x28: {  	[tilespmem:s12], [sflag:$0x1] =	stream.indirect.gather [spmem:s2], $0x20, s11, s11, $0xb8;
	[tilespmem:$0x16E20] =	vst v63  }
0x29: {  	_ =	swait.ge [sflag:s13], $0x8000  }
0x2a: {  	[sflag:s13] =	ssyncset.done $0x0  }
0x2b: {  	s14 =	simm.s32 $0x2C00;
	[sflag:s13] =	ssyncadd.s32 $0xFFFF8000  }
0x2c: {  	[spmem:s3] =	stream.indirect.scatter.add.f32 [tilespmem:s12], [sflag:$0x2], $0x20, s14, s11, $0xb8;
	[tilespmem:$0x16E20] =	vst v63  }
0x2d: {  	_ =	swait.ge [sflag:s5], $0x8000  }
0x2e: {  	[sflag:s5] =	ssyncset.done $0x0  }
0x2f: {  	s15 =	simm.s32 $0x800;
	[sflag:s5] =	ssyncadd.s32 $0xFFFF8000  }
0x30: {  	[tilespmem:s12], [sflag:$0x1] =	stream.indirect.gather [spmem:s2], $0x20, s15, s11, $0xb8;
	[tilespmem:$0x16E20] =	vst v63  }
0x31: {  	_ =	swait.ge [sflag:s13], $0x8000  }
0x32: {  	[sflag:s13] =	ssyncset.done $0x0  }
0x33: {  	s16 =	simm.s32 $0x3000;
	[sflag:s13] =	ssyncadd.s32 $0xFFFF8000  }
0x34: {  	[spmem:s3] =	stream.indirect.scatter.add.f32 [tilespmem:s12], [sflag:$0x2], $0x20, s16, s11, $0xb8;
	[tilespmem:$0x16E20] =	vst v63  }
0x35: {  	_ =	swait.ge [sflag:s5], $0x8000  }
0x36: {  	[sflag:s5] =	ssyncset.done $0x0  }
0x37: {  	s17 =	simm.s32 $0xC00;
	[sflag:s5] =	ssyncadd.s32 $0xFFFF8000  }
0x38: {  	[tilespmem:s12], [sflag:$0x1] =	stream.indirect.gather [spmem:s2], $0x20, s17, s11, $0xb8;
	[tilespmem:$0x16E20] =	vst v63  }
0x39: {  	_ =	swait.ge [sflag:s13], $0x8000  }
0x3a: {  	[sflag:s13] =	ssyncset.done $0x0  }
0x3b: {  	s18 =	simm.s32 $0x3400;
	[sflag:s13] =	ssyncadd.s32 $0xFFFF8000  }
0x3c: {  	[spmem:s3] =	stream.indirect.scatter.add.f32 [tilespmem:s12], [sflag:$0x2], $0x20, s18, s11, $0xb8;
	[tilespmem:$0x16E20] =	vst v63  }
0x3d: {  	_ =	swait.ge [sflag:s5], $0x8000  }
0x3e: {  	[sflag:s5] =	ssyncset.done $0x0  }
0x3f: {  	s19 =	simm.s32 $0x1000;
	[sflag:s5] =	ssyncadd.s32 $0xFFFF8000  }
0x40: {  	[tilespmem:s12], [sflag:$0x1] =	stream.indirect.gather [spmem:s2], $0x20, s19, s11, $0xb8;
	[tilespmem:$0x16E20] =	vst v63  }
0x41: {  	_ =	swait.ge [sflag:s13], $0x8000  }
0x42: {  	[sflag:s13] =	ssyncset.done $0x0  }
0x43: {  	s20 =	simm.s32 $0x3800;
	[sflag:s13] =	ssyncadd.s32 $0xFFFF8000  }
0x44: {  	[spmem:s3] =	stream.indirect.scatter.add.f32 [tilespmem:s12], [sflag:$0x2], $0x20, s20, s11, $0xb8;
	[tilespmem:$0x16E20] =	vst v63  }
0x45: {  	_ =	swait.ge [sflag:s5], $0x8000  }
0x46: {  	[sflag:s5] =	ssyncset.done $0x0  }
0x47: {  	s21 =	simm.s32 $0x1400;
	[sflag:s5] =	ssyncadd.s32 $0xFFFF8000  }
0x48: {  	[tilespmem:s12], [sflag:$0x1] =	stream.indirect.gather [spmem:s2], $0x20, s21, s11, $0xb8;
	[tilespmem:$0x16E20] =	vst v63  }
0x49: {  	_ =	swait.ge [sflag:s13], $0x8000  }
0x4a: {  	[sflag:s13] =	ssyncset.done $0x0  }
0x4b: {  	s22 =	simm.s32 $0x3C00;
	[sflag:s13] =	ssyncadd.s32 $0xFFFF8000  }
0x4c: {  	[spmem:s3] =	stream.indirect.scatter.add.f32 [tilespmem:s12], [sflag:$0x2], $0x20, s22, s11, $0xb8;
	[tilespmem:$0x16E20] =	vst v63  }
0x4d: {  	_ =	swait.ge [sflag:s5], $0x8000  }
0x4e: {  	[sflag:s5] =	ssyncset.done $0x0  }
0x4f: {  	s23 =	simm.s32 $0x1800;
	[sflag:s5] =	ssyncadd.s32 $0xFFFF8000  }
0x50: {  	[tilespmem:s12], [sflag:$0x1] =	stream.indirect.gather [spmem:s2], $0x20, s23, s11, $0xb8;
	[tilespmem:$0x16E20] =	vst v63  }
0x51: {  	_ =	swait.ge [sflag:s13], $0x8000  }
0x52: {  	[sflag:s13] =	ssyncset.done $0x0  }
0x53: {  	s24 =	simm.s32 $0x4000;
	[sflag:s13] =	ssyncadd.s32 $0xFFFF8000  }
0x54: {  	[spmem:s3] =	stream.indirect.scatter.add.f32 [tilespmem:s12], [sflag:$0x2], $0x20, s24, s11, $0xb8;
	[tilespmem:$0x16E20] =	vst v63  }
0x55: {  	_ =	swait.ge [sflag:s5], $0x8000  }
0x56: {  	[sflag:s5] =	ssyncset.done $0x0  }
0x57: {  	s25 =	simm.s32 $0x1C00;
	[sflag:s5] =	ssyncadd.s32 $0xFFFF8000  }
0x58: {  	[tilespmem:s12], [sflag:$0x1] =	stream.indirect.gather [spmem:s2], $0x20, s25, s11, $0xb8;
	[tilespmem:$0x16E20] =	vst v63  }
0x59: {  	_ =	swait.ge [sflag:s13], $0x8000  }
0x5a: {  	[sflag:s13] =	ssyncset.done $0x0  }
0x5b: {  	s26 =	simm.s32 $0x4400;
	[sflag:s13] =	ssyncadd.s32 $0xFFFF8000  }
0x5c: {  	[spmem:s3] =	stream.indirect.scatter.add.f32 [tilespmem:s12], [sflag:$0x2], $0x20, s26, s11, $0xb8;
	[tilespmem:$0x16E20] =	vst v63  }
0x5d: {  	_ =	swait.ge [sflag:s5], $0x8000  }
0x5e: {  	[sflag:s5] =	ssyncset.done $0x0  }
0x5f: {  	s28 =	simm.s32 $0x2000;
	[sflag:s5] =	ssyncadd.s32 $0xFFFF8000  }
0x60: {  	[tilespmem:s12], [sflag:$0x1] =	stream.indirect.gather [spmem:s2], $0x20, s28, s11, $0xb8;
	[tilespmem:$0x16E20] =	vst v63  }
0x61: {  	_ =	swait.ge [sflag:s13], $0x8000  }
0x62: {  	[sflag:s13] =	ssyncset.done $0x0  }
0x63: {  	s29 =	simm.s32 $0x4800;
	[sflag:s13] =	ssyncadd.s32 $0xFFFF8000  }
0x64: {  	[spmem:s3] =	stream.indirect.scatter.add.f32 [tilespmem:s12], [sflag:$0x2], $0x20, s29, s11, $0xb8;
	[tilespmem:$0x16E20] =	vst v63  }
0x65: {  	_ =	swait.ge [sflag:s5], $0x8000  }
0x66: {  	[sflag:s5] =	ssyncset.done $0x0  }
0x67: {  	s30 =	simm.s32 $0x2400;
	[sflag:s5] =	ssyncadd.s32 $0xFFFF8000  }
0x68: {  	[tilespmem:s12], [sflag:$0x1] =	stream.indirect.gather [spmem:s2], $0x20, s30, s11, $0xb8;
	[tilespmem:$0x16E20] =	vst v63  }
0x69: {  	_ =	swait.ge [sflag:s13], $0x8000  }
0x6a: {  	[sflag:s13] =	ssyncset.done $0x0  }
0x6b: {  	s31 =	simm.s32 $0x4C00;
	[sflag:s13] =	ssyncadd.s32 $0xFFFF8000  }
0x6c: {  	[spmem:s3] =	stream.indirect.scatter.add.f32 [tilespmem:s12], [sflag:$0x2], $0x20, s31, s11, $0xb8;
	[tilespmem:$0x16E20] =	vst v63  }
0x6d: {  	_ =	swait.ge [sflag:s5], $0x8000  }
0x6e: {  	[sflag:s5] =	ssyncset.done $0x0  }
0x6f: {  	[sflag:s5] =	ssyncadd.s32 $0xFFFF8000  }
0x70: {  	[bflag:$0x0] =	sbarrier.arrive $0xFFFF  }
0x71: {  	s0 =	rddreg [dreg:$0x7]  }
0x72: {  	[hbm:s0], [sflag:s7] =	dma.local [spmem:s10], $0xA00  }
0x73: {  	_ =	swait.ge [sflag:s5], $0xA00  }
0x74: {  	[sflag:s5] =	ssyncset.done $0x0  }
0x75: {  	s0 =	rddreg [dreg:$0x8];
	[sflag:s5] =	ssyncadd.s32 $0xFFFFF600  }
0x76: {  	[spmem:s8], [sflag:s7] =	dma.local [hbm:s0], $0x9C4  }
0x77: {  	_ =	swait.ge [sflag:s5], $0x9C4  }
0x78: {  	[sflag:s5] =	ssyncset.done $0x0  }
0x79: {  	[sflag:s5] =	ssyncadd.s32 $0xFFFFF63C  }
0x7a: {  	[spmem:s10], [sflag:s7] =	dma.local [hbm:s9], $0xA00  }
0x7b: {  	_ =	swait.ge [sflag:s5], $0xA00  }
0x7c: {  	[sflag:s5] =	ssyncset.done $0x0  }
0x7d: {  	[sflag:s5] =	ssyncadd.s32 $0xFFFFF600  }
0x7e: {  	[bflag:$0x0] =	sbarrier.arrive $0xFFFF  }
0x7f: {  	[tilespmem:s12], [sflag:$0x1] =	stream.indirect.gather [spmem:s2], $0x20, s4, s11, $0xb8;
	[tilespmem:$0x16E20] =	vst v63  }
0x80: {  	_ =	swait.ge [sflag:s13], $0x8000  }
0x81: {  	[sflag:s13] =	ssyncset.done $0x0  }
0x82: {  	[sflag:s13] =	ssyncadd.s32 $0xFFFF8000  }
0x83: {  	[spmem:s3] =	stream.indirect.scatter.add.f32 [tilespmem:s12], [sflag:$0x2], $0x20, s6, s11, $0xb8;
	[tilespmem:$0x16E20] =	vst v63  }
0x84: {  	_ =	swait.ge [sflag:s5], $0x8000  }
0x85: {  	[sflag:s5] =	ssyncset.done $0x0  }
0x86: {  	[sflag:s5] =	ssyncadd.s32 $0xFFFF8000  }
0x87: {  	[tilespmem:s12], [sflag:$0x1] =	stream.indirect.gather [spmem:s2], $0x20, s11, s11, $0xb8;
	[tilespmem:$0x16E20] =	vst v63  }
0x88: {  	_ =	swait.ge [sflag:s13], $0x8000  }
0x89: {  	[sflag:s13] =	ssyncset.done $0x0  }
0x8a: {  	[sflag:s13] =	ssyncadd.s32 $0xFFFF8000  }
0x8b: {  	[spmem:s3] =	stream.indirect.scatter.add.f32 [tilespmem:s12], [sflag:$0x2], $0x20, s14, s11, $0xb8;
	[tilespmem:$0x16E20] =	vst v63  }
0x8c: {  	_ =	swait.ge [sflag:s5], $0x8000  }
0x8d: {  	[sflag:s5] =	ssyncset.done $0x0  }
0x8e: {  	[sflag:s5] =	ssyncadd.s32 $0xFFFF8000  }
0x8f: {  	[tilespmem:s12], [sflag:$0x1] =	stream.indirect.gather [spmem:s2], $0x20, s15, s11, $0xb8;
	[tilespmem:$0x16E20] =	vst v63  }
0x90: {  	_ =	swait.ge [sflag:s13], $0x8000  }
0x91: {  	[sflag:s13] =	ssyncset.done $0x0  }
0x92: {  	[sflag:s13] =	ssyncadd.s32 $0xFFFF8000  }
0x93: {  	[spmem:s3] =	stream.indirect.scatter.add.f32 [tilespmem:s12], [sflag:$0x2], $0x20, s16, s11, $0xb8;
	[tilespmem:$0x16E20] =	vst v63  }
0x94: {  	_ =	swait.ge [sflag:s5], $0x8000  }
0x95: {  	[sflag:s5] =	ssyncset.done $0x0  }
0x96: {  	[sflag:s5] =	ssyncadd.s32 $0xFFFF8000  }
0x97: {  	[tilespmem:s12], [sflag:$0x1] =	stream.indirect.gather [spmem:s2], $0x20, s17, s11, $0xb8;
	[tilespmem:$0x16E20] =	vst v63  }
0x98: {  	_ =	swait.ge [sflag:s13], $0x8000  }
0x99: {  	[sflag:s13] =	ssyncset.done $0x0  }
0x9a: {  	[sflag:s13] =	ssyncadd.s32 $0xFFFF8000  }
0x9b: {  	[spmem:s3] =	stream.indirect.scatter.add.f32 [tilespmem:s12], [sflag:$0x2], $0x20, s18, s11, $0xb8;
	[tilespmem:$0x16E20] =	vst v63  }
0x9c: {  	_ =	swait.ge [sflag:s5], $0x8000  }
0x9d: {  	[sflag:s5] =	ssyncset.done $0x0  }
0x9e: {  	[sflag:s5] =	ssyncadd.s32 $0xFFFF8000  }
0x9f: {  	[tilespmem:s12], [sflag:$0x1] =	stream.indirect.gather [spmem:s2], $0x20, s19, s11, $0xb8;
	[tilespmem:$0x16E20] =	vst v63  }
0xa0: {  	_ =	swait.ge [sflag:s13], $0x8000  }
0xa1: {  	[sflag:s13] =	ssyncset.done $0x0  }
0xa2: {  	[sflag:s13] =	ssyncadd.s32 $0xFFFF8000  }
0xa3: {  	[spmem:s3] =	stream.indirect.scatter.add.f32 [tilespmem:s12], [sflag:$0x2], $0x20, s20, s11, $0xb8;
	[tilespmem:$0x16E20] =	vst v63  }
0xa4: {  	_ =	swait.ge [sflag:s5], $0x8000  }
0xa5: {  	[sflag:s5] =	ssyncset.done $0x0  }
0xa6: {  	[sflag:s5] =	ssyncadd.s32 $0xFFFF8000  }
0xa7: {  	[tilespmem:s12], [sflag:$0x1] =	stream.indirect.gather [spmem:s2], $0x20, s21, s11, $0xb8;
	[tilespmem:$0x16E20] =	vst v63  }
0xa8: {  	_ =	swait.ge [sflag:s13], $0x8000  }
0xa9: {  	[sflag:s13] =	ssyncset.done $0x0  }
0xaa: {  	[sflag:s13] =	ssyncadd.s32 $0xFFFF8000  }
0xab: {  	[spmem:s3] =	stream.indirect.scatter.add.f32 [tilespmem:s12], [sflag:$0x2], $0x20, s22, s11, $0xb8;
	[tilespmem:$0x16E20] =	vst v63  }
0xac: {  	_ =	swait.ge [sflag:s5], $0x8000  }
0xad: {  	[sflag:s5] =	ssyncset.done $0x0  }
0xae: {  	[sflag:s5] =	ssyncadd.s32 $0xFFFF8000  }
0xaf: {  	[tilespmem:s12], [sflag:$0x1] =	stream.indirect.gather [spmem:s2], $0x20, s23, s11, $0xb8;
	[tilespmem:$0x16E20] =	vst v63  }
0xb0: {  	_ =	swait.ge [sflag:s13], $0x8000  }
0xb1: {  	[sflag:s13] =	ssyncset.done $0x0  }
0xb2: {  	[sflag:s13] =	ssyncadd.s32 $0xFFFF8000  }
0xb3: {  	[spmem:s3] =	stream.indirect.scatter.add.f32 [tilespmem:s12], [sflag:$0x2], $0x20, s24, s11, $0xb8;
	[tilespmem:$0x16E20] =	vst v63  }
0xb4: {  	_ =	swait.ge [sflag:s5], $0x8000  }
0xb5: {  	[sflag:s5] =	ssyncset.done $0x0  }
0xb6: {  	[sflag:s5] =	ssyncadd.s32 $0xFFFF8000  }
0xb7: {  	[tilespmem:s12], [sflag:$0x1] =	stream.indirect.gather [spmem:s2], $0x20, s25, s11, $0xb8;
	[tilespmem:$0x16E20] =	vst v63  }
0xb8: {  	_ =	swait.ge [sflag:s13], $0x8000  }
0xb9: {  	[sflag:s13] =	ssyncset.done $0x0  }
0xba: {  	[sflag:s13] =	ssyncadd.s32 $0xFFFF8000  }
0xbb: {  	[spmem:s3] =	stream.indirect.scatter.add.f32 [tilespmem:s12], [sflag:$0x2], $0x20, s26, s11, $0xb8;
	[tilespmem:$0x16E20] =	vst v63  }
0xbc: {  	_ =	swait.ge [sflag:s5], $0x8000  }
0xbd: {  	[sflag:s5] =	ssyncset.done $0x0  }
0xbe: {  	[sflag:s5] =	ssyncadd.s32 $0xFFFF8000  }
0xbf: {  	[tilespmem:s12], [sflag:$0x1] =	stream.indirect.gather [spmem:s2], $0x20, s28, s11, $0xb8;
	[tilespmem:$0x16E20] =	vst v63  }
0xc0: {  	_ =	swait.ge [sflag:s13], $0x8000  }
0xc1: {  	[sflag:s13] =	ssyncset.done $0x0  }
0xc2: {  	[sflag:s13] =	ssyncadd.s32 $0xFFFF8000  }
0xc3: {  	[spmem:s3] =	stream.indirect.scatter.add.f32 [tilespmem:s12], [sflag:$0x2], $0x20, s29, s11, $0xb8;
	[tilespmem:$0x16E20] =	vst v63  }
0xc4: {  	_ =	swait.ge [sflag:s5], $0x8000  }
0xc5: {  	[sflag:s5] =	ssyncset.done $0x0  }
0xc6: {  	[sflag:s5] =	ssyncadd.s32 $0xFFFF8000  }
0xc7: {  	[tilespmem:s12], [sflag:$0x1] =	stream.indirect.gather [spmem:s2], $0x20, s30, s11, $0xb8;
	[tilespmem:$0x16E20] =	vst v63  }
0xc8: {  	_ =	swait.ge [sflag:s13], $0x8000  }
0xc9: {  	[sflag:s13] =	ssyncset.done $0x0  }
0xca: {  	[sflag:s13] =	ssyncadd.s32 $0xFFFF8000  }
0xcb: {  	[spmem:s3] =	stream.indirect.scatter.add.f32 [tilespmem:s12], [sflag:$0x2], $0x20, s31, s11, $0xb8;
	[tilespmem:$0x16E20] =	vst v63  }
0xcc: {  	_ =	swait.ge [sflag:s5], $0x8000  }
0xcd: {  	[sflag:s5] =	ssyncset.done $0x0  }
0xce: {  	[sflag:s5] =	ssyncadd.s32 $0xFFFF8000  }
0xcf: {  	[bflag:$0x0] =	sbarrier.arrive $0xFFFF  }
0xd0: {  	s0 =	ssub.s32 $0x2, s1;
	s1 =	rddreg [dreg:$0x9]  }
0xd1: {  	[dreg:$0xa] =	wrdreg s1;
	s1 =	sshrl.u32 s0, $0x1  }
0xd2: {  	s0 =	ssub.s32 s0, s1  }
0xd3: {  	s0 =	smax.u32 s0, $0x1  }
0xd4: {  	p0 =	sne.s32 s0, $0x1  }
.Ltmp0:
0xd5: {  	_ = 	snop;
	(pc) =	sbr.rel @!p0 .LBB2_2-.Ltmp0, $4  }
0xd6: {  	_ = 	snop  }
0xd7: {  	s1 =	rddreg [dreg:$0xa]  }
0xd8: {  	[hbm:s1], [sflag:s7] =	dma.local [spmem:s10], $0xA00  }
0xd9: {  	s1 =	sadd.s32 $0xFFFFFFFF, s0;
	_ =	swait.ge [sflag:s5], $0xA00  }
.LBB2_1:
0xda: {  	[sflag:s5] =	ssyncset.done $0x0  }
0xdb: {  	s0 =	rddreg [dreg:$0x4];
	[sflag:s5] =	ssyncadd.s32 $0xFFFFF600  }
0xdc: {  	[tilespmem:s4], [sflag:$0x2] =	stream.linear.gather [hbm4b:s0+s4], $0x2800, $0x38;
	[tilespmem:$0x16E20] =	vst v63  }
0xdd: {  	_ =	swait.ge [sflag:s5], $0x2800  }
0xde: {  	[sflag:s5] =	ssyncset.done $0x0  }
0xdf: {  	s0 =	rddreg [dreg:$0x5];
	[sflag:s5] =	ssyncadd.s32 $0xFFFFD800  }
0xe0: {  	[tilespmem:s6], [sflag:$0x2] =	stream.linear.gather [hbm4b:s0+s4], $0x2800, $0x38;
	[tilespmem:$0x16E20] =	vst v63  }
0xe1: {  	_ =	swait.ge [sflag:s5], $0x2800  }
0xe2: {  	[sflag:s5] =	ssyncset.done $0x0  }
0xe3: {  	s0 =	rddreg [dreg:$0x6];
	[sflag:s5] =	ssyncadd.s32 $0xFFFFD800  }
0xe4: {  	[spmem:s8], [sflag:s7] =	dma.local [hbm:s0], $0x9C4  }
0xe5: {  	_ =	swait.ge [sflag:s5], $0x9C4  }
0xe6: {  	[sflag:s5] =	ssyncset.done $0x0  }
0xe7: {  	[sflag:s5] =	ssyncadd.s32 $0xFFFFF63C  }
0xe8: {  	[spmem:s10], [sflag:s7] =	dma.local [hbm:s9], $0xA00  }
0xe9: {  	_ =	swait.ge [sflag:s5], $0xA00  }
0xea: {  	[sflag:s5] =	ssyncset.done $0x0  }
0xeb: {  	[sflag:s5] =	ssyncadd.s32 $0xFFFFF600  }
0xec: {  	[bflag:$0x0] =	sbarrier.arrive $0xFFFF  }
0xed: {  	[tilespmem:s12], [sflag:$0x1] =	stream.indirect.gather [spmem:s2], $0x20, s4, s11, $0xb8;
	[tilespmem:$0x16E20] =	vst v63  }
0xee: {  	_ =	swait.ge [sflag:s13], $0x8000  }
0xef: {  	[sflag:s13] =	ssyncset.done $0x0  }
0xf0: {  	[sflag:s13] =	ssyncadd.s32 $0xFFFF8000  }
0xf1: {  	[spmem:s3] =	stream.indirect.scatter.add.f32 [tilespmem:s12], [sflag:$0x2], $0x20, s6, s11, $0xb8;
	[tilespmem:$0x16E20] =	vst v63  }
0xf2: {  	_ =	swait.ge [sflag:s5], $0x8000  }
0xf3: {  	[sflag:s5] =	ssyncset.done $0x0  }
0xf4: {  	[sflag:s5] =	ssyncadd.s32 $0xFFFF8000  }
0xf5: {  	[tilespmem:s12], [sflag:$0x1] =	stream.indirect.gather [spmem:s2], $0x20, s11, s11, $0xb8;
	[tilespmem:$0x16E20] =	vst v63  }
0xf6: {  	_ =	swait.ge [sflag:s13], $0x8000  }
0xf7: {  	[sflag:s13] =	ssyncset.done $0x0  }
0xf8: {  	[sflag:s13] =	ssyncadd.s32 $0xFFFF8000  }
0xf9: {  	[spmem:s3] =	stream.indirect.scatter.add.f32 [tilespmem:s12], [sflag:$0x2], $0x20, s14, s11, $0xb8;
	[tilespmem:$0x16E20] =	vst v63  }
0xfa: {  	_ =	swait.ge [sflag:s5], $0x8000  }
0xfb: {  	[sflag:s5] =	ssyncset.done $0x0  }
0xfc: {  	[sflag:s5] =	ssyncadd.s32 $0xFFFF8000  }
0xfd: {  	[tilespmem:s12], [sflag:$0x1] =	stream.indirect.gather [spmem:s2], $0x20, s15, s11, $0xb8;
	[tilespmem:$0x16E20] =	vst v63  }
0xfe: {  	_ =	swait.ge [sflag:s13], $0x8000  }
0xff: {  	[sflag:s13] =	ssyncset.done $0x0  }
0x100: {  	[sflag:s13] =	ssyncadd.s32 $0xFFFF8000  }
0x101: {  	[spmem:s3] =	stream.indirect.scatter.add.f32 [tilespmem:s12], [sflag:$0x2], $0x20, s16, s11, $0xb8;
	[tilespmem:$0x16E20] =	vst v63  }
0x102: {  	_ =	swait.ge [sflag:s5], $0x8000  }
0x103: {  	[sflag:s5] =	ssyncset.done $0x0  }
0x104: {  	[sflag:s5] =	ssyncadd.s32 $0xFFFF8000  }
0x105: {  	[tilespmem:s12], [sflag:$0x1] =	stream.indirect.gather [spmem:s2], $0x20, s17, s11, $0xb8;
	[tilespmem:$0x16E20] =	vst v63  }
0x106: {  	_ =	swait.ge [sflag:s13], $0x8000  }
0x107: {  	[sflag:s13] =	ssyncset.done $0x0  }
0x108: {  	[sflag:s13] =	ssyncadd.s32 $0xFFFF8000  }
0x109: {  	[spmem:s3] =	stream.indirect.scatter.add.f32 [tilespmem:s12], [sflag:$0x2], $0x20, s18, s11, $0xb8;
	[tilespmem:$0x16E20] =	vst v63  }
0x10a: {  	_ =	swait.ge [sflag:s5], $0x8000  }
0x10b: {  	[sflag:s5] =	ssyncset.done $0x0  }
0x10c: {  	[sflag:s5] =	ssyncadd.s32 $0xFFFF8000  }
0x10d: {  	[tilespmem:s12], [sflag:$0x1] =	stream.indirect.gather [spmem:s2], $0x20, s19, s11, $0xb8;
	[tilespmem:$0x16E20] =	vst v63  }
0x10e: {  	_ =	swait.ge [sflag:s13], $0x8000  }
0x10f: {  	[sflag:s13] =	ssyncset.done $0x0  }
0x110: {  	[sflag:s13] =	ssyncadd.s32 $0xFFFF8000  }
0x111: {  	[spmem:s3] =	stream.indirect.scatter.add.f32 [tilespmem:s12], [sflag:$0x2], $0x20, s20, s11, $0xb8;
	[tilespmem:$0x16E20] =	vst v63  }
0x112: {  	_ =	swait.ge [sflag:s5], $0x8000  }
0x113: {  	[sflag:s5] =	ssyncset.done $0x0  }
0x114: {  	[sflag:s5] =	ssyncadd.s32 $0xFFFF8000  }
0x115: {  	[tilespmem:s12], [sflag:$0x1] =	stream.indirect.gather [spmem:s2], $0x20, s21, s11, $0xb8;
	[tilespmem:$0x16E20] =	vst v63  }
0x116: {  	_ =	swait.ge [sflag:s13], $0x8000  }
0x117: {  	[sflag:s13] =	ssyncset.done $0x0  }
0x118: {  	[sflag:s13] =	ssyncadd.s32 $0xFFFF8000  }
0x119: {  	[spmem:s3] =	stream.indirect.scatter.add.f32 [tilespmem:s12], [sflag:$0x2], $0x20, s22, s11, $0xb8;
	[tilespmem:$0x16E20] =	vst v63  }
0x11a: {  	_ =	swait.ge [sflag:s5], $0x8000  }
0x11b: {  	[sflag:s5] =	ssyncset.done $0x0  }
0x11c: {  	[sflag:s5] =	ssyncadd.s32 $0xFFFF8000  }
0x11d: {  	[tilespmem:s12], [sflag:$0x1] =	stream.indirect.gather [spmem:s2], $0x20, s23, s11, $0xb8;
	[tilespmem:$0x16E20] =	vst v63  }
0x11e: {  	_ =	swait.ge [sflag:s13], $0x8000  }
0x11f: {  	[sflag:s13] =	ssyncset.done $0x0  }
0x120: {  	[sflag:s13] =	ssyncadd.s32 $0xFFFF8000  }
0x121: {  	[spmem:s3] =	stream.indirect.scatter.add.f32 [tilespmem:s12], [sflag:$0x2], $0x20, s24, s11, $0xb8;
	[tilespmem:$0x16E20] =	vst v63  }
0x122: {  	_ =	swait.ge [sflag:s5], $0x8000  }
0x123: {  	[sflag:s5] =	ssyncset.done $0x0  }
0x124: {  	[sflag:s5] =	ssyncadd.s32 $0xFFFF8000  }
0x125: {  	[tilespmem:s12], [sflag:$0x1] =	stream.indirect.gather [spmem:s2], $0x20, s25, s11, $0xb8;
	[tilespmem:$0x16E20] =	vst v63  }
0x126: {  	_ =	swait.ge [sflag:s13], $0x8000  }
0x127: {  	[sflag:s13] =	ssyncset.done $0x0  }
0x128: {  	[sflag:s13] =	ssyncadd.s32 $0xFFFF8000  }
0x129: {  	[spmem:s3] =	stream.indirect.scatter.add.f32 [tilespmem:s12], [sflag:$0x2], $0x20, s26, s11, $0xb8;
	[tilespmem:$0x16E20] =	vst v63  }
0x12a: {  	_ =	swait.ge [sflag:s5], $0x8000  }
0x12b: {  	[sflag:s5] =	ssyncset.done $0x0  }
0x12c: {  	[sflag:s5] =	ssyncadd.s32 $0xFFFF8000  }
0x12d: {  	[tilespmem:s12], [sflag:$0x1] =	stream.indirect.gather [spmem:s2], $0x20, s28, s11, $0xb8;
	[tilespmem:$0x16E20] =	vst v63  }
0x12e: {  	_ =	swait.ge [sflag:s13], $0x8000  }
0x12f: {  	[sflag:s13] =	ssyncset.done $0x0  }
0x130: {  	[sflag:s13] =	ssyncadd.s32 $0xFFFF8000  }
0x131: {  	[spmem:s3] =	stream.indirect.scatter.add.f32 [tilespmem:s12], [sflag:$0x2], $0x20, s29, s11, $0xb8;
	[tilespmem:$0x16E20] =	vst v63  }
0x132: {  	_ =	swait.ge [sflag:s5], $0x8000  }
0x133: {  	[sflag:s5] =	ssyncset.done $0x0  }
0x134: {  	[sflag:s5] =	ssyncadd.s32 $0xFFFF8000  }
0x135: {  	[tilespmem:s12], [sflag:$0x1] =	stream.indirect.gather [spmem:s2], $0x20, s30, s11, $0xb8;
	[tilespmem:$0x16E20] =	vst v63  }
0x136: {  	_ =	swait.ge [sflag:s13], $0x8000  }
0x137: {  	[sflag:s13] =	ssyncset.done $0x0  }
0x138: {  	[sflag:s13] =	ssyncadd.s32 $0xFFFF8000  }
0x139: {  	[spmem:s3] =	stream.indirect.scatter.add.f32 [tilespmem:s12], [sflag:$0x2], $0x20, s31, s11, $0xb8;
	[tilespmem:$0x16E20] =	vst v63  }
0x13a: {  	_ =	swait.ge [sflag:s5], $0x8000  }
0x13b: {  	[sflag:s5] =	ssyncset.done $0x0  }
0x13c: {  	[sflag:s5] =	ssyncadd.s32 $0xFFFF8000  }
0x13d: {  	[bflag:$0x0] =	sbarrier.arrive $0xFFFF  }
0x13e: {  	s0 =	rddreg [dreg:$0x7]  }
0x13f: {  	[hbm:s0], [sflag:s7] =	dma.local [spmem:s10], $0xA00  }
0x140: {  	_ =	swait.ge [sflag:s5], $0xA00  }
0x141: {  	[sflag:s5] =	ssyncset.done $0x0  }
0x142: {  	s0 =	rddreg [dreg:$0x8];
	[sflag:s5] =	ssyncadd.s32 $0xFFFFF600  }
0x143: {  	[spmem:s8], [sflag:s7] =	dma.local [hbm:s0], $0x9C4  }
0x144: {  	_ =	swait.ge [sflag:s5], $0x9C4  }
0x145: {  	[sflag:s5] =	ssyncset.done $0x0  }
0x146: {  	[sflag:s5] =	ssyncadd.s32 $0xFFFFF63C  }
0x147: {  	[spmem:s10], [sflag:s7] =	dma.local [hbm:s9], $0xA00  }
0x148: {  	_ =	swait.ge [sflag:s5], $0xA00  }
0x149: {  	[sflag:s5] =	ssyncset.done $0x0  }
0x14a: {  	[sflag:s5] =	ssyncadd.s32 $0xFFFFF600  }
0x14b: {  	[bflag:$0x0] =	sbarrier.arrive $0xFFFF  }
0x14c: {  	[tilespmem:s12], [sflag:$0x1] =	stream.indirect.gather [spmem:s2], $0x20, s4, s11, $0xb8;
	[tilespmem:$0x16E20] =	vst v63  }
0x14d: {  	_ =	swait.ge [sflag:s13], $0x8000  }
0x14e: {  	[sflag:s13] =	ssyncset.done $0x0  }
0x14f: {  	[sflag:s13] =	ssyncadd.s32 $0xFFFF8000  }
0x150: {  	[spmem:s3] =	stream.indirect.scatter.add.f32 [tilespmem:s12], [sflag:$0x2], $0x20, s6, s11, $0xb8;
	[tilespmem:$0x16E20] =	vst v63  }
0x151: {  	_ =	swait.ge [sflag:s5], $0x8000  }
0x152: {  	[sflag:s5] =	ssyncset.done $0x0  }
0x153: {  	[sflag:s5] =	ssyncadd.s32 $0xFFFF8000  }
0x154: {  	[tilespmem:s12], [sflag:$0x1] =	stream.indirect.gather [spmem:s2], $0x20, s11, s11, $0xb8;
	[tilespmem:$0x16E20] =	vst v63  }
0x155: {  	_ =	swait.ge [sflag:s13], $0x8000  }
0x156: {  	[sflag:s13] =	ssyncset.done $0x0  }
0x157: {  	[sflag:s13] =	ssyncadd.s32 $0xFFFF8000  }
0x158: {  	[spmem:s3] =	stream.indirect.scatter.add.f32 [tilespmem:s12], [sflag:$0x2], $0x20, s14, s11, $0xb8;
	[tilespmem:$0x16E20] =	vst v63  }
0x159: {  	_ =	swait.ge [sflag:s5], $0x8000  }
0x15a: {  	[sflag:s5] =	ssyncset.done $0x0  }
0x15b: {  	[sflag:s5] =	ssyncadd.s32 $0xFFFF8000  }
0x15c: {  	[tilespmem:s12], [sflag:$0x1] =	stream.indirect.gather [spmem:s2], $0x20, s15, s11, $0xb8;
	[tilespmem:$0x16E20] =	vst v63  }
0x15d: {  	_ =	swait.ge [sflag:s13], $0x8000  }
0x15e: {  	[sflag:s13] =	ssyncset.done $0x0  }
0x15f: {  	[sflag:s13] =	ssyncadd.s32 $0xFFFF8000  }
0x160: {  	[spmem:s3] =	stream.indirect.scatter.add.f32 [tilespmem:s12], [sflag:$0x2], $0x20, s16, s11, $0xb8;
	[tilespmem:$0x16E20] =	vst v63  }
0x161: {  	_ =	swait.ge [sflag:s5], $0x8000  }
0x162: {  	[sflag:s5] =	ssyncset.done $0x0  }
0x163: {  	[sflag:s5] =	ssyncadd.s32 $0xFFFF8000  }
0x164: {  	[tilespmem:s12], [sflag:$0x1] =	stream.indirect.gather [spmem:s2], $0x20, s17, s11, $0xb8;
	[tilespmem:$0x16E20] =	vst v63  }
0x165: {  	_ =	swait.ge [sflag:s13], $0x8000  }
0x166: {  	[sflag:s13] =	ssyncset.done $0x0  }
0x167: {  	[sflag:s13] =	ssyncadd.s32 $0xFFFF8000  }
0x168: {  	[spmem:s3] =	stream.indirect.scatter.add.f32 [tilespmem:s12], [sflag:$0x2], $0x20, s18, s11, $0xb8;
	[tilespmem:$0x16E20] =	vst v63  }
0x169: {  	_ =	swait.ge [sflag:s5], $0x8000  }
0x16a: {  	[sflag:s5] =	ssyncset.done $0x0  }
0x16b: {  	[sflag:s5] =	ssyncadd.s32 $0xFFFF8000  }
0x16c: {  	[tilespmem:s12], [sflag:$0x1] =	stream.indirect.gather [spmem:s2], $0x20, s19, s11, $0xb8;
	[tilespmem:$0x16E20] =	vst v63  }
0x16d: {  	_ =	swait.ge [sflag:s13], $0x8000  }
0x16e: {  	[sflag:s13] =	ssyncset.done $0x0  }
0x16f: {  	[sflag:s13] =	ssyncadd.s32 $0xFFFF8000  }
0x170: {  	[spmem:s3] =	stream.indirect.scatter.add.f32 [tilespmem:s12], [sflag:$0x2], $0x20, s20, s11, $0xb8;
	[tilespmem:$0x16E20] =	vst v63  }
0x171: {  	_ =	swait.ge [sflag:s5], $0x8000  }
0x172: {  	[sflag:s5] =	ssyncset.done $0x0  }
0x173: {  	[sflag:s5] =	ssyncadd.s32 $0xFFFF8000  }
0x174: {  	[tilespmem:s12], [sflag:$0x1] =	stream.indirect.gather [spmem:s2], $0x20, s21, s11, $0xb8;
	[tilespmem:$0x16E20] =	vst v63  }
0x175: {  	_ =	swait.ge [sflag:s13], $0x8000  }
0x176: {  	[sflag:s13] =	ssyncset.done $0x0  }
0x177: {  	[sflag:s13] =	ssyncadd.s32 $0xFFFF8000  }
0x178: {  	[spmem:s3] =	stream.indirect.scatter.add.f32 [tilespmem:s12], [sflag:$0x2], $0x20, s22, s11, $0xb8;
	[tilespmem:$0x16E20] =	vst v63  }
0x179: {  	_ =	swait.ge [sflag:s5], $0x8000  }
0x17a: {  	[sflag:s5] =	ssyncset.done $0x0  }
0x17b: {  	[sflag:s5] =	ssyncadd.s32 $0xFFFF8000  }
0x17c: {  	[tilespmem:s12], [sflag:$0x1] =	stream.indirect.gather [spmem:s2], $0x20, s23, s11, $0xb8;
	[tilespmem:$0x16E20] =	vst v63  }
0x17d: {  	_ =	swait.ge [sflag:s13], $0x8000  }
0x17e: {  	[sflag:s13] =	ssyncset.done $0x0  }
0x17f: {  	[sflag:s13] =	ssyncadd.s32 $0xFFFF8000  }
0x180: {  	[spmem:s3] =	stream.indirect.scatter.add.f32 [tilespmem:s12], [sflag:$0x2], $0x20, s24, s11, $0xb8;
	[tilespmem:$0x16E20] =	vst v63  }
0x181: {  	_ =	swait.ge [sflag:s5], $0x8000  }
0x182: {  	[sflag:s5] =	ssyncset.done $0x0  }
0x183: {  	[sflag:s5] =	ssyncadd.s32 $0xFFFF8000  }
0x184: {  	[tilespmem:s12], [sflag:$0x1] =	stream.indirect.gather [spmem:s2], $0x20, s25, s11, $0xb8;
	[tilespmem:$0x16E20] =	vst v63  }
0x185: {  	_ =	swait.ge [sflag:s13], $0x8000  }
0x186: {  	[sflag:s13] =	ssyncset.done $0x0  }
0x187: {  	[sflag:s13] =	ssyncadd.s32 $0xFFFF8000  }
0x188: {  	[spmem:s3] =	stream.indirect.scatter.add.f32 [tilespmem:s12], [sflag:$0x2], $0x20, s26, s11, $0xb8;
	[tilespmem:$0x16E20] =	vst v63  }
0x189: {  	_ =	swait.ge [sflag:s5], $0x8000  }
0x18a: {  	[sflag:s5] =	ssyncset.done $0x0  }
0x18b: {  	[sflag:s5] =	ssyncadd.s32 $0xFFFF8000  }
0x18c: {  	[tilespmem:s12], [sflag:$0x1] =	stream.indirect.gather [spmem:s2], $0x20, s28, s11, $0xb8;
	[tilespmem:$0x16E20] =	vst v63  }
0x18d: {  	_ =	swait.ge [sflag:s13], $0x8000  }
0x18e: {  	[sflag:s13] =	ssyncset.done $0x0  }
0x18f: {  	[sflag:s13] =	ssyncadd.s32 $0xFFFF8000  }
0x190: {  	[spmem:s3] =	stream.indirect.scatter.add.f32 [tilespmem:s12], [sflag:$0x2], $0x20, s29, s11, $0xb8;
	[tilespmem:$0x16E20] =	vst v63  }
0x191: {  	_ =	swait.ge [sflag:s5], $0x8000  }
0x192: {  	[sflag:s5] =	ssyncset.done $0x0  }
0x193: {  	[sflag:s5] =	ssyncadd.s32 $0xFFFF8000  }
0x194: {  	[tilespmem:s12], [sflag:$0x1] =	stream.indirect.gather [spmem:s2], $0x20, s30, s11, $0xb8;
	[tilespmem:$0x16E20] =	vst v63  }
0x195: {  	_ =	swait.ge [sflag:s13], $0x8000  }
0x196: {  	[sflag:s13] =	ssyncset.done $0x0  }
0x197: {  	[sflag:s13] =	ssyncadd.s32 $0xFFFF8000  }
0x198: {  	[spmem:s3] =	stream.indirect.scatter.add.f32 [tilespmem:s12], [sflag:$0x2], $0x20, s31, s11, $0xb8;
	[tilespmem:$0x16E20] =	vst v63  }
0x199: {  	_ =	swait.ge [sflag:s5], $0x8000  }
0x19a: {  	p0 =	sne.s32 s1, $0x1;
	[sflag:s5] =	ssyncset.done $0x0  }
.Ltmp1:
0x19b: {  	[sflag:s5] =	ssyncadd.s32 $0xFFFF8000;
	(pc) =	sbr.rel @p0 .LBB2_1-.Ltmp1, $4  }
0x19c: {  	[bflag:$0x0] =	sbarrier.arrive $0xFFFF  }
0x19d: {  	s0 =	rddreg [dreg:$0x9]  }
0x19e: {  	[hbm:s0], [sflag:s7] =	dma.local [spmem:s10], $0xA00  }
0x19f: {  	s1 =	sadd.s32 $0xFFFFFFFF, s1;
	_ =	swait.ge [sflag:s5], $0xA00  }
.LBB2_2:
0x1a0: {  	[sflag:s5] =	ssyncset.done $0x0  }
0x1a1: {  	[sflag:s5] =	ssyncadd.s32 $0xFFFFF600  }
0x1a2: {  	_ =	sfence.sel $0x180000  }
0x1a3: {  	[bflag:$0x0] =	sbarrier.arrive $0xFFFF  }
0x1a4: {  	_ =	strace $0x9000004A  }
0x1a5: {  	s0 =	stileid.u32;
	[bflag:$0x2] =	sbarrier.arrive $0xFFFF  }
0x1a6: {  	p0 =	sne.s32 s0, $0x0;
	s0 =	rddreg [dreg:$0x3]  }
0x1a7: {  	s0 =	sadd.s32 @!p0 $0x100000, s0  }
0x1a8: {  	[sflag:s0] =	ssyncadd.tile.s32 @!p0 $0x1;
	_ =	shalt  }
.Lfunc_end2:
_tile_overlayer_lowered:
.L_overlay_start_2:
0x1a9: {  	(tag) =	ssettag $0x2  }
0x1aa: {  	s0 =	rddreg [dreg:$0x0];
	s2 =	stileid.u32  }
0x1ab: {  	s1 =	rddreg [dreg:$0x1];
	p0 =	sne.s32 s2, $0x0  }
0x1ac: {  	s3 =	rddreg [dreg:$0x2];
	[bflag:$0x3] =	sbarrier.arrive $0xFFFF;
	s2 =	simm.s32 @!p0 $0x1C02  }
0x1ad: {  	[timem:s3], [sflag:s2] =	dma.local @!p0 [hbm:s0], s1  }
0x1ae: {  	s0 =	simm.s32 @!p0 $0x2  }
0x1af: {  	_ =	swait.ge @!p0 [sflag:s0], s1  }
0x1b0: {  	s1 =	ssub.s32 @!p0 $0x0, s1;
	[sflag:s0] =	ssyncset.done @!p0 $0x0  }
0x1b1: {  	[sflag:s0] =	ssyncadd.s32 @!p0 s1  }
0x1b2: {  	[bflag:$0x3] =	sbarrier.arrive $0xFFFF  }
0x1b3: {  	_ =	shalt  }

// kernel: kernel.14.cloned.1.call-start
scs
__scs_entry_jumppad:
0x0: {  	(pc) =	sbr.rel $0x88, $3  }
0x1: {  	(tag) =	ssettag $0x0;
	lr =	simm.s32 $0x1  }
0x2: {  	[smem:$0x3F9B] =	sst lr;
	_ =	strace $0xD0000000  }
0x3: {  	_ = 	snop  }
0x4: {  	_ = 	snop  }
0x5: {  	_ = 	snop  }
0x6: {  	_ = 	snop  }
0x7: {  	_ = 	snop  }
__scs_overlays_trampoline_lowered:
0x8: {  	[smem:$0x3FAA] =	sst s0  }
0x9: {  	[smem:$0x3FAB] =	sst s1  }
0xa: {  	[smem:$0x3FAC] =	sst s2  }
0xb: {  	[smem:$0x3FAD] =	sst s3  }
0xc: {  	[smem:$0x3FAE] =	sst s4  }
0xd: {  	[smem:$0x3FAF] =	sst s5  }
0xe: {  	[smem:$0x3FB0] =	sst s6  }
0xf: {  	[smem:$0x3FB1] =	sst s7  }
0x10: {  	[smem:$0x3FB2] =	sst s8  }
0x11: {  	[smem:$0x3FB3] =	sst s9;
	s0 =	simm.s32 @!p0 $0x0  }
0x12: {  	s1 =	sld [smem:$0x3F99];
	s0 =	simm.s32 @p0 $0x1  }
0x13: {  	[smem:$0x3FB4] =	sst s0;
	s0 =	simm.s32 @!p1 $0x0  }
0x14: {  	s2 =	sld [smem:$0x3F98];
	s0 =	simm.s32 @p1 $0x1  }
0x15: {  	[smem:$0x3FB5] =	sst s0;
	s0 =	simm.s32 @!p2 $0x0  }
0x16: {  	s3 =	sld [smem:$0x3FDB];
	s0 =	simm.s32 @p2 $0x1  }
0x17: {  	s4 =	simm.s32 $0x1BF5;
	[smem:$0x3FB7] =	sst s0  }
0x18: {  	s0 =	sld [smem:$0x3F9A];
	_ =	swait.ge [sflag:s4], $0x0  }
0x19: {  	s7 =	sld [smem:$0x3F9B]  }
0x1a: {  	s8 =	sadd.s32 $0xFFFFE003, lr  }
0x1b: {  	s9 =	sadd.s32 $0xFFFFFEF7, lr;
	s5 =	simm.s32 $0xFFFFFFFF;
	p2 =	slt.u32 s8, $0xFFFFF086  }
0x1c: {  	p1 =	slt.u32 s9, $0xF7A;
	s5 =	simm.s32 @!p2 $0x0  }
0x1d: {  	s5 =	simm.s32 @p1 $0x1;
	p0 =	seq.s32 s7, s2  }
0x1e: {  	s7 =	smul.u32 @!p0 $0xF7A, s2;
	p2 =	seq.s32 @!p0 s5, $0x0  }
0x1f: {  	s9 =	smul.u32 $0xF7A, s1;
	s8 =	simm.s32 @!p0 $0x1BF5;
	p2 =	por !p2, p0  }
0x20: {  	[sflag:s8] =	ssyncset.s32 @!p0 $0xFFFFF086;
	s6 =	sadd.s32 @!p0 s3, s7;
	s7 =	simm.s32 @!p0 $0x108  }
0x21: {  	s3 =	sadd.s32 s3, s9;
	s6 =	sadd.s32 @!p0 $0x88, s6;
	s7 =	simm.s32 @p2 $0x1082  }
0x22: {  	[simem:s7], [sflag:s8] =	dma.local @!p0 [hbm:s6], $0xF7A  }
0x23: {  	s9 =	sor.u32 $0xD0000000, s2;
	s6 =	simm.s32 $0x108;
	_ =	swait.ge @!p0 [sflag:s8], $0x0  }
0x24: {  	s3 =	sadd.s32 $0x88, s3;
	s6 =	simm.s32 @!p1 $0x1082;
	[sflag:s4] =	ssyncset.s32 $0xFFFFF086  }
0x25: {  	[simem:s6], [sflag:s4] =	dma.local [hbm:s3], $0xF7A  }
0x26: {  	[smem:$0x3F9B] =	sst s1;
	(tag) =	ssettag s2;
	_ =	strace s9  }
0x27: {  	s1 =	sld [smem:$0x3FAB]  }
0x28: {  	s2 =	sld [smem:$0x3FAC]  }
0x29: {  	s4 =	sld [smem:$0x3FAE]  }
0x2a: {  	p0 =	seq.s32 s5, $0x0;
	s5 =	sld [smem:$0x3FAF]  }
0x2b: {  	s6 =	sld [smem:$0x3FB0]  }
0x2c: {  	s7 =	sld [smem:$0x3FB1]  }
0x2d: {  	s3 =	simm.s32 $0x108;
	s8 =	sld [smem:$0x3FB2]  }
0x2e: {  	s3 =	simm.s32 @!p0 $0x1082;
	s9 =	sld [smem:$0x3FB3]  }
0x2f: {  	lr =	sadd.s32 s0, s3;
	s0 =	sld [smem:$0x3FAA]  }
0x30: {  	s3 =	sld [smem:$0x3FAD]  }
0x31: {  	[smem:$0x3FB6] =	sst s10  }
0x32: {  	s10 =	sld [smem:$0x3FB4];
	_ =	sdelay $0x3  }
0x33: {  	p0 =	seq.s32 s10, $0x1;
	s10 =	sld [smem:$0x3FB6];
	_ =	sdelay $0x3  }
0x34: {  	[smem:$0x3FB6] =	sst s10  }
0x35: {  	s10 =	sld [smem:$0x3FB5];
	_ =	sdelay $0x3  }
0x36: {  	p1 =	seq.s32 s10, $0x1;
	s10 =	sld [smem:$0x3FB6];
	_ =	sdelay $0x3  }
0x37: {  	[smem:$0x3FB6] =	sst s10  }
0x38: {  	s10 =	sld [smem:$0x3FB7]  }
0x39: {  	_ = 	snop;
	(pc) =	sbr.ind lr, $3  }
0x3a: {  	_ = 	snop  }
0x3b: {  	_ = 	snop  }
0x3c: {  	p2 =	seq.s32 s10, $0x1;
	s10 =	sld [smem:$0x3FB6]  }
0x3d: {  	_ =	shalt  }
0x3e: {  	_ =	shalt  }
0x3f: {  	_ =	shalt  }
0x40: {  	_ =	shalt  }
0x41: {  	_ =	shalt  }
0x42: {  	_ =	shalt  }
0x43: {  	_ =	shalt  }
0x44: {  	_ =	shalt  }
0x45: {  	_ =	shalt  }
0x46: {  	_ =	shalt  }
0x47: {  	_ =	shalt  }
0x48: {  	_ =	shalt  }
0x49: {  	_ =	shalt  }
0x4a: {  	_ =	shalt  }
0x4b: {  	_ =	shalt  }
0x4c: {  	_ =	shalt  }
0x4d: {  	_ =	shalt  }
0x4e: {  	_ =	shalt  }
0x4f: {  	_ =	shalt  }
0x50: {  	_ =	shalt  }
0x51: {  	_ =	shalt  }
0x52: {  	_ =	shalt  }
0x53: {  	_ =	shalt  }
0x54: {  	_ =	shalt  }
0x55: {  	_ =	shalt  }
0x56: {  	_ =	shalt  }
0x57: {  	_ =	shalt  }
0x58: {  	_ =	shalt  }
0x59: {  	_ =	shalt  }
0x5a: {  	_ =	shalt  }
0x5b: {  	_ =	shalt  }
0x5c: {  	_ =	shalt  }
0x5d: {  	_ =	shalt  }
0x5e: {  	_ =	shalt  }
0x5f: {  	_ =	shalt  }
0x60: {  	_ =	shalt  }
0x61: {  	_ =	shalt  }
0x62: {  	_ =	shalt  }
0x63: {  	_ =	shalt  }
0x64: {  	_ =	shalt  }
0x65: {  	_ =	shalt  }
0x66: {  	_ =	shalt  }
0x67: {  	_ =	shalt  }
0x68: {  	_ =	shalt  }
0x69: {  	_ =	shalt  }
0x6a: {  	_ =	shalt  }
0x6b: {  	_ =	shalt  }
0x6c: {  	_ =	shalt  }
0x6d: {  	_ =	shalt  }
0x6e: {  	_ =	shalt  }
0x6f: {  	_ =	shalt  }
0x70: {  	_ =	shalt  }
0x71: {  	_ =	shalt  }
0x72: {  	_ =	shalt  }
0x73: {  	_ =	shalt  }
0x74: {  	_ =	shalt  }
0x75: {  	_ =	shalt  }
0x76: {  	_ =	shalt  }
0x77: {  	_ =	shalt  }
0x78: {  	_ =	shalt  }
0x79: {  	_ =	shalt  }
0x7a: {  	_ =	shalt  }
0x7b: {  	_ =	shalt  }
0x7c: {  	_ =	shalt  }
0x7d: {  	_ =	shalt  }
0x7e: {  	_ =	shalt  }
0x7f: {  	_ =	shalt  }
0x80: {  	_ =	shalt  }
0x81: {  	_ =	shalt  }
0x82: {  	_ =	shalt  }
0x83: {  	_ =	shalt  }
0x84: {  	_ =	shalt  }
0x85: {  	_ =	shalt  }
0x86: {  	_ =	shalt  }
0x87: {  	_ =	shalt  }
.Lfunc_end0:
.L_simem_size_0:
called_computation.2_lowered:
.L_overlay_start_0:
0x88: {  	s2 =	sld [smem:$0x3FD9]  }
0x89: {  	s3 =	sld [smem:$0x3FFE];
	_ =	sdelay $0x1  }
0x8a: {  	s1 =	srdreg.scid  }
0x8b: {  	s0 =	sand.u32 $0x1, s1  }
0x8c: {  	s16 =	sshll.u32 s0, $0xA;
	s2 =	sadd.s32 s3, s2  }
0x8d: {  	s2 =	sadd.s32 s2, s16  }
0x8e: {  	[smem:$0x3FC2] =	sst s2  }
0x8f: {  	_ = 	snop  }
0x90: {  	(tm) =	ssettm $0x1  }
0x91: {  	s17 =	sld [smem:$0x3FFB];
	_ =	sdelay $0x3  }
0x92: {  	_ =	strace s17  }
0x93: {  	s2 =	sld [smem:$0x3FFC];
	_ =	sdelay $0x3  }
0x94: {  	_ =	strace s2  }
0x95: {  	s2 =	sld [smem:$0x3FFD];
	_ =	sdelay $0x3  }
0x96: {  	_ =	strace s2  }
0x97: {  	_ =	strace $0x8FFFFFFF  }
0x98: {  	s18 =	sld [smem:$0x3FDB];
	_ =	sdelay $0x1  }
0x99: {  	s19 =	simm.s32 $_scs_section_size  }
0x9a: {  	s4 =	simm.s32 $_size__tile_overlayer_lowered;
	s5 =	simm.s32 $_tile_overlayer_lowered  }
0x9b: {  	s22 =	simm.s32 $0x1BFF;
	s21 =	sshll.u32 s5, $0x1;
	s2 =	sadd.s32 s19, s18  }
0x9c: {  	s6 =	simm.s32 $0x0;
	s20 =	sshll.u32 s4, $0x1;
	s4 =	sadd.s32 s21, s2  }
0x9d: {  	[timem:s6], [sflag:s22] =	dma.local [hbm:s4], s20  }
0x9e: {  	_ =	swait.ge [sflag:s22], s20  }
0x9f: {  	s3 =	ssub.s32 $0x0, s20;
	[sflag:s22] =	ssyncset.done $0x0  }
0xa0: {  	[sflag:s22] =	ssyncadd.s32 s3;
	_ =	sdelay $0x1  }
0xa1: {  	s23 =	simm.s32 $0x1B8B  }
0xa2: {  	_ =	swait.ge [sflag:s23], $0x1  }
0xa3: {  	[sflag:s23] =	ssyncset.done $0x0  }
0xa4: {  	s25 =	simm.s32 $0x1B8E;
	s24 =	sld [smem:$0x3FFE];
	[sflag:s23] =	ssyncadd.s32 $0xFFFFFFFF  }
0xa5: {  	s26 =	simm.s32 $execute0_lowered;
	[smem:$0x3FD2] =	sst s25  }
0xa6: {  	s4 =	sshll.u32 s26, $0x1;
	_ =	strace $0x8000004C;
	[dreg:$0x1] =	wrdreg $0xFFFFFFFF  }
0xa7: {  	s28 =	simm.s32 $_size_execute0_lowered;
	s2 =	sadd.s32 s2, s4;
	[dreg:$0x0] =	wrdreg $0x0  }
0xa8: {  	s4 =	sshll.u32 s28, $0x1;
	[dreg:$0x2] =	wrdreg s2  }
0xa9: {  	[dreg:$0x3] =	wrdreg s4  }
0xaa: {  	[dreg:$0x4] =	wrdreg $0xC0  }
0xab: {  	_ =	task [dreg:s6], $0x5FFFF  }
0xac: {  	[dreg:$0x1] =	wrdreg $0xFFFFFFFF  }
0xad: {  	[dreg:$0x0] =	wrdreg $0x60  }
0xae: {  	[dreg:$0x2] =	wrdreg s24  }
0xaf: {  	[dreg:$0x3] =	wrdreg $0x84000  }
0xb0: {  	[dreg:$0x4] =	wrdreg $0x70000  }
0xb1: {  	[dreg:$0x5] =	wrdreg $0x9  }
0xb2: {  	_ =	task.clear_ibuf [dreg:s6], $0x6FFFF;
	_ =	strace $0x9000004C  }
0xb3: {  	s29 =	simm.s32 $0x9;
	_ =	strace $0x8000004E  }
0xb4: {  	_ =	swait.ge [sflag:s29], $0x1  }
0xb5: {  	[sflag:s29] =	ssyncadd.s32 $0xFFFFFFFF  }
0xb6: {  	_ =	strace $0x9000004E  }
0xb7: {  	_ =	sfence  }
0xb8: {  	s30 =	sld [smem:$0x0];
	_ =	sdelay $0x2  }
0xb9: {  	s31 =	sshll.u32 s1, $0xD;
	s1 =	sshrl.u32 s1, $0x2  }
0xba: {  	s3 =	sand.u32 $0x4000, s31;
	s1 =	sadd.s32 s1, s30  }
0xbb: {  	s0 =	sor.u32 s3, s0;
	s1 =	sshll.u32 s1, $0x11  }
0xbc: {  	s0 =	sor.u32 s1, s0  }
0xbd: {  	s0 =	sadd.s32 $0x8F2B, s0  }
0xbe: {  	[sflag:s0] =	ssyncadd.remote.s32 $0x1  }
0xbf: {  	_ =	sfence.sel $0xFFFF  }
0xc0: {  	[dreg:$0x0] =	wrdreg $0xFFFFFFFF;
	(pc) =	sbr.abs _section_cstart, $3  }
0xc1: {  	[dreg:$0x1] =	wrdreg $0xFFFFFFFF  }
0xc2: {  	_ =	task.clear_ibuf [dreg:s6], $0x2FFFF;
	_ =	strace $0x9FFFFFFF  }
0xc3: {  	(tm) =	ssettm $0x7FFFFFFF  }
tec
execute0_lowered:
.L_overlay_start_1:
0x0: {  	(tag) =	ssettag $0x1  }
0x1: {  	s9 =	rddreg [dreg:$0x0]  }
0x2: {  	s2 =	rddreg [dreg:$0x1]  }
0x3: {  	s3 =	rddreg [dreg:$0x2];
	s0 =	stileid.u32  }
0x4: {  	s1 =	srdreg.scid;
	s5 =	smul.u32 $0x1388, s0  }
0x5: {  	s4 =	simm.s32 $0x0;
	s31 =	sand.u32 $0x1, s1;
	s1 =	smul.u32 $0x1400, s0  }
0x6: {  	[smem:$0x7FF] =	sst s4;
	s7 =	sshll.u32 s31, $0x4;
	s6 =	sshrl.u32 s5, $0x3  }
0x7: {  	s7 =	sor.u32 s0, s7;
	s8 =	sshrl.u32 s1, $0x3;
	s6 =	sadd.s32 s6, s9  }
0x8: {  	s7 =	smul.u32 $0x500, s7;
	s8 =	sadd.s32 s8, s9;
	s6 =	sadd.s32 $0x66000, s6  }
0x9: {  	_ =	strace $0x8000004D;
	s19 =	sadd.s32 $0x68800, s8;
	[dreg:$0x4] =	wrdreg s6  }
0xa: {  	s21 =	sshll.u32 s0, $0x6;
	s7 =	sadd.s32 s7, s9;
	[dreg:$0x5] =	wrdreg s19  }
0xb: {  	s20 =	sadd.s32 s5, s2;
	s22 =	sadd.s32 $0xC000, s7;
	s23 =	rddreg [dreg:$0x4]  }
0xc: {  	s5 =	sor.u32 $0x1C02, s21;
	s24 =	sadd.s32 $0x1600, s7;
	[dreg:$0x6] =	wrdreg s22  }
0xd: {  	s6 =	simm.s32 $0x2;
	s7 =	sshrl.u32 s20, $0x3;
	[dreg:$0x7] =	wrdreg s24  }
0xe: {  	[spmem:s7], [sflag:s5] =	dma.local [hbm:s23], $0x271  }
0xf: {  	_ =	swait.ge [sflag:s6], $0x271  }
0x10: {  	s26 =	sadd.s32 s1, s3;
	[sflag:s6] =	ssyncset.done $0x0  }
0x11: {  	s8 =	sshrl.u32 s26, $0x3;
	s25 =	rddreg [dreg:$0x5];
	[sflag:s6] =	ssyncadd.s32 $0xFFFFFD8F  }
0x12: {  	[spmem:s8], [sflag:s5] =	dma.local [hbm:s25], $0x280  }
0x13: {  	_ =	swait.ge [sflag:s6], $0x280  }
0x14: {  	[sflag:s6] =	ssyncset.done $0x0  }
0x15: {  	s0 =	rddreg [dreg:$0x6];
	[sflag:s6] =	ssyncadd.s32 $0xFFFFFD80  }
0x16: {  	[tilespmem:s4], [sflag:$0x2] =	stream.linear.gather [hbm4b:s0+s4], $0x2800, $0x38;
	[tilespmem:$0x9788] =	vst v63  }
0x17: {  	_ =	swait.ge [sflag:s6], $0x2800  }
0x18: {  	[sflag:s6] =	ssyncset.done $0x0  }
0x19: {  	s9 =	simm.s32 $0x2800;
	s10 =	rddreg [dreg:$0x7];
	[sflag:s6] =	ssyncadd.s32 $0xFFFFD800  }
0x1a: {  	[tilespmem:s9], [sflag:$0x2] =	stream.linear.gather [hbm4b:s10+s4], $0x2800, $0x38;
	[tilespmem:$0x9788] =	vst v63  }
0x1b: {  	_ =	swait.ge [sflag:s6], $0x2800  }
0x1c: {  	[sflag:s6] =	ssyncset.done $0x0  }
0x1d: {  	s11 =	simm.s32 $0x5000;
	[sflag:s6] =	ssyncadd.s32 $0xFFFFD800  }
0x1e: {  	s12 =	simm.s32 $0x1;
	s10 =	simm.s32 $0x400;
	[bflag:$0x0] =	sbarrier.arrive $0xFFFF  }
0x1f: {  	[tilespmem:s11], [sflag:$0x1] =	stream.indirect.gather [spmem:s2], $0x8, s4, s10, $0xb8;
	[tilespmem:$0x9788] =	vst v63  }
0x20: {  	_ =	swait.ge [sflag:s12], $0x2000  }
0x21: {  	[sflag:s12] =	ssyncset.done $0x0  }
0x22: {  	[sflag:s12] =	ssyncadd.s32 $0xFFFFE000  }
0x23: {  	[spmem:s3] =	stream.indirect.scatter.add.f32 [tilespmem:s11], [sflag:$0x2], $0x8, s9, s10, $0xb8;
	[tilespmem:$0x9788] =	vst v63  }
0x24: {  	_ =	swait.ge [sflag:s6], $0x2000  }
0x25: {  	[sflag:s6] =	ssyncset.done $0x0  }
0x26: {  	[sflag:s6] =	ssyncadd.s32 $0xFFFFE000  }
0x27: {  	[tilespmem:s11], [sflag:$0x1] =	stream.indirect.gather [spmem:s2], $0x8, s10, s10, $0xb8;
	[tilespmem:$0x9788] =	vst v63  }
0x28: {  	_ =	swait.ge [sflag:s12], $0x2000  }
0x29: {  	[sflag:s12] =	ssyncset.done $0x0  }
0x2a: {  	s13 =	simm.s32 $0x2C00;
	[sflag:s12] =	ssyncadd.s32 $0xFFFFE000  }
0x2b: {  	[spmem:s3] =	stream.indirect.scatter.add.f32 [tilespmem:s11], [sflag:$0x2], $0x8, s13, s10, $0xb8;
	[tilespmem:$0x9788] =	vst v63  }
0x2c: {  	_ =	swait.ge [sflag:s6], $0x2000  }
0x2d: {  	[sflag:s6] =	ssyncset.done $0x0  }
0x2e: {  	s14 =	simm.s32 $0x800;
	[sflag:s6] =	ssyncadd.s32 $0xFFFFE000  }
0x2f: {  	[tilespmem:s11], [sflag:$0x1] =	stream.indirect.gather [spmem:s2], $0x8, s14, s10, $0xb8;
	[tilespmem:$0x9788] =	vst v63  }
0x30: {  	_ =	swait.ge [sflag:s12], $0x2000  }
0x31: {  	[sflag:s12] =	ssyncset.done $0x0  }
0x32: {  	s15 =	simm.s32 $0x3000;
	[sflag:s12] =	ssyncadd.s32 $0xFFFFE000  }
0x33: {  	[spmem:s3] =	stream.indirect.scatter.add.f32 [tilespmem:s11], [sflag:$0x2], $0x8, s15, s10, $0xb8;
	[tilespmem:$0x9788] =	vst v63  }
0x34: {  	_ =	swait.ge [sflag:s6], $0x2000  }
0x35: {  	[sflag:s6] =	ssyncset.done $0x0  }
0x36: {  	s16 =	simm.s32 $0xC00;
	[sflag:s6] =	ssyncadd.s32 $0xFFFFE000  }
0x37: {  	[tilespmem:s11], [sflag:$0x1] =	stream.indirect.gather [spmem:s2], $0x8, s16, s10, $0xb8;
	[tilespmem:$0x9788] =	vst v63  }
0x38: {  	_ =	swait.ge [sflag:s12], $0x2000  }
0x39: {  	[sflag:s12] =	ssyncset.done $0x0  }
0x3a: {  	s17 =	simm.s32 $0x3400;
	[sflag:s12] =	ssyncadd.s32 $0xFFFFE000  }
0x3b: {  	[spmem:s3] =	stream.indirect.scatter.add.f32 [tilespmem:s11], [sflag:$0x2], $0x8, s17, s10, $0xb8;
	[tilespmem:$0x9788] =	vst v63  }
0x3c: {  	_ =	swait.ge [sflag:s6], $0x2000  }
0x3d: {  	[sflag:s6] =	ssyncset.done $0x0  }
0x3e: {  	s18 =	simm.s32 $0x1000;
	[sflag:s6] =	ssyncadd.s32 $0xFFFFE000  }
0x3f: {  	[tilespmem:s11], [sflag:$0x1] =	stream.indirect.gather [spmem:s2], $0x8, s18, s10, $0xb8;
	[tilespmem:$0x9788] =	vst v63  }
0x40: {  	_ =	swait.ge [sflag:s12], $0x2000  }
0x41: {  	[sflag:s12] =	ssyncset.done $0x0  }
0x42: {  	s19 =	simm.s32 $0x3800;
	[sflag:s12] =	ssyncadd.s32 $0xFFFFE000  }
0x43: {  	[spmem:s3] =	stream.indirect.scatter.add.f32 [tilespmem:s11], [sflag:$0x2], $0x8, s19, s10, $0xb8;
	[tilespmem:$0x9788] =	vst v63  }
0x44: {  	_ =	swait.ge [sflag:s6], $0x2000  }
0x45: {  	[sflag:s6] =	ssyncset.done $0x0  }
0x46: {  	s20 =	simm.s32 $0x1400;
	[sflag:s6] =	ssyncadd.s32 $0xFFFFE000  }
0x47: {  	[tilespmem:s11], [sflag:$0x1] =	stream.indirect.gather [spmem:s2], $0x8, s20, s10, $0xb8;
	[tilespmem:$0x9788] =	vst v63  }
0x48: {  	_ =	swait.ge [sflag:s12], $0x2000  }
0x49: {  	[sflag:s12] =	ssyncset.done $0x0  }
0x4a: {  	s21 =	simm.s32 $0x3C00;
	[sflag:s12] =	ssyncadd.s32 $0xFFFFE000  }
0x4b: {  	[spmem:s3] =	stream.indirect.scatter.add.f32 [tilespmem:s11], [sflag:$0x2], $0x8, s21, s10, $0xb8;
	[tilespmem:$0x9788] =	vst v63  }
0x4c: {  	_ =	swait.ge [sflag:s6], $0x2000  }
0x4d: {  	[sflag:s6] =	ssyncset.done $0x0  }
0x4e: {  	s22 =	simm.s32 $0x1800;
	[sflag:s6] =	ssyncadd.s32 $0xFFFFE000  }
0x4f: {  	[tilespmem:s11], [sflag:$0x1] =	stream.indirect.gather [spmem:s2], $0x8, s22, s10, $0xb8;
	[tilespmem:$0x9788] =	vst v63  }
0x50: {  	_ =	swait.ge [sflag:s12], $0x2000  }
0x51: {  	[sflag:s12] =	ssyncset.done $0x0  }
0x52: {  	s23 =	simm.s32 $0x4000;
	[sflag:s12] =	ssyncadd.s32 $0xFFFFE000  }
0x53: {  	[spmem:s3] =	stream.indirect.scatter.add.f32 [tilespmem:s11], [sflag:$0x2], $0x8, s23, s10, $0xb8;
	[tilespmem:$0x9788] =	vst v63  }
0x54: {  	_ =	swait.ge [sflag:s6], $0x2000  }
0x55: {  	[sflag:s6] =	ssyncset.done $0x0  }
0x56: {  	s24 =	simm.s32 $0x1C00;
	[sflag:s6] =	ssyncadd.s32 $0xFFFFE000  }
0x57: {  	[tilespmem:s11], [sflag:$0x1] =	stream.indirect.gather [spmem:s2], $0x8, s24, s10, $0xb8;
	[tilespmem:$0x9788] =	vst v63  }
0x58: {  	_ =	swait.ge [sflag:s12], $0x2000  }
0x59: {  	[sflag:s12] =	ssyncset.done $0x0  }
0x5a: {  	s25 =	simm.s32 $0x4400;
	[sflag:s12] =	ssyncadd.s32 $0xFFFFE000  }
0x5b: {  	[spmem:s3] =	stream.indirect.scatter.add.f32 [tilespmem:s11], [sflag:$0x2], $0x8, s25, s10, $0xb8;
	[tilespmem:$0x9788] =	vst v63  }
0x5c: {  	_ =	swait.ge [sflag:s6], $0x2000  }
0x5d: {  	[sflag:s6] =	ssyncset.done $0x0  }
0x5e: {  	s26 =	simm.s32 $0x2000;
	[sflag:s6] =	ssyncadd.s32 $0xFFFFE000  }
0x5f: {  	[tilespmem:s11], [sflag:$0x1] =	stream.indirect.gather [spmem:s2], $0x8, s26, s10, $0xb8;
	[tilespmem:$0x9788] =	vst v63  }
0x60: {  	_ =	swait.ge [sflag:s12], $0x2000  }
0x61: {  	[sflag:s12] =	ssyncset.done $0x0  }
0x62: {  	s28 =	simm.s32 $0x4800;
	[sflag:s12] =	ssyncadd.s32 $0xFFFFE000  }
0x63: {  	[spmem:s3] =	stream.indirect.scatter.add.f32 [tilespmem:s11], [sflag:$0x2], $0x8, s28, s10, $0xb8;
	[tilespmem:$0x9788] =	vst v63  }
0x64: {  	_ =	swait.ge [sflag:s6], $0x2000  }
0x65: {  	[sflag:s6] =	ssyncset.done $0x0  }
0x66: {  	s29 =	simm.s32 $0x2400;
	s0 =	smul.u32 $0x14000, s31;
	[sflag:s6] =	ssyncadd.s32 $0xFFFFE000  }
0x67: {  	[tilespmem:s11], [sflag:$0x1] =	stream.indirect.gather [spmem:s2], $0x8, s29, s10, $0xb8;
	[tilespmem:$0x9788] =	vst v63  }
0x68: {  	_ =	swait.ge [sflag:s12], $0x2000  }
0x69: {  	s30 =	simm.s32 $0x4C00;
	s0 =	sadd.s32 s1, s0;
	[sflag:s12] =	ssyncset.done $0x0  }
0x6a: {  	s1 =	ssub.s32 $0x2, s31;
	s0 =	sshrl.u32 s0, $0x3;
	[sflag:s12] =	ssyncadd.s32 $0xFFFFE000  }
0x6b: {  	[spmem:s3] =	stream.indirect.scatter.add.f32 [tilespmem:s11], [sflag:$0x2], $0x8, s30, s10, $0xb8;
	[tilespmem:$0x9788] =	vst v63  }
0x6c: {  	_ =	swait.ge [sflag:s6], $0x2000;
	[dreg:$0x8] =	wrdreg s0;
	s0 =	sshrl.u32 s1, $0x1  }
0x6d: {  	[dreg:$0x9] =	wrdreg s0  }
0x6e: {  	[sflag:s6] =	ssyncset.done $0x0;
	s31 =	rddreg [dreg:$0x8]  }
0x6f: {  	s0 =	rddreg [dreg:$0x0]  }
0x70: {  	s0 =	sadd.s32 s31, s0;
	s31 =	rddreg [dreg:$0x9]  }
0x71: {  	s1 =	ssub.s32 s1, s31  }
0x72: {  	s1 =	smax.u32 s1, $0x1  }
0x73: {  	p0 =	sne.s32 s1, $0x1  }
.Ltmp0:
0x74: {  	_ = 	snop;
	(pc) =	sbr.rel @!p0 .LBB2_2-.Ltmp0, $4  }
0x75: {  	[sflag:s6] =	ssyncadd.s32 $0xFFFFE000  }
0x76: {  	[bflag:$0x0] =	sbarrier.arrive $0xFFFF;
	s31 =	sadd.s32 $0x6B000, s0  }
0x77: {  	[hbm:s31], [sflag:s5] =	dma.local [spmem:s8], $0x280  }
0x78: {  	s0 =	sadd.s32 $0xFFFFFFFF, s1;
	_ =	swait.ge [sflag:s6], $0x280  }
.LBB2_1:
0x79: {  	[sflag:s6] =	ssyncset.done $0x0  }
0x7a: {  	s1 =	rddreg [dreg:$0x4];
	[sflag:s6] =	ssyncadd.s32 $0xFFFFFD80  }
0x7b: {  	[spmem:s7], [sflag:s5] =	dma.local [hbm:s1], $0x271  }
0x7c: {  	_ =	swait.ge [sflag:s6], $0x271  }
0x7d: {  	[sflag:s6] =	ssyncset.done $0x0  }
0x7e: {  	s1 =	rddreg [dreg:$0x5];
	[sflag:s6] =	ssyncadd.s32 $0xFFFFFD8F  }
0x7f: {  	[spmem:s8], [sflag:s5] =	dma.local [hbm:s1], $0x280  }
0x80: {  	_ =	swait.ge [sflag:s6], $0x280  }
0x81: {  	[sflag:s6] =	ssyncset.done $0x0  }
0x82: {  	s1 =	rddreg [dreg:$0x6];
	[sflag:s6] =	ssyncadd.s32 $0xFFFFFD80  }
0x83: {  	[tilespmem:s4], [sflag:$0x2] =	stream.linear.gather [hbm4b:s1+s4], $0x2800, $0x38;
	[tilespmem:$0x9788] =	vst v63  }
0x84: {  	_ =	swait.ge [sflag:s6], $0x2800  }
0x85: {  	[sflag:s6] =	ssyncset.done $0x0  }
0x86: {  	s1 =	rddreg [dreg:$0x7];
	[sflag:s6] =	ssyncadd.s32 $0xFFFFD800  }
0x87: {  	[tilespmem:s9], [sflag:$0x2] =	stream.linear.gather [hbm4b:s1+s4], $0x2800, $0x38;
	[tilespmem:$0x9788] =	vst v63  }
0x88: {  	_ =	swait.ge [sflag:s6], $0x2800  }
0x89: {  	[sflag:s6] =	ssyncset.done $0x0  }
0x8a: {  	[sflag:s6] =	ssyncadd.s32 $0xFFFFD800  }
0x8b: {  	[bflag:$0x0] =	sbarrier.arrive $0xFFFF  }
0x8c: {  	[tilespmem:s11], [sflag:$0x1] =	stream.indirect.gather [spmem:s2], $0x8, s4, s10, $0xb8;
	[tilespmem:$0x9788] =	vst v63  }
0x8d: {  	_ =	swait.ge [sflag:s12], $0x2000  }
0x8e: {  	[sflag:s12] =	ssyncset.done $0x0  }
0x8f: {  	[sflag:s12] =	ssyncadd.s32 $0xFFFFE000  }
0x90: {  	[spmem:s3] =	stream.indirect.scatter.add.f32 [tilespmem:s11], [sflag:$0x2], $0x8, s9, s10, $0xb8;
	[tilespmem:$0x9788] =	vst v63  }
0x91: {  	_ =	swait.ge [sflag:s6], $0x2000  }
0x92: {  	[sflag:s6] =	ssyncset.done $0x0  }
0x93: {  	[sflag:s6] =	ssyncadd.s32 $0xFFFFE000  }
0x94: {  	[tilespmem:s11], [sflag:$0x1] =	stream.indirect.gather [spmem:s2], $0x8, s10, s10, $0xb8;
	[tilespmem:$0x9788] =	vst v63  }
0x95: {  	_ =	swait.ge [sflag:s12], $0x2000  }
0x96: {  	[sflag:s12] =	ssyncset.done $0x0  }
0x97: {  	[sflag:s12] =	ssyncadd.s32 $0xFFFFE000  }
0x98: {  	[spmem:s3] =	stream.indirect.scatter.add.f32 [tilespmem:s11], [sflag:$0x2], $0x8, s13, s10, $0xb8;
	[tilespmem:$0x9788] =	vst v63  }
0x99: {  	_ =	swait.ge [sflag:s6], $0x2000  }
0x9a: {  	[sflag:s6] =	ssyncset.done $0x0  }
0x9b: {  	[sflag:s6] =	ssyncadd.s32 $0xFFFFE000  }
0x9c: {  	[tilespmem:s11], [sflag:$0x1] =	stream.indirect.gather [spmem:s2], $0x8, s14, s10, $0xb8;
	[tilespmem:$0x9788] =	vst v63  }
0x9d: {  	_ =	swait.ge [sflag:s12], $0x2000  }
0x9e: {  	[sflag:s12] =	ssyncset.done $0x0  }
0x9f: {  	[sflag:s12] =	ssyncadd.s32 $0xFFFFE000  }
0xa0: {  	[spmem:s3] =	stream.indirect.scatter.add.f32 [tilespmem:s11], [sflag:$0x2], $0x8, s15, s10, $0xb8;
	[tilespmem:$0x9788] =	vst v63  }
0xa1: {  	_ =	swait.ge [sflag:s6], $0x2000  }
0xa2: {  	[sflag:s6] =	ssyncset.done $0x0  }
0xa3: {  	[sflag:s6] =	ssyncadd.s32 $0xFFFFE000  }
0xa4: {  	[tilespmem:s11], [sflag:$0x1] =	stream.indirect.gather [spmem:s2], $0x8, s16, s10, $0xb8;
	[tilespmem:$0x9788] =	vst v63  }
0xa5: {  	_ =	swait.ge [sflag:s12], $0x2000  }
0xa6: {  	[sflag:s12] =	ssyncset.done $0x0  }
0xa7: {  	[sflag:s12] =	ssyncadd.s32 $0xFFFFE000  }
0xa8: {  	[spmem:s3] =	stream.indirect.scatter.add.f32 [tilespmem:s11], [sflag:$0x2], $0x8, s17, s10, $0xb8;
	[tilespmem:$0x9788] =	vst v63  }
0xa9: {  	_ =	swait.ge [sflag:s6], $0x2000  }
0xaa: {  	[sflag:s6] =	ssyncset.done $0x0  }
0xab: {  	[sflag:s6] =	ssyncadd.s32 $0xFFFFE000  }
0xac: {  	[tilespmem:s11], [sflag:$0x1] =	stream.indirect.gather [spmem:s2], $0x8, s18, s10, $0xb8;
	[tilespmem:$0x9788] =	vst v63  }
0xad: {  	_ =	swait.ge [sflag:s12], $0x2000  }
0xae: {  	[sflag:s12] =	ssyncset.done $0x0  }
0xaf: {  	[sflag:s12] =	ssyncadd.s32 $0xFFFFE000  }
0xb0: {  	[spmem:s3] =	stream.indirect.scatter.add.f32 [tilespmem:s11], [sflag:$0x2], $0x8, s19, s10, $0xb8;
	[tilespmem:$0x9788] =	vst v63  }
0xb1: {  	_ =	swait.ge [sflag:s6], $0x2000  }
0xb2: {  	[sflag:s6] =	ssyncset.done $0x0  }
0xb3: {  	[sflag:s6] =	ssyncadd.s32 $0xFFFFE000  }
0xb4: {  	[tilespmem:s11], [sflag:$0x1] =	stream.indirect.gather [spmem:s2], $0x8, s20, s10, $0xb8;
	[tilespmem:$0x9788] =	vst v63  }
0xb5: {  	_ =	swait.ge [sflag:s12], $0x2000  }
0xb6: {  	[sflag:s12] =	ssyncset.done $0x0  }
0xb7: {  	[sflag:s12] =	ssyncadd.s32 $0xFFFFE000  }
0xb8: {  	[spmem:s3] =	stream.indirect.scatter.add.f32 [tilespmem:s11], [sflag:$0x2], $0x8, s21, s10, $0xb8;
	[tilespmem:$0x9788] =	vst v63  }
0xb9: {  	_ =	swait.ge [sflag:s6], $0x2000  }
0xba: {  	[sflag:s6] =	ssyncset.done $0x0  }
0xbb: {  	[sflag:s6] =	ssyncadd.s32 $0xFFFFE000  }
0xbc: {  	[tilespmem:s11], [sflag:$0x1] =	stream.indirect.gather [spmem:s2], $0x8, s22, s10, $0xb8;
	[tilespmem:$0x9788] =	vst v63  }
0xbd: {  	_ =	swait.ge [sflag:s12], $0x2000  }
0xbe: {  	[sflag:s12] =	ssyncset.done $0x0  }
0xbf: {  	[sflag:s12] =	ssyncadd.s32 $0xFFFFE000  }
0xc0: {  	[spmem:s3] =	stream.indirect.scatter.add.f32 [tilespmem:s11], [sflag:$0x2], $0x8, s23, s10, $0xb8;
	[tilespmem:$0x9788] =	vst v63  }
0xc1: {  	_ =	swait.ge [sflag:s6], $0x2000  }
0xc2: {  	[sflag:s6] =	ssyncset.done $0x0  }
0xc3: {  	[sflag:s6] =	ssyncadd.s32 $0xFFFFE000  }
0xc4: {  	[tilespmem:s11], [sflag:$0x1] =	stream.indirect.gather [spmem:s2], $0x8, s24, s10, $0xb8;
	[tilespmem:$0x9788] =	vst v63  }
0xc5: {  	_ =	swait.ge [sflag:s12], $0x2000  }
0xc6: {  	[sflag:s12] =	ssyncset.done $0x0  }
0xc7: {  	[sflag:s12] =	ssyncadd.s32 $0xFFFFE000  }
0xc8: {  	[spmem:s3] =	stream.indirect.scatter.add.f32 [tilespmem:s11], [sflag:$0x2], $0x8, s25, s10, $0xb8;
	[tilespmem:$0x9788] =	vst v63  }
0xc9: {  	_ =	swait.ge [sflag:s6], $0x2000  }
0xca: {  	[sflag:s6] =	ssyncset.done $0x0  }
0xcb: {  	[sflag:s6] =	ssyncadd.s32 $0xFFFFE000  }
0xcc: {  	[tilespmem:s11], [sflag:$0x1] =	stream.indirect.gather [spmem:s2], $0x8, s26, s10, $0xb8;
	[tilespmem:$0x9788] =	vst v63  }
0xcd: {  	_ =	swait.ge [sflag:s12], $0x2000  }
0xce: {  	[sflag:s12] =	ssyncset.done $0x0  }
0xcf: {  	[sflag:s12] =	ssyncadd.s32 $0xFFFFE000  }
0xd0: {  	[spmem:s3] =	stream.indirect.scatter.add.f32 [tilespmem:s11], [sflag:$0x2], $0x8, s28, s10, $0xb8;
	[tilespmem:$0x9788] =	vst v63  }
0xd1: {  	_ =	swait.ge [sflag:s6], $0x2000  }
0xd2: {  	[sflag:s6] =	ssyncset.done $0x0  }
0xd3: {  	[sflag:s6] =	ssyncadd.s32 $0xFFFFE000  }
0xd4: {  	[tilespmem:s11], [sflag:$0x1] =	stream.indirect.gather [spmem:s2], $0x8, s29, s10, $0xb8;
	[tilespmem:$0x9788] =	vst v63  }
0xd5: {  	_ =	swait.ge [sflag:s12], $0x2000  }
0xd6: {  	[sflag:s12] =	ssyncset.done $0x0  }
0xd7: {  	[sflag:s12] =	ssyncadd.s32 $0xFFFFE000  }
0xd8: {  	[spmem:s3] =	stream.indirect.scatter.add.f32 [tilespmem:s11], [sflag:$0x2], $0x8, s30, s10, $0xb8;
	[tilespmem:$0x9788] =	vst v63  }
0xd9: {  	p0 =	sne.s32 s0, $0x1;
	_ =	swait.ge [sflag:s6], $0x2000  }
.Ltmp1:
0xda: {  	[sflag:s6] =	ssyncset.done $0x0;
	(pc) =	sbr.rel @p0 .LBB2_1-.Ltmp1, $4  }
0xdb: {  	[sflag:s6] =	ssyncadd.s32 $0xFFFFE000  }
0xdc: {  	[bflag:$0x0] =	sbarrier.arrive $0xFFFF  }
0xdd: {  	[hbm:s31], [sflag:s5] =	dma.local [spmem:s8], $0x280  }
0xde: {  	s0 =	sadd.s32 $0xFFFFFFFF, s0;
	_ =	swait.ge [sflag:s6], $0x280  }
.LBB2_2:
0xdf: {  	[sflag:s6] =	ssyncset.done $0x0  }
0xe0: {  	[sflag:s6] =	ssyncadd.s32 $0xFFFFFD80  }
0xe1: {  	_ =	sfence.sel $0x180000  }
0xe2: {  	[bflag:$0x0] =	sbarrier.arrive $0xFFFF  }
0xe3: {  	_ =	strace $0x9000004D  }
0xe4: {  	s0 =	stileid.u32;
	[bflag:$0x2] =	sbarrier.arrive $0xFFFF  }
0xe5: {  	p0 =	sne.s32 s0, $0x0;
	s0 =	rddreg [dreg:$0x3]  }
0xe6: {  	s0 =	sadd.s32 @!p0 $0x100000, s0  }
0xe7: {  	[sflag:s0] =	ssyncadd.tile.s32 @!p0 $0x1;
	_ =	shalt  }
.Lfunc_end2:
_tile_overlayer_lowered:
.L_overlay_start_2:
0xe8: {  	(tag) =	ssettag $0x2  }
0xe9: {  	s0 =	rddreg [dreg:$0x0];
	s2 =	stileid.u32  }
0xea: {  	s1 =	rddreg [dreg:$0x1];
	p0 =	sne.s32 s2, $0x0  }
0xeb: {  	s3 =	rddreg [dreg:$0x2];
	[bflag:$0x3] =	sbarrier.arrive $0xFFFF;
	s2 =	simm.s32 @!p0 $0x1C02  }
0xec: {  	[timem:s3], [sflag:s2] =	dma.local @!p0 [hbm:s0], s1  }
0xed: {  	s0 =	simm.s32 @!p0 $0x2  }
0xee: {  	_ =	swait.ge @!p0 [sflag:s0], s1  }
0xef: {  	s1 =	ssub.s32 @!p0 $0x0, s1;
	[sflag:s0] =	ssyncset.done @!p0 $0x0  }
0xf0: {  	[sflag:s0] =	ssyncadd.s32 @!p0 s1  }
0xf1: {  	[bflag:$0x3] =	sbarrier.arrive $0xFFFF  }
0xf2: {  	_ =	shalt  }

// kernel: kernel.8.cloned.1.call-start
scs
__scs_entry_jumppad:
0x0: {  	(pc) =	sbr.rel $0x88, $3  }
0x1: {  	(tag) =	ssettag $0x0;
	lr =	simm.s32 $0x1  }
0x2: {  	[smem:$0x3F9B] =	sst lr;
	_ =	strace $0xD0000000  }
0x3: {  	_ = 	snop  }
0x4: {  	_ = 	snop  }
0x5: {  	_ = 	snop  }
0x6: {  	_ = 	snop  }
0x7: {  	_ = 	snop  }
__scs_overlays_trampoline_lowered:
0x8: {  	[smem:$0x3FAA] =	sst s0  }
0x9: {  	[smem:$0x3FAB] =	sst s1  }
0xa: {  	[smem:$0x3FAC] =	sst s2  }
0xb: {  	[smem:$0x3FAD] =	sst s3  }
0xc: {  	[smem:$0x3FAE] =	sst s4  }
0xd: {  	[smem:$0x3FAF] =	sst s5  }
0xe: {  	[smem:$0x3FB0] =	sst s6  }
0xf: {  	[smem:$0x3FB1] =	sst s7  }
0x10: {  	[smem:$0x3FB2] =	sst s8  }
0x11: {  	[smem:$0x3FB3] =	sst s9;
	s0 =	simm.s32 @!p0 $0x0  }
0x12: {  	s1 =	sld [smem:$0x3F99];
	s0 =	simm.s32 @p0 $0x1  }
0x13: {  	[smem:$0x3FB4] =	sst s0;
	s0 =	simm.s32 @!p1 $0x0  }
0x14: {  	s2 =	sld [smem:$0x3F98];
	s0 =	simm.s32 @p1 $0x1  }
0x15: {  	[smem:$0x3FB5] =	sst s0;
	s0 =	simm.s32 @!p2 $0x0  }
0x16: {  	s3 =	sld [smem:$0x3FDB];
	s0 =	simm.s32 @p2 $0x1  }
0x17: {  	s4 =	simm.s32 $0x1BF5;
	[smem:$0x3FB7] =	sst s0  }
0x18: {  	s0 =	sld [smem:$0x3F9A];
	_ =	swait.ge [sflag:s4], $0x0  }
0x19: {  	s7 =	sld [smem:$0x3F9B]  }
0x1a: {  	s8 =	sadd.s32 $0xFFFFE003, lr  }
0x1b: {  	s9 =	sadd.s32 $0xFFFFFEF7, lr;
	s5 =	simm.s32 $0xFFFFFFFF;
	p2 =	slt.u32 s8, $0xFFFFF086  }
0x1c: {  	p1 =	slt.u32 s9, $0xF7A;
	s5 =	simm.s32 @!p2 $0x0  }
0x1d: {  	s5 =	simm.s32 @p1 $0x1;
	p0 =	seq.s32 s7, s2  }
0x1e: {  	s7 =	smul.u32 @!p0 $0xF7A, s2;
	p2 =	seq.s32 @!p0 s5, $0x0  }
0x1f: {  	s9 =	smul.u32 $0xF7A, s1;
	s8 =	simm.s32 @!p0 $0x1BF5;
	p2 =	por !p2, p0  }
0x20: {  	[sflag:s8] =	ssyncset.s32 @!p0 $0xFFFFF086;
	s6 =	sadd.s32 @!p0 s3, s7;
	s7 =	simm.s32 @!p0 $0x108  }
0x21: {  	s3 =	sadd.s32 s3, s9;
	s6 =	sadd.s32 @!p0 $0x88, s6;
	s7 =	simm.s32 @p2 $0x1082  }
0x22: {  	[simem:s7], [sflag:s8] =	dma.local @!p0 [hbm:s6], $0xF7A  }
0x23: {  	s9 =	sor.u32 $0xD0000000, s2;
	s6 =	simm.s32 $0x108;
	_ =	swait.ge @!p0 [sflag:s8], $0x0  }
0x24: {  	s3 =	sadd.s32 $0x88, s3;
	s6 =	simm.s32 @!p1 $0x1082;
	[sflag:s4] =	ssyncset.s32 $0xFFFFF086  }
0x25: {  	[simem:s6], [sflag:s4] =	dma.local [hbm:s3], $0xF7A  }
0x26: {  	[smem:$0x3F9B] =	sst s1;
	(tag) =	ssettag s2;
	_ =	strace s9  }
0x27: {  	s1 =	sld [smem:$0x3FAB]  }
0x28: {  	s2 =	sld [smem:$0x3FAC]  }
0x29: {  	s4 =	sld [smem:$0x3FAE]  }
0x2a: {  	p0 =	seq.s32 s5, $0x0;
	s5 =	sld [smem:$0x3FAF]  }
0x2b: {  	s6 =	sld [smem:$0x3FB0]  }
0x2c: {  	s7 =	sld [smem:$0x3FB1]  }
0x2d: {  	s3 =	simm.s32 $0x108;
	s8 =	sld [smem:$0x3FB2]  }
0x2e: {  	s3 =	simm.s32 @!p0 $0x1082;
	s9 =	sld [smem:$0x3FB3]  }
0x2f: {  	lr =	sadd.s32 s0, s3;
	s0 =	sld [smem:$0x3FAA]  }
0x30: {  	s3 =	sld [smem:$0x3FAD]  }
0x31: {  	[smem:$0x3FB6] =	sst s10  }
0x32: {  	s10 =	sld [smem:$0x3FB4];
	_ =	sdelay $0x3  }
0x33: {  	p0 =	seq.s32 s10, $0x1;
	s10 =	sld [smem:$0x3FB6];
	_ =	sdelay $0x3  }
0x34: {  	[smem:$0x3FB6] =	sst s10  }
0x35: {  	s10 =	sld [smem:$0x3FB5];
	_ =	sdelay $0x3  }
0x36: {  	p1 =	seq.s32 s10, $0x1;
	s10 =	sld [smem:$0x3FB6];
	_ =	sdelay $0x3  }
0x37: {  	[smem:$0x3FB6] =	sst s10  }
0x38: {  	s10 =	sld [smem:$0x3FB7]  }
0x39: {  	_ = 	snop;
	(pc) =	sbr.ind lr, $3  }
0x3a: {  	_ = 	snop  }
0x3b: {  	_ = 	snop  }
0x3c: {  	p2 =	seq.s32 s10, $0x1;
	s10 =	sld [smem:$0x3FB6]  }
0x3d: {  	_ =	shalt  }
0x3e: {  	_ =	shalt  }
0x3f: {  	_ =	shalt  }
0x40: {  	_ =	shalt  }
0x41: {  	_ =	shalt  }
0x42: {  	_ =	shalt  }
0x43: {  	_ =	shalt  }
0x44: {  	_ =	shalt  }
0x45: {  	_ =	shalt  }
0x46: {  	_ =	shalt  }
0x47: {  	_ =	shalt  }
0x48: {  	_ =	shalt  }
0x49: {  	_ =	shalt  }
0x4a: {  	_ =	shalt  }
0x4b: {  	_ =	shalt  }
0x4c: {  	_ =	shalt  }
0x4d: {  	_ =	shalt  }
0x4e: {  	_ =	shalt  }
0x4f: {  	_ =	shalt  }
0x50: {  	_ =	shalt  }
0x51: {  	_ =	shalt  }
0x52: {  	_ =	shalt  }
0x53: {  	_ =	shalt  }
0x54: {  	_ =	shalt  }
0x55: {  	_ =	shalt  }
0x56: {  	_ =	shalt  }
0x57: {  	_ =	shalt  }
0x58: {  	_ =	shalt  }
0x59: {  	_ =	shalt  }
0x5a: {  	_ =	shalt  }
0x5b: {  	_ =	shalt  }
0x5c: {  	_ =	shalt  }
0x5d: {  	_ =	shalt  }
0x5e: {  	_ =	shalt  }
0x5f: {  	_ =	shalt  }
0x60: {  	_ =	shalt  }
0x61: {  	_ =	shalt  }
0x62: {  	_ =	shalt  }
0x63: {  	_ =	shalt  }
0x64: {  	_ =	shalt  }
0x65: {  	_ =	shalt  }
0x66: {  	_ =	shalt  }
0x67: {  	_ =	shalt  }
0x68: {  	_ =	shalt  }
0x69: {  	_ =	shalt  }
0x6a: {  	_ =	shalt  }
0x6b: {  	_ =	shalt  }
0x6c: {  	_ =	shalt  }
0x6d: {  	_ =	shalt  }
0x6e: {  	_ =	shalt  }
0x6f: {  	_ =	shalt  }
0x70: {  	_ =	shalt  }
0x71: {  	_ =	shalt  }
0x72: {  	_ =	shalt  }
0x73: {  	_ =	shalt  }
0x74: {  	_ =	shalt  }
0x75: {  	_ =	shalt  }
0x76: {  	_ =	shalt  }
0x77: {  	_ =	shalt  }
0x78: {  	_ =	shalt  }
0x79: {  	_ =	shalt  }
0x7a: {  	_ =	shalt  }
0x7b: {  	_ =	shalt  }
0x7c: {  	_ =	shalt  }
0x7d: {  	_ =	shalt  }
0x7e: {  	_ =	shalt  }
0x7f: {  	_ =	shalt  }
0x80: {  	_ =	shalt  }
0x81: {  	_ =	shalt  }
0x82: {  	_ =	shalt  }
0x83: {  	_ =	shalt  }
0x84: {  	_ =	shalt  }
0x85: {  	_ =	shalt  }
0x86: {  	_ =	shalt  }
0x87: {  	_ =	shalt  }
.Lfunc_end0:
.L_simem_size_0:
called_computation_lowered:
.L_overlay_start_0:
0x88: {  	s2 =	sld [smem:$0x3FD9]  }
0x89: {  	s3 =	sld [smem:$0x3FFE];
	_ =	sdelay $0x1  }
0x8a: {  	s1 =	srdreg.scid  }
0x8b: {  	s0 =	sand.u32 $0x1, s1  }
0x8c: {  	s17 =	sshll.u32 s0, $0xA;
	s2 =	sadd.s32 s3, s2  }
0x8d: {  	s2 =	sadd.s32 s2, s17  }
0x8e: {  	[smem:$0x3FC2] =	sst s2  }
0x8f: {  	_ = 	snop  }
0x90: {  	s2 =	sld [smem:$0x3FD0];
	(tm) =	ssettm $0x1  }
0x91: {  	s18 =	sld [smem:$0x3FFB];
	_ =	sdelay $0x3  }
0x92: {  	_ =	strace s18  }
0x93: {  	s3 =	sld [smem:$0x3FFC];
	_ =	sdelay $0x3  }
0x94: {  	_ =	strace s3  }
0x95: {  	s3 =	sld [smem:$0x3FFD];
	_ =	sdelay $0x3  }
0x96: {  	_ =	strace s3  }
0x97: {  	_ =	strace $0x8FFFFFFF  }
0x98: {  	s19 =	sld [smem:$0x3FDB];
	_ =	sdelay $0x1  }
0x99: {  	s4 =	simm.s32 $_scs_section_size  }
0x9a: {  	s5 =	simm.s32 $_size__tile_overlayer_lowered;
	s6 =	simm.s32 $_tile_overlayer_lowered  }
0x9b: {  	s22 =	simm.s32 $0x1BFF;
	s21 =	sshll.u32 s6, $0x1;
	s3 =	sadd.s32 s4, s19  }
0x9c: {  	s7 =	simm.s32 $0x0;
	s20 =	sshll.u32 s5, $0x1;
	s5 =	sadd.s32 s21, s3  }
0x9d: {  	[timem:s7], [sflag:s22] =	dma.local [hbm:s5], s20  }
0x9e: {  	_ =	swait.ge [sflag:s22], s20  }
0x9f: {  	s4 =	ssub.s32 $0x0, s20;
	[sflag:s22] =	ssyncset.done $0x0  }
0xa0: {  	[sflag:s22] =	ssyncadd.s32 s4;
	_ =	sdelay $0x1  }
0xa1: {  	s23 =	simm.s32 $0x1B8B  }
0xa2: {  	_ =	swait.ge [sflag:s23], $0x1  }
0xa3: {  	[sflag:s23] =	ssyncset.done $0x0  }
0xa4: {  	s25 =	simm.s32 $0x1B8E;
	s24 =	sld [smem:$0x3FFE];
	[sflag:s23] =	ssyncadd.s32 $0xFFFFFFFF  }
0xa5: {  	s26 =	simm.s32 $execute0_lowered;
	[smem:$0x3FD2] =	sst s25  }
0xa6: {  	s5 =	sshll.u32 s26, $0x1;
	_ =	strace $0x80000046;
	[dreg:$0x1] =	wrdreg $0xFFFFFFFF  }
0xa7: {  	s28 =	simm.s32 $_size_execute0_lowered;
	s3 =	sadd.s32 s3, s5;
	[dreg:$0x0] =	wrdreg $0x0  }
0xa8: {  	s5 =	sshll.u32 s28, $0x1;
	[dreg:$0x2] =	wrdreg s3  }
0xa9: {  	[dreg:$0x3] =	wrdreg s5  }
0xaa: {  	[dreg:$0x4] =	wrdreg $0xC0  }
0xab: {  	_ =	task [dreg:s7], $0x5FFFF  }
0xac: {  	[dreg:$0x1] =	wrdreg $0xFFFFFFFF  }
0xad: {  	[dreg:$0x0] =	wrdreg $0x60  }
0xae: {  	[dreg:$0x2] =	wrdreg s24  }
0xaf: {  	[dreg:$0x3] =	wrdreg s2  }
0xb0: {  	[dreg:$0x4] =	wrdreg $0x2C000  }
0xb1: {  	[dreg:$0x5] =	wrdreg $0x9  }
0xb2: {  	_ =	task.clear_ibuf [dreg:s7], $0x6FFFF;
	_ =	strace $0x90000046  }
0xb3: {  	s29 =	simm.s32 $0x9;
	_ =	strace $0x80000048  }
0xb4: {  	_ =	swait.ge [sflag:s29], $0x1  }
0xb5: {  	[sflag:s29] =	ssyncadd.s32 $0xFFFFFFFF  }
0xb6: {  	_ =	strace $0x90000048  }
0xb7: {  	_ =	sfence  }
0xb8: {  	s30 =	sld [smem:$0x0];
	_ =	sdelay $0x2  }
0xb9: {  	s31 =	sshll.u32 s1, $0xD;
	s1 =	sshrl.u32 s1, $0x2  }
0xba: {  	s3 =	sand.u32 $0x4000, s31;
	s1 =	sadd.s32 s1, s30  }
0xbb: {  	s0 =	sor.u32 s3, s0;
	s1 =	sshll.u32 s1, $0x11  }
0xbc: {  	s0 =	sor.u32 s1, s0  }
0xbd: {  	s0 =	sadd.s32 $0x8F2B, s0  }
0xbe: {  	[sflag:s0] =	ssyncadd.remote.s32 $0x1  }
0xbf: {  	_ =	sfence.sel $0xFFFF  }
0xc0: {  	[dreg:$0x0] =	wrdreg $0xFFFFFFFF;
	(pc) =	sbr.abs _section_cstart, $3  }
0xc1: {  	[dreg:$0x1] =	wrdreg $0xFFFFFFFF  }
0xc2: {  	_ =	task.clear_ibuf [dreg:s7], $0x2FFFF;
	_ =	strace $0x9FFFFFFF  }
0xc3: {  	(tm) =	ssettm $0x7FFFFFFF  }
tec
execute0_lowered:
.L_overlay_start_1:
0x0: {  	(tag) =	ssettag $0x1  }
0x1: {  	s19 =	rddreg [dreg:$0x0]  }
0x2: {  	s4 =	rddreg [dreg:$0x1]  }
0x3: {  	s1 =	rddreg [dreg:$0x2];
	s2 =	simm.s32 $0x0  }
0x4: {  	v0 =	vimm.f32 $1.000000000e+00;
	[smem:$0x7FF] =	sst s2  }
0x5: {  	s0 =	rddreg [dreg:$0x3];
	_ =	strace $0x80000047;
	[tilespmem:$0x2820] =	vst v0  }
0x6: {  	[tilespmem:$0x2830] =	vst v0  }
0x7: {  	[tilespmem:$0x2840] =	vst v0  }
0x8: {  	[tilespmem:$0x2850] =	vst v0  }
0x9: {  	[tilespmem:$0x2860] =	vst v0  }
0xa: {  	[tilespmem:$0x2870] =	vst v0  }
0xb: {  	[tilespmem:$0x2880] =	vst v0  }
0xc: {  	[tilespmem:$0x2890] =	vst v0  }
0xd: {  	[tilespmem:$0x28A0] =	vst v0  }
0xe: {  	[tilespmem:$0x28B0] =	vst v0  }
0xf: {  	[tilespmem:$0x28C0] =	vst v0  }
0x10: {  	[tilespmem:$0x28D0] =	vst v0  }
0x11: {  	[tilespmem:$0x28E0] =	vst v0  }
0x12: {  	[tilespmem:$0x2800] =	vst v0  }
0x13: {  	[tilespmem:$0x2BF0] =	vst v0  }
0x14: {  	[tilespmem:$0x2BE0] =	vst v0  }
0x15: {  	[tilespmem:$0x2BD0] =	vst v0  }
0x16: {  	[tilespmem:$0x2BC0] =	vst v0  }
0x17: {  	[tilespmem:$0x2BB0] =	vst v0  }
0x18: {  	[tilespmem:$0x2BA0] =	vst v0  }
0x19: {  	[tilespmem:$0x2B90] =	vst v0  }
0x1a: {  	[tilespmem:$0x2B80] =	vst v0  }
0x1b: {  	[tilespmem:$0x2B70] =	vst v0  }
0x1c: {  	[tilespmem:$0x2B60] =	vst v0  }
0x1d: {  	[tilespmem:$0x2B50] =	vst v0  }
0x1e: {  	[tilespmem:$0x2B40] =	vst v0  }
0x1f: {  	[tilespmem:$0x2B30] =	vst v0  }
0x20: {  	[tilespmem:$0x2B20] =	vst v0  }
0x21: {  	[tilespmem:$0x2B10] =	vst v0  }
0x22: {  	[tilespmem:$0x2B00] =	vst v0  }
0x23: {  	[tilespmem:$0x2AE0] =	vst v0  }
0x24: {  	[tilespmem:$0x2AF0] =	vst v0  }
0x25: {  	[tilespmem:$0x2AD0] =	vst v0  }
0x26: {  	[tilespmem:$0x2AC0] =	vst v0  }
0x27: {  	[tilespmem:$0x2AB0] =	vst v0  }
0x28: {  	[tilespmem:$0x2AA0] =	vst v0  }
0x29: {  	[tilespmem:$0x2A90] =	vst v0  }
0x2a: {  	[tilespmem:$0x2A80] =	vst v0  }
0x2b: {  	[tilespmem:$0x2A70] =	vst v0  }
0x2c: {  	[tilespmem:$0x2A60] =	vst v0  }
0x2d: {  	[tilespmem:$0x2A50] =	vst v0  }
0x2e: {  	[tilespmem:$0x2A40] =	vst v0  }
0x2f: {  	[tilespmem:$0x2A30] =	vst v0  }
0x30: {  	[tilespmem:$0x2A20] =	vst v0  }
0x31: {  	[tilespmem:$0x2A10] =	vst v0  }
0x32: {  	[tilespmem:$0x2A00] =	vst v0  }
0x33: {  	[tilespmem:$0x29F0] =	vst v0  }
0x34: {  	[tilespmem:$0x29E0] =	vst v0  }
0x35: {  	[tilespmem:$0x29D0] =	vst v0  }
0x36: {  	[tilespmem:$0x29C0] =	vst v0  }
0x37: {  	[tilespmem:$0x29B0] =	vst v0  }
0x38: {  	[tilespmem:$0x29A0] =	vst v0  }
0x39: {  	[tilespmem:$0x2990] =	vst v0  }
0x3a: {  	[tilespmem:$0x2980] =	vst v0  }
0x3b: {  	[tilespmem:$0x2970] =	vst v0  }
0x3c: {  	[tilespmem:$0x2960] =	vst v0  }
0x3d: {  	[tilespmem:$0x2950] =	vst v0  }
0x3e: {  	[tilespmem:$0x2940] =	vst v0  }
0x3f: {  	s5 =	srdreg.scid;
	s3 =	stileid.u32;
	[tilespmem:$0x2930] =	vst v0  }
0x40: {  	s20 =	sand.u32 $0x1, s5;
	s21 =	smul.u32 $0x280, s3;
	[tilespmem:$0x2920] =	vst v0  }
0x41: {  	s5 =	sshll.u32 s20, $0x4;
	[tilespmem:$0x2910] =	vst v0  }
0x42: {  	s30 =	sshll.u32 s3, $0x6;
	[tilespmem:$0x2900] =	vst v0;
	s5 =	sor.u32 s3, s5;
	s29 =	sshrl.u32 s21, $0x3  }
0x43: {  	[tilespmem:$0x28F0] =	vst v0;
	s6 =	sadd.s32 s21, s1;
	s8 =	smul.u32 $0x500, s5;
	s4 =	sadd.s32 s4, s29  }
0x44: {  	[tilespmem:$0x2810] =	vst v0;
	s5 =	sor.u32 $0x1C01, s30;
	s7 =	sshrl.u32 s6, $0x3;
	s6 =	simm.s32 $0x1  }
0x45: {  	[spmem:s7], [sflag:s5] =	dma.local [hbm:s4], $0x50  }
0x46: {  	_ =	swait.ge [sflag:s6], $0x50  }
0x47: {  	s8 =	sadd.s32 s8, s19;
	[sflag:s6] =	ssyncset.done $0x0  }
0x48: {  	s8 =	sadd.s32 $0x1600, s8;
	[sflag:s6] =	ssyncadd.s32 $0xFFFFFFB0  }
0x49: {  	[tilespmem:s2], [sflag:$0x1] =	stream.linear.gather [hbm4b:s8+s2], $0x2800, $0x38;
	[tilespmem:$0x2E80] =	vst v63  }
0x4a: {  	_ =	swait.ge [sflag:s6], $0x2800  }
0x4b: {  	[sflag:s6] =	ssyncset.done $0x0  }
0x4c: {  	[sflag:s6] =	ssyncadd.s32 $0xFFFFD800  }
0x4d: {  	s9 =	simm.s32 $0x400;
	s10 =	simm.s32 $0x2800;
	[bflag:$0x0] =	sbarrier.arrive $0xFFFF  }
0x4e: {  	[spmem:s1] =	stream.indirect.scatter.add.f32 [tilespmem:s10], [sflag:$0x1], $0x1, s2, s9, $0xb8;
	[tilespmem:$0x2E80] =	vst v63  }
0x4f: {  	_ =	swait.ge [sflag:s6], $0x400  }
0x50: {  	[sflag:s6] =	ssyncset.done $0x0  }
0x51: {  	[sflag:s6] =	ssyncadd.s32 $0xFFFFFC00  }
0x52: {  	[spmem:s1] =	stream.indirect.scatter.add.f32 [tilespmem:s10], [sflag:$0x1], $0x1, s9, s9, $0xb8;
	[tilespmem:$0x2E80] =	vst v63  }
0x53: {  	_ =	swait.ge [sflag:s6], $0x400  }
0x54: {  	[sflag:s6] =	ssyncset.done $0x0  }
0x55: {  	s11 =	simm.s32 $0x800;
	[sflag:s6] =	ssyncadd.s32 $0xFFFFFC00  }
0x56: {  	[spmem:s1] =	stream.indirect.scatter.add.f32 [tilespmem:s10], [sflag:$0x1], $0x1, s11, s9, $0xb8;
	[tilespmem:$0x2E80] =	vst v63  }
0x57: {  	_ =	swait.ge [sflag:s6], $0x400  }
0x58: {  	[sflag:s6] =	ssyncset.done $0x0  }
0x59: {  	s12 =	simm.s32 $0xC00;
	[sflag:s6] =	ssyncadd.s32 $0xFFFFFC00  }
0x5a: {  	[spmem:s1] =	stream.indirect.scatter.add.f32 [tilespmem:s10], [sflag:$0x1], $0x1, s12, s9, $0xb8;
	[tilespmem:$0x2E80] =	vst v63  }
0x5b: {  	_ =	swait.ge [sflag:s6], $0x400  }
0x5c: {  	[sflag:s6] =	ssyncset.done $0x0  }
0x5d: {  	s13 =	simm.s32 $0x1000;
	[sflag:s6] =	ssyncadd.s32 $0xFFFFFC00  }
0x5e: {  	[spmem:s1] =	stream.indirect.scatter.add.f32 [tilespmem:s10], [sflag:$0x1], $0x1, s13, s9, $0xb8;
	[tilespmem:$0x2E80] =	vst v63  }
0x5f: {  	_ =	swait.ge [sflag:s6], $0x400  }
0x60: {  	[sflag:s6] =	ssyncset.done $0x0  }
0x61: {  	s14 =	simm.s32 $0x1400;
	[sflag:s6] =	ssyncadd.s32 $0xFFFFFC00  }
0x62: {  	[spmem:s1] =	stream.indirect.scatter.add.f32 [tilespmem:s10], [sflag:$0x1], $0x1, s14, s9, $0xb8;
	[tilespmem:$0x2E80] =	vst v63  }
0x63: {  	_ =	swait.ge [sflag:s6], $0x400  }
0x64: {  	[sflag:s6] =	ssyncset.done $0x0  }
0x65: {  	s15 =	simm.s32 $0x1800;
	[sflag:s6] =	ssyncadd.s32 $0xFFFFFC00  }
0x66: {  	[spmem:s1] =	stream.indirect.scatter.add.f32 [tilespmem:s10], [sflag:$0x1], $0x1, s15, s9, $0xb8;
	[tilespmem:$0x2E80] =	vst v63  }
0x67: {  	_ =	swait.ge [sflag:s6], $0x400  }
0x68: {  	[sflag:s6] =	ssyncset.done $0x0  }
0x69: {  	s16 =	simm.s32 $0x1C00;
	[sflag:s6] =	ssyncadd.s32 $0xFFFFFC00  }
0x6a: {  	[spmem:s1] =	stream.indirect.scatter.add.f32 [tilespmem:s10], [sflag:$0x1], $0x1, s16, s9, $0xb8;
	[tilespmem:$0x2E80] =	vst v63  }
0x6b: {  	_ =	swait.ge [sflag:s6], $0x400  }
0x6c: {  	[sflag:s6] =	ssyncset.done $0x0  }
0x6d: {  	s17 =	simm.s32 $0x2000;
	[sflag:s6] =	ssyncadd.s32 $0xFFFFFC00  }
0x6e: {  	[spmem:s1] =	stream.indirect.scatter.add.f32 [tilespmem:s10], [sflag:$0x1], $0x1, s17, s9, $0xb8;
	[tilespmem:$0x2E80] =	vst v63  }
0x6f: {  	s22 =	smul.u32 $0x2800, s20;
	s20 =	ssub.s32 $0x2, s20;
	_ =	swait.ge [sflag:s6], $0x400  }
0x70: {  	s31 =	sshrl.u32 s20, $0x1;
	[sflag:s6] =	ssyncset.done $0x0  }
0x71: {  	s18 =	simm.s32 $0x2400;
	s20 =	ssub.s32 s20, s31;
	[sflag:s6] =	ssyncadd.s32 $0xFFFFFC00  }
0x72: {  	[spmem:s1] =	stream.indirect.scatter.add.f32 [tilespmem:s10], [sflag:$0x1], $0x1, s18, s9, $0xb8;
	[tilespmem:$0x2E80] =	vst v63  }
0x73: {  	s21 =	sadd.s32 s21, s22;
	s20 =	smax.u32 s20, $0x1;
	_ =	swait.ge [sflag:s6], $0x400  }
0x74: {  	s21 =	sshrl.u32 s21, $0x3;
	p0 =	sne.s32 s20, $0x1;
	[sflag:s6] =	ssyncset.done $0x0  }
.Ltmp0:
0x75: {  	s19 =	sadd.s32 s21, s19;
	[sflag:s6] =	ssyncadd.s32 $0xFFFFFC00;
	(pc) =	sbr.rel @!p0 .LBB2_2-.Ltmp0, $4  }
0x76: {  	s19 =	sadd.s32 $0xB600, s19;
	[bflag:$0x0] =	sbarrier.arrive $0xFFFF  }
0x77: {  	[hbm:s19], [sflag:s5] =	dma.local [spmem:s7], $0x50  }
0x78: {  	_ =	swait.ge [sflag:s6], $0x50  }
0x79: {  	s20 =	sadd.s32 $0xFFFFFFFF, s20;
	[sflag:s6] =	ssyncset.done $0x0  }
.LBB2_1:
0x7a: {  	p0 =	sne.s32 s20, $0x1;
	s20 =	sadd.s32 $0xFFFFFFFF, s20;
	[sflag:s6] =	ssyncadd.s32 $0xFFFFFFB0  }
0x7b: {  	[tilespmem:$0x2820] =	vst v0  }
0x7c: {  	[tilespmem:$0x2830] =	vst v0  }
0x7d: {  	[tilespmem:$0x2840] =	vst v0  }
0x7e: {  	[tilespmem:$0x2850] =	vst v0  }
0x7f: {  	[tilespmem:$0x2860] =	vst v0  }
0x80: {  	[tilespmem:$0x2870] =	vst v0  }
0x81: {  	[tilespmem:$0x2880] =	vst v0  }
0x82: {  	[tilespmem:$0x2890] =	vst v0  }
0x83: {  	[tilespmem:$0x28A0] =	vst v0  }
0x84: {  	[tilespmem:$0x28B0] =	vst v0  }
0x85: {  	[tilespmem:$0x28C0] =	vst v0  }
0x86: {  	[tilespmem:$0x28D0] =	vst v0  }
0x87: {  	[tilespmem:$0x28E0] =	vst v0  }
0x88: {  	[tilespmem:$0x2800] =	vst v0  }
0x89: {  	[tilespmem:$0x2BF0] =	vst v0  }
0x8a: {  	[tilespmem:$0x2BE0] =	vst v0  }
0x8b: {  	[tilespmem:$0x2BD0] =	vst v0  }
0x8c: {  	[tilespmem:$0x2BC0] =	vst v0  }
0x8d: {  	[tilespmem:$0x2BB0] =	vst v0  }
0x8e: {  	[tilespmem:$0x2BA0] =	vst v0  }
0x8f: {  	[tilespmem:$0x2B90] =	vst v0  }
0x90: {  	[tilespmem:$0x2B80] =	vst v0  }
0x91: {  	[tilespmem:$0x2B70] =	vst v0  }
0x92: {  	[tilespmem:$0x2B60] =	vst v0  }
0x93: {  	[tilespmem:$0x2B50] =	vst v0  }
0x94: {  	[tilespmem:$0x2B40] =	vst v0  }
0x95: {  	[tilespmem:$0x2B30] =	vst v0  }
0x96: {  	[tilespmem:$0x2B20] =	vst v0  }
0x97: {  	[tilespmem:$0x2B10] =	vst v0  }
0x98: {  	[tilespmem:$0x2B00] =	vst v0  }
0x99: {  	[tilespmem:$0x2AE0] =	vst v0  }
0x9a: {  	[tilespmem:$0x2AF0] =	vst v0  }
0x9b: {  	[tilespmem:$0x2AD0] =	vst v0  }
0x9c: {  	[tilespmem:$0x2AC0] =	vst v0  }
0x9d: {  	[tilespmem:$0x2AB0] =	vst v0  }
0x9e: {  	[tilespmem:$0x2AA0] =	vst v0  }
0x9f: {  	[tilespmem:$0x2A90] =	vst v0  }
0xa0: {  	[tilespmem:$0x2A80] =	vst v0  }
0xa1: {  	[tilespmem:$0x2A70] =	vst v0  }
0xa2: {  	[tilespmem:$0x2A60] =	vst v0  }
0xa3: {  	[tilespmem:$0x2A50] =	vst v0  }
0xa4: {  	[tilespmem:$0x2A40] =	vst v0  }
0xa5: {  	[tilespmem:$0x2A30] =	vst v0  }
0xa6: {  	[tilespmem:$0x2A20] =	vst v0  }
0xa7: {  	[tilespmem:$0x2A10] =	vst v0  }
0xa8: {  	[tilespmem:$0x2A00] =	vst v0  }
0xa9: {  	[tilespmem:$0x29F0] =	vst v0  }
0xaa: {  	[tilespmem:$0x29E0] =	vst v0  }
0xab: {  	[tilespmem:$0x29D0] =	vst v0  }
0xac: {  	[tilespmem:$0x29C0] =	vst v0  }
0xad: {  	[tilespmem:$0x29B0] =	vst v0  }
0xae: {  	[tilespmem:$0x29A0] =	vst v0  }
0xaf: {  	[tilespmem:$0x2990] =	vst v0  }
0xb0: {  	[tilespmem:$0x2980] =	vst v0  }
0xb1: {  	[tilespmem:$0x2970] =	vst v0  }
0xb2: {  	[tilespmem:$0x2960] =	vst v0  }
0xb3: {  	[tilespmem:$0x2950] =	vst v0  }
0xb4: {  	[tilespmem:$0x2940] =	vst v0  }
0xb5: {  	[tilespmem:$0x2930] =	vst v0  }
0xb6: {  	[tilespmem:$0x2920] =	vst v0  }
0xb7: {  	[tilespmem:$0x2910] =	vst v0  }
0xb8: {  	[tilespmem:$0x2900] =	vst v0  }
0xb9: {  	[tilespmem:$0x28F0] =	vst v0  }
0xba: {  	[tilespmem:$0x2810] =	vst v0  }
0xbb: {  	[spmem:s7], [sflag:s5] =	dma.local [hbm:s4], $0x50  }
0xbc: {  	_ =	swait.ge [sflag:s6], $0x50  }
0xbd: {  	[sflag:s6] =	ssyncset.done $0x0  }
0xbe: {  	[sflag:s6] =	ssyncadd.s32 $0xFFFFFFB0  }
0xbf: {  	[tilespmem:s2], [sflag:$0x1] =	stream.linear.gather [hbm4b:s8+s2], $0x2800, $0x38;
	[tilespmem:$0x2E80] =	vst v63  }
0xc0: {  	_ =	swait.ge [sflag:s6], $0x2800  }
0xc1: {  	[sflag:s6] =	ssyncset.done $0x0  }
0xc2: {  	[sflag:s6] =	ssyncadd.s32 $0xFFFFD800  }
0xc3: {  	[bflag:$0x0] =	sbarrier.arrive $0xFFFF  }
0xc4: {  	[spmem:s1] =	stream.indirect.scatter.add.f32 [tilespmem:s10], [sflag:$0x1], $0x1, s2, s9, $0xb8;
	[tilespmem:$0x2E80] =	vst v63  }
0xc5: {  	_ =	swait.ge [sflag:s6], $0x400  }
0xc6: {  	[sflag:s6] =	ssyncset.done $0x0  }
0xc7: {  	[sflag:s6] =	ssyncadd.s32 $0xFFFFFC00  }
0xc8: {  	[spmem:s1] =	stream.indirect.scatter.add.f32 [tilespmem:s10], [sflag:$0x1], $0x1, s9, s9, $0xb8;
	[tilespmem:$0x2E80] =	vst v63  }
0xc9: {  	_ =	swait.ge [sflag:s6], $0x400  }
0xca: {  	[sflag:s6] =	ssyncset.done $0x0  }
0xcb: {  	[sflag:s6] =	ssyncadd.s32 $0xFFFFFC00  }
0xcc: {  	[spmem:s1] =	stream.indirect.scatter.add.f32 [tilespmem:s10], [sflag:$0x1], $0x1, s11, s9, $0xb8;
	[tilespmem:$0x2E80] =	vst v63  }
0xcd: {  	_ =	swait.ge [sflag:s6], $0x400  }
0xce: {  	[sflag:s6] =	ssyncset.done $0x0  }
0xcf: {  	[sflag:s6] =	ssyncadd.s32 $0xFFFFFC00  }
0xd0: {  	[spmem:s1] =	stream.indirect.scatter.add.f32 [tilespmem:s10], [sflag:$0x1], $0x1, s12, s9, $0xb8;
	[tilespmem:$0x2E80] =	vst v63  }
0xd1: {  	_ =	swait.ge [sflag:s6], $0x400  }
0xd2: {  	[sflag:s6] =	ssyncset.done $0x0  }
0xd3: {  	[sflag:s6] =	ssyncadd.s32 $0xFFFFFC00  }
0xd4: {  	[spmem:s1] =	stream.indirect.scatter.add.f32 [tilespmem:s10], [sflag:$0x1], $0x1, s13, s9, $0xb8;
	[tilespmem:$0x2E80] =	vst v63  }
0xd5: {  	_ =	swait.ge [sflag:s6], $0x400  }
0xd6: {  	[sflag:s6] =	ssyncset.done $0x0  }
0xd7: {  	[sflag:s6] =	ssyncadd.s32 $0xFFFFFC00  }
0xd8: {  	[spmem:s1] =	stream.indirect.scatter.add.f32 [tilespmem:s10], [sflag:$0x1], $0x1, s14, s9, $0xb8;
	[tilespmem:$0x2E80] =	vst v63  }
0xd9: {  	_ =	swait.ge [sflag:s6], $0x400  }
0xda: {  	[sflag:s6] =	ssyncset.done $0x0  }
0xdb: {  	[sflag:s6] =	ssyncadd.s32 $0xFFFFFC00  }
0xdc: {  	[spmem:s1] =	stream.indirect.scatter.add.f32 [tilespmem:s10], [sflag:$0x1], $0x1, s15, s9, $0xb8;
	[tilespmem:$0x2E80] =	vst v63  }
0xdd: {  	_ =	swait.ge [sflag:s6], $0x400  }
0xde: {  	[sflag:s6] =	ssyncset.done $0x0  }
0xdf: {  	[sflag:s6] =	ssyncadd.s32 $0xFFFFFC00  }
0xe0: {  	[spmem:s1] =	stream.indirect.scatter.add.f32 [tilespmem:s10], [sflag:$0x1], $0x1, s16, s9, $0xb8;
	[tilespmem:$0x2E80] =	vst v63  }
0xe1: {  	_ =	swait.ge [sflag:s6], $0x400  }
0xe2: {  	[sflag:s6] =	ssyncset.done $0x0  }
0xe3: {  	[sflag:s6] =	ssyncadd.s32 $0xFFFFFC00  }
0xe4: {  	[spmem:s1] =	stream.indirect.scatter.add.f32 [tilespmem:s10], [sflag:$0x1], $0x1, s17, s9, $0xb8;
	[tilespmem:$0x2E80] =	vst v63  }
0xe5: {  	_ =	swait.ge [sflag:s6], $0x400  }
0xe6: {  	[sflag:s6] =	ssyncset.done $0x0  }
0xe7: {  	[sflag:s6] =	ssyncadd.s32 $0xFFFFFC00  }
0xe8: {  	[spmem:s1] =	stream.indirect.scatter.add.f32 [tilespmem:s10], [sflag:$0x1], $0x1, s18, s9, $0xb8;
	[tilespmem:$0x2E80] =	vst v63  }
0xe9: {  	_ =	swait.ge [sflag:s6], $0x400  }
0xea: {  	[sflag:s6] =	ssyncset.done $0x0  }
.Ltmp1:
0xeb: {  	[sflag:s6] =	ssyncadd.s32 $0xFFFFFC00;
	(pc) =	sbr.rel @p0 .LBB2_1-.Ltmp1, $4  }
0xec: {  	[bflag:$0x0] =	sbarrier.arrive $0xFFFF  }
0xed: {  	[hbm:s19], [sflag:s5] =	dma.local [spmem:s7], $0x50  }
0xee: {  	_ =	swait.ge [sflag:s6], $0x50  }
0xef: {  	[sflag:s6] =	ssyncset.done $0x0  }
.LBB2_2:
0xf0: {  	[sflag:s6] =	ssyncadd.s32 $0xFFFFFFB0  }
0xf1: {  	_ =	sfence.sel $0x180000  }
0xf2: {  	[bflag:$0x0] =	sbarrier.arrive $0xFFFF  }
0xf3: {  	p0 =	sne.s32 s3, $0x0;
	_ =	strace $0x90000047  }
0xf4: {  	s0 =	sadd.s32 @!p0 $0x100000, s0;
	[bflag:$0x2] =	sbarrier.arrive $0xFFFF  }
0xf5: {  	[sflag:s0] =	ssyncadd.tile.s32 @!p0 $0x1;
	_ =	shalt  }
.Lfunc_end2:
_tile_overlayer_lowered:
.L_overlay_start_2:
0xf6: {  	(tag) =	ssettag $0x2  }
0xf7: {  	s0 =	rddreg [dreg:$0x0];
	s2 =	stileid.u32  }
0xf8: {  	s1 =	rddreg [dreg:$0x1];
	p0 =	sne.s32 s2, $0x0  }
0xf9: {  	s3 =	rddreg [dreg:$0x2];
	[bflag:$0x3] =	sbarrier.arrive $0xFFFF;
	s2 =	simm.s32 @!p0 $0x1C01  }
0xfa: {  	[timem:s3], [sflag:s2] =	dma.local @!p0 [hbm:s0], s1  }
0xfb: {  	s0 =	simm.s32 @!p0 $0x1  }
0xfc: {  	_ =	swait.ge @!p0 [sflag:s0], s1  }
0xfd: {  	s1 =	ssub.s32 @!p0 $0x0, s1;
	[sflag:s0] =	ssyncset.done @!p0 $0x0  }
0xfe: {  	[sflag:s0] =	ssyncadd.s32 @!p0 s1  }
0xff: {  	[bflag:$0x3] =	sbarrier.arrive $0xFFFF  }
0x100: {  	_ =	shalt  }

</sc_bundles>
